<compile_context>
chip_gen: v7x
topology: tpu7x:2x2x1
jax: 0.10.2.dev20260603
libtpu: 0.0.44.dev20260713+nightly
codegen_flags: <defaults>
</compile_context>

<pallas_src>
import functools

import jax
import jax.numpy as jnp
from jax import lax
from jax.experimental import pallas as pl
from jax.experimental.pallas import tpu as pltpu
from jax.experimental.pallas import tpu_sc as plsc

BATCH = 16384
FEAT = 64
NCLASS = 100000
P0 = 33280
P1 = 66560
PMAIN = 99968 - P1
CBUF = PMAIN + 128
LANES = 16
NC = 2
NS = 16
NW = NC * NS
RPW = FEAT // NW
NPIECE = 3
NPASS = RPW * NPIECE
UNROLL = 8
NITER = BATCH // (LANES * UNROLL)

_LO = (0, P0, P1)
_LEN = (P0, P1 - P0, PMAIN)


def _make_kernel():
    mesh = plsc.VectorSubcoreMesh(core_axis_name="c", subcore_axis_name="s")

    @functools.partial(
        pl.kernel,
        mesh=mesh,
        compiler_params=pltpu.CompilerParams(needs_layout_passes=False),
        out_type=jax.ShapeDtypeStruct((NW, LANES), jnp.float32),
        scratch_types=[
            pltpu.VMEM((CBUF,), jnp.float32),
            pltpu.VMEM((CBUF,), jnp.float32),
            pltpu.VMEM((BATCH,), jnp.int32),
            pltpu.VMEM((BATCH,), jnp.float32),
            pltpu.VMEM((BATCH,), jnp.float32),
            pltpu.VMEM((LANES,), jnp.float32),
            pltpu.SemaphoreType.DMA,
            pltpu.SemaphoreType.DMA,
            pltpu.SemaphoreType.DMA,
            pltpu.SemaphoreType.DMA,
            pltpu.SemaphoreType.DMA,
        ],
    )
    def _k(xt_hbm, labels_hbm, ct_hbm, tail_hbm, out_hbm, c0_v, c1_v,
           labels_v, x0_v, x1_v, acc_v, sc0, sc1, sx0, sx1, sl):
        wid = lax.axis_index("c") * NS + lax.axis_index("s")
        cbufs, csems = (c0_v, c1_v), (sc0, sc1)
        xbufs, xsems = (x0_v, x1_v), (sx0, sx1)

        def f_of(q):
            return wid * RPW + q // NPIECE

        def c_fire(q):
            p = q % NPIECE
            buf, sem = cbufs[q % 2], csems[q % 2]
            f = f_of(q)
            if p < NPIECE - 1:
                return (pltpu.async_copy(
                    ct_hbm.at[f, pl.ds(_LO[p], _LEN[p])],
                    buf.at[pl.ds(0, _LEN[p])], sem),)
            return (
                pltpu.async_copy(
                    ct_hbm.at[f, pl.ds(P1, PMAIN)],
                    buf.at[pl.ds(0, PMAIN)], sem),
                pltpu.async_copy(
                    tail_hbm.at[f], buf.at[pl.ds(PMAIN, 128)], sem),
            )

        def x_fire(r):
            return pltpu.async_copy(
                xt_hbm.at[wid * RPW + r], xbufs[r % 2], xsems[r % 2])

        cp_l = pltpu.async_copy(labels_hbm, labels_v, sl)
        c_pend = c_fire(0)
        x_pend = x_fire(0)
        cp_l.wait()

        accs = tuple(jnp.zeros((LANES,), jnp.float32) for _ in range(UNROLL))
        for q in range(NPASS):
            p = q % NPIECE
            if q + 1 < NPASS:
                c_next = c_fire(q + 1)
            if p == 0:
                x_pend.wait()
                if q // NPIECE + 1 < RPW:
                    x_nextrow = x_fire(q // NPIECE + 1)
            for cp in c_pend:
                cp.wait()
            cref = cbufs[q % 2]
            xbuf = xbufs[(q // NPIECE) % 2]

            @plsc.parallel_loop(0, NITER, carry=accs)
            def accs(i, accs, p=p, xbuf=xbuf, cref=cref):
                outs = []
                for u in range(UNROLL):
                    o = i * (LANES * UNROLL) + u * LANES
                    idx = labels_v[pl.ds(o, LANES)]
                    xv = xbuf[pl.ds(o, LANES)]
                    if p == 0:
                        mask = idx < P0
                        rel = idx
                    elif p == 1:
                        rel = idx - P0
                        mask = rel.astype(jnp.uint32) < jnp.uint32(P1 - P0)
                    else:
                        mask = idx >= P1
                        rel = idx - P1
                    c = plsc.load_gather(cref, [rel], mask=mask)
                    d = jnp.where(mask, xv - c, 0.0)
                    outs.append(accs[u] + d * d)
                return tuple(outs)

            if q + 1 < NPASS:
                c_pend = c_next
            if p == 0 and q // NPIECE + 1 < RPW:
                x_pend = x_nextrow
        acc_v[...] = sum(accs[1:], accs[0]) * 0.5
        pltpu.sync_copy(acc_v, out_hbm.at[wid])

    return _k


_sc_kernel = _make_kernel()


def kernel(x, labels, centers):
    tail = jnp.zeros((FEAT, 128), jnp.float32)
    tail = lax.dynamic_update_slice(tail, centers[P1 + PMAIN:].T, (0, 0))
    partials = _sc_kernel(x.T, labels.astype(jnp.int32), centers.T, tail)
    return jnp.sum(partials)

# --- scband reference (transcript-rebuilt; emitter-appended) ---
"""Pipeline reference for scband-center-loss-39968965657096 (READ-ONLY COPY).

The authoritative reference and input builder live on the scoring server;
editing this copy changes nothing except your own understanding.
"""

import jax, jax.numpy as jnp
import numpy as np

NUM_CLASSES = 100000
FEAT_DIM = 64
BATCH = 16384

def setup_inputs(seed: int = 0) -> dict:
    key = jax.random.key(seed)
    k1, k2, k3 = jax.random.split(key, 3)
    x = jax.random.normal(k1, (BATCH, FEAT_DIM), dtype=jnp.float32)
    labels = jax.random.randint(k2, (BATCH,), 0, NUM_CLASSES, dtype=jnp.int64)
    centers = jax.random.normal(k3, (NUM_CLASSES, FEAT_DIM), dtype=jnp.float32)
    return {"x": x, "labels": labels, "centers": centers}

def reference(x, labels, centers):
    # centers.index_select(0, labels) -> gather rows
    centers_batch = jnp.take(centers, labels, axis=0)
    loss = jnp.sum(jnp.square(x - centers_batch)) / 2.0
    return loss

if __name__ == "__main__":
    import jax
    _d = setup_inputs()
    print(jax.jit(kernel)(*tuple(_d.values())))

</pallas_src>

<mosaic_0001>
#map = affine_map<(d0, d1) -> (0, 0)>
#map1 = affine_map<(d0, d1) -> (0)>
module attributes {stable_mosaic.version = 14 : i64} {
  func.func @_k(%arg0: i32, %arg1: i32, %arg2: memref<64x16384xf32, #tpu.memory_space<hbm>>, %arg3: memref<16384xi32, #tpu.memory_space<hbm>>, %arg4: memref<64x100000xf32, #tpu.memory_space<hbm>>, %arg5: memref<64x128xf32, #tpu.memory_space<hbm>>, %arg6: memref<32x16xf32, #tpu.memory_space<hbm>>, %arg7: memref<33536xf32, #tpu.memory_space<vmem>>, %arg8: memref<33536xf32, #tpu.memory_space<vmem>>, %arg9: memref<16384xi32, #tpu.memory_space<vmem>>, %arg10: memref<16384xf32, #tpu.memory_space<vmem>>, %arg11: memref<16384xf32, #tpu.memory_space<vmem>>, %arg12: memref<16xf32, #tpu.memory_space<vmem>>, %arg13: memref<!tpu.dma_semaphore, #tpu.memory_space<semaphore_mem>>, %arg14: memref<!tpu.dma_semaphore, #tpu.memory_space<semaphore_mem>>, %arg15: memref<!tpu.dma_semaphore, #tpu.memory_space<semaphore_mem>>, %arg16: memref<!tpu.dma_semaphore, #tpu.memory_space<semaphore_mem>>, %arg17: memref<!tpu.dma_semaphore, #tpu.memory_space<semaphore_mem>>) attributes {dimension_semantics = [#tpu.dimension_semantics<core_parallel>, #tpu.dimension_semantics<subcore_parallel>], iteration_bounds = array<i64: 2, 16>, scalar_prefetch = 0 : i64, scratch_operands = 11 : i64, tpu.core_type = #tpu.core_type<sc_vector_subcore>, window_params = [{transform_indices = #map}, {transform_indices = #map1}, {transform_indices = #map}, {transform_indices = #map}, {transform_indices = #map}]} {
    %mul3A = arith.constant 16 : i32
    %mul3A_0 = arith.muli %arg0, %mul3A : i32
    %add3A = arith.addi %mul3A_0, %arg1 : i32
    tpu.enqueue_dma source(%arg3 : memref<16384xi32, #tpu.memory_space<hbm>>) target(%arg9 : memref<16384xi32, #tpu.memory_space<vmem>>) target_semaphore(%arg17 : memref<!tpu.dma_semaphore, #tpu.memory_space<semaphore_mem>>)
    %mul3A_1 = arith.constant 2 : i32
    %mul3A_2 = arith.muli %add3A, %mul3A_1 : i32
    %add3A_3 = arith.constant 0 : i32
    %add3A_4 = arith.addi %mul3A_2, %add3A_3 : i32
    %dma_start3A = arith.constant 0 : i32
    %dma_start3A_5 = tpu.memref_slice %arg7[%dma_start3A] : memref<33536xf32, #tpu.memory_space<vmem>> -> memref<33280xf32, #tpu.memory_space<vmem>>
    %dma_start3A_6 = arith.constant 0 : i32
    %dma_start3A_7 = tpu.memref_slice %arg4[%add3A_4, %dma_start3A_6] : memref<64x100000xf32, #tpu.memory_space<hbm>> -> memref<1x33280xf32, #tpu.memory_space<hbm>>
    %dma_start3A_8 = tpu.memref_squeeze %dma_start3A_7 : memref<1x33280xf32, #tpu.memory_space<hbm>> -> memref<33280xf32, #tpu.memory_space<hbm>>
    %dma_start3A_9 = arith.constant 0 : i32
    %dma_start3A_10 = tpu.memref_slice %arg7[%dma_start3A_9] : memref<33536xf32, #tpu.memory_space<vmem>> -> memref<33280xf32, #tpu.memory_space<vmem>>
    %dma_start3A_11 = arith.constant 0 : i32
    %dma_start3A_12 = tpu.memref_slice %arg4[%add3A_4, %dma_start3A_11] : memref<64x100000xf32, #tpu.memory_space<hbm>> -> memref<1x33280xf32, #tpu.memory_space<hbm>>
    %dma_start3A_13 = tpu.memref_squeeze %dma_start3A_12 : memref<1x33280xf32, #tpu.memory_space<hbm>> -> memref<33280xf32, #tpu.memory_space<hbm>>
    tpu.enqueue_dma source(%dma_start3A_13 : memref<33280xf32, #tpu.memory_space<hbm>>) target(%dma_start3A_10 : memref<33280xf32, #tpu.memory_space<vmem>>) target_semaphore(%arg13 : memref<!tpu.dma_semaphore, #tpu.memory_space<semaphore_mem>>)
    %mul3A_14 = arith.constant 2 : i32
    %mul3A_15 = arith.muli %add3A, %mul3A_14 : i32
    %add3A_16 = arith.constant 0 : i32
    %add3A_17 = arith.addi %mul3A_15, %add3A_16 : i32
    %dma_start3A_18 = arith.constant 0 : i32
    %dma_start3A_19 = tpu.memref_slice %arg2[%add3A_17, %dma_start3A_18] : memref<64x16384xf32, #tpu.memory_space<hbm>> -> memref<1x16384xf32, #tpu.memory_space<hbm>>
    %dma_start3A_20 = tpu.memref_squeeze %dma_start3A_19 : memref<1x16384xf32, #tpu.memory_space<hbm>> -> memref<16384xf32, #tpu.memory_space<hbm>>
    %dma_start3A_21 = arith.constant 0 : i32
    %dma_start3A_22 = tpu.memref_slice %arg2[%add3A_17, %dma_start3A_21] : memref<64x16384xf32, #tpu.memory_space<hbm>> -> memref<1x16384xf32, #tpu.memory_space<hbm>>
    %dma_start3A_23 = tpu.memref_squeeze %dma_start3A_22 : memref<1x16384xf32, #tpu.memory_space<hbm>> -> memref<16384xf32, #tpu.memory_space<hbm>>
    tpu.enqueue_dma source(%dma_start3A_23 : memref<16384xf32, #tpu.memory_space<hbm>>) target(%arg10 : memref<16384xf32, #tpu.memory_space<vmem>>) target_semaphore(%arg15 : memref<!tpu.dma_semaphore, #tpu.memory_space<semaphore_mem>>)
    tpu.wait_dma2 semaphore(%arg17 : memref<!tpu.dma_semaphore, #tpu.memory_space<semaphore_mem>>) src(%arg3 : memref<16384xi32, #tpu.memory_space<hbm>>) dst(%arg9 : memref<16384xi32, #tpu.memory_space<vmem>>)
    %broadcast_in_dim3A = arith.constant 0.000000e+00 : f32
    %broadcast_in_dim3A_24 = vector.broadcast %broadcast_in_dim3A : f32 to vector<16xf32>
    %broadcast_in_dim3A_25 = arith.constant 0.000000e+00 : f32
    %broadcast_in_dim3A_26 = vector.broadcast %broadcast_in_dim3A_25 : f32 to vector<16xf32>
    %broadcast_in_dim3A_27 = arith.constant 0.000000e+00 : f32
    %broadcast_in_dim3A_28 = vector.broadcast %broadcast_in_dim3A_27 : f32 to vector<16xf32>
    %broadcast_in_dim3A_29 = arith.constant 0.000000e+00 : f32
    %broadcast_in_dim3A_30 = vector.broadcast %broadcast_in_dim3A_29 : f32 to vector<16xf32>
    %broadcast_in_dim3A_31 = arith.constant 0.000000e+00 : f32
    %broadcast_in_dim3A_32 = vector.broadcast %broadcast_in_dim3A_31 : f32 to vector<16xf32>
    %broadcast_in_dim3A_33 = arith.constant 0.000000e+00 : f32
    %broadcast_in_dim3A_34 = vector.broadcast %broadcast_in_dim3A_33 : f32 to vector<16xf32>
    %broadcast_in_dim3A_35 = arith.constant 0.000000e+00 : f32
    %broadcast_in_dim3A_36 = vector.broadcast %broadcast_in_dim3A_35 : f32 to vector<16xf32>
    %broadcast_in_dim3A_37 = arith.constant 0.000000e+00 : f32
    %broadcast_in_dim3A_38 = vector.broadcast %broadcast_in_dim3A_37 : f32 to vector<16xf32>
    %mul3A_39 = arith.constant 2 : i32
    %mul3A_40 = arith.muli %add3A, %mul3A_39 : i32
    %add3A_41 = arith.constant 0 : i32
    %add3A_42 = arith.addi %mul3A_40, %add3A_41 : i32
    %dma_start3A_43 = arith.constant 0 : i32
    %dma_start3A_44 = tpu.memref_slice %arg8[%dma_start3A_43] : memref<33536xf32, #tpu.memory_space<vmem>> -> memref<33280xf32, #tpu.memory_space<vmem>>
    %dma_start3A_45 = arith.constant 33280 : i32
    %dma_start3A_46 = tpu.memref_slice %arg4[%add3A_42, %dma_start3A_45] : memref<64x100000xf32, #tpu.memory_space<hbm>> -> memref<1x33280xf32, #tpu.memory_space<hbm>>
    %dma_start3A_47 = tpu.memref_squeeze %dma_start3A_46 : memref<1x33280xf32, #tpu.memory_space<hbm>> -> memref<33280xf32, #tpu.memory_space<hbm>>
    %dma_start3A_48 = arith.constant 0 : i32
    %dma_start3A_49 = tpu.memref_slice %arg8[%dma_start3A_48] : memref<33536xf32, #tpu.memory_space<vmem>> -> memref<33280xf32, #tpu.memory_space<vmem>>
    %dma_start3A_50 = arith.constant 33280 : i32
    %dma_start3A_51 = tpu.memref_slice %arg4[%add3A_42, %dma_start3A_50] : memref<64x100000xf32, #tpu.memory_space<hbm>> -> memref<1x33280xf32, #tpu.memory_space<hbm>>
    %dma_start3A_52 = tpu.memref_squeeze %dma_start3A_51 : memref<1x33280xf32, #tpu.memory_space<hbm>> -> memref<33280xf32, #tpu.memory_space<hbm>>
    tpu.enqueue_dma source(%dma_start3A_52 : memref<33280xf32, #tpu.memory_space<hbm>>) target(%dma_start3A_49 : memref<33280xf32, #tpu.memory_space<vmem>>) target_semaphore(%arg14 : memref<!tpu.dma_semaphore, #tpu.memory_space<semaphore_mem>>)
    %dma_wait3A = arith.constant 0 : i32
    %dma_wait3A_53 = tpu.memref_slice %arg2[%add3A_17, %dma_wait3A] : memref<64x16384xf32, #tpu.memory_space<hbm>> -> memref<1x16384xf32, #tpu.memory_space<hbm>>
    %dma_wait3A_54 = tpu.memref_squeeze %dma_wait3A_53 : memref<1x16384xf32, #tpu.memory_space<hbm>> -> memref<16384xf32, #tpu.memory_space<hbm>>
    %dma_wait3A_55 = arith.constant 0 : i32
    %dma_wait3A_56 = tpu.memref_slice %arg2[%add3A_17, %dma_wait3A_55] : memref<64x16384xf32, #tpu.memory_space<hbm>> -> memref<1x16384xf32, #tpu.memory_space<hbm>>
    %dma_wait3A_57 = tpu.memref_squeeze %dma_wait3A_56 : memref<1x16384xf32, #tpu.memory_space<hbm>> -> memref<16384xf32, #tpu.memory_space<hbm>>
    tpu.wait_dma2 semaphore(%arg15 : memref<!tpu.dma_semaphore, #tpu.memory_space<semaphore_mem>>) src(%dma_wait3A_57 : memref<16384xf32, #tpu.memory_space<hbm>>) dst(%arg10 : memref<16384xf32, #tpu.memory_space<vmem>>)
    %mul3A_58 = arith.constant 2 : i32
    %mul3A_59 = arith.muli %add3A, %mul3A_58 : i32
    %add3A_60 = arith.constant 1 : i32
    %add3A_61 = arith.addi %mul3A_59, %add3A_60 : i32
    %dma_start3A_62 = arith.constant 0 : i32
    %dma_start3A_63 = tpu.memref_slice %arg2[%add3A_61, %dma_start3A_62] : memref<64x16384xf32, #tpu.memory_space<hbm>> -> memref<1x16384xf32, #tpu.memory_space<hbm>>
    %dma_start3A_64 = tpu.memref_squeeze %dma_start3A_63 : memref<1x16384xf32, #tpu.memory_space<hbm>> -> memref<16384xf32, #tpu.memory_space<hbm>>
    %dma_start3A_65 = arith.constant 0 : i32
    %dma_start3A_66 = tpu.memref_slice %arg2[%add3A_61, %dma_start3A_65] : memref<64x16384xf32, #tpu.memory_space<hbm>> -> memref<1x16384xf32, #tpu.memory_space<hbm>>
    %dma_start3A_67 = tpu.memref_squeeze %dma_start3A_66 : memref<1x16384xf32, #tpu.memory_space<hbm>> -> memref<16384xf32, #tpu.memory_space<hbm>>
    tpu.enqueue_dma source(%dma_start3A_67 : memref<16384xf32, #tpu.memory_space<hbm>>) target(%arg11 : memref<16384xf32, #tpu.memory_space<vmem>>) target_semaphore(%arg16 : memref<!tpu.dma_semaphore, #tpu.memory_space<semaphore_mem>>)
    %dma_wait3A_68 = arith.constant 0 : i32
    %dma_wait3A_69 = tpu.memref_slice %arg7[%dma_wait3A_68] : memref<33536xf32, #tpu.memory_space<vmem>> -> memref<33280xf32, #tpu.memory_space<vmem>>
    %dma_wait3A_70 = arith.constant 0 : i32
    %dma_wait3A_71 = tpu.memref_slice %arg4[%add3A_4, %dma_wait3A_70] : memref<64x100000xf32, #tpu.memory_space<hbm>> -> memref<1x33280xf32, #tpu.memory_space<hbm>>
    %dma_wait3A_72 = tpu.memref_squeeze %dma_wait3A_71 : memref<1x33280xf32, #tpu.memory_space<hbm>> -> memref<33280xf32, #tpu.memory_space<hbm>>
    %dma_wait3A_73 = arith.constant 0 : i32
    %dma_wait3A_74 = tpu.memref_slice %arg7[%dma_wait3A_73] : memref<33536xf32, #tpu.memory_space<vmem>> -> memref<33280xf32, #tpu.memory_space<vmem>>
    %dma_wait3A_75 = arith.constant 0 : i32
    %dma_wait3A_76 = tpu.memref_slice %arg4[%add3A_4, %dma_wait3A_75] : memref<64x100000xf32, #tpu.memory_space<hbm>> -> memref<1x33280xf32, #tpu.memory_space<hbm>>
    %dma_wait3A_77 = tpu.memref_squeeze %dma_wait3A_76 : memref<1x33280xf32, #tpu.memory_space<hbm>> -> memref<33280xf32, #tpu.memory_space<hbm>>
    tpu.wait_dma2 semaphore(%arg13 : memref<!tpu.dma_semaphore, #tpu.memory_space<semaphore_mem>>) src(%dma_wait3A_77 : memref<33280xf32, #tpu.memory_space<hbm>>) dst(%dma_wait3A_74 : memref<33280xf32, #tpu.memory_space<vmem>>)
    %parallel_loop3A = arith.constant 0 : i32
    %parallel_loop3A_78 = arith.constant 128 : i32
    %parallel_loop3A_79 = arith.constant 1 : i32
    %parallel_loop3A_80:8 = scf.for %parallel_loop3A_264 = %parallel_loop3A to %parallel_loop3A_78 step %parallel_loop3A_79 iter_args(%parallel_loop3A_265 = %broadcast_in_dim3A_24, %parallel_loop3A_266 = %broadcast_in_dim3A_26, %parallel_loop3A_267 = %broadcast_in_dim3A_28, %parallel_loop3A_268 = %broadcast_in_dim3A_30, %parallel_loop3A_269 = %broadcast_in_dim3A_32, %parallel_loop3A_270 = %broadcast_in_dim3A_34, %parallel_loop3A_271 = %broadcast_in_dim3A_36, %parallel_loop3A_272 = %broadcast_in_dim3A_38) -> (vector<16xf32>, vector<16xf32>, vector<16xf32>, vector<16xf32>, vector<16xf32>, vector<16xf32>, vector<16xf32>, vector<16xf32>)  : i32 {
      %parallel_loop3A_273 = arith.constant 128 : i32
      %parallel_loop3A_274 = arith.muli %parallel_loop3A_264, %parallel_loop3A_273 : i32
      %parallel_loop3A_275 = arith.constant 0 : i32
      %parallel_loop3A_276 = arith.addi %parallel_loop3A_274, %parallel_loop3A_275 : i32
      %parallel_loop3A_277 = arith.index_cast %parallel_loop3A_276 : i32 to index
      %parallel_loop3A_278 = tpu.vector_load %arg9[%parallel_loop3A_277] {strides = array<i32>} : memref<16384xi32, #tpu.memory_space<vmem>>, vector<16xi32>,
      %parallel_loop3A_279 = arith.index_cast %parallel_loop3A_276 : i32 to index
      %parallel_loop3A_280 = tpu.vector_load %arg10[%parallel_loop3A_279] {strides = array<i32>} : memref<16384xf32, #tpu.memory_space<vmem>>, vector<16xf32>,
      %parallel_loop3A_281 = arith.constant 33280 : i32
      %parallel_loop3A_282 = vector.broadcast %parallel_loop3A_281 : i32 to vector<16xi32>
      %parallel_loop3A_283 = arith.cmpi slt, %parallel_loop3A_278, %parallel_loop3A_282 : vector<16xi32>
      %parallel_loop3A_284 = tpu.vector_load_idx %arg7[%parallel_loop3A_278] masked %parallel_loop3A_283 : memref<33536xf32, #tpu.memory_space<vmem>>[vector<16xi32>], vector<16xf32>, vector<16xi1>
      %parallel_loop3A_285 = arith.subf %parallel_loop3A_280, %parallel_loop3A_284 : vector<16xf32>
      %parallel_loop3A_286 = arith.constant 0.000000e+00 : f32
      %parallel_loop3A_287 = vector.broadcast %parallel_loop3A_286 : f32 to vector<16xf32>
      %parallel_loop3A_288 = arith.select %parallel_loop3A_283, %parallel_loop3A_285, %parallel_loop3A_287 : vector<16xi1>, vector<16xf32>
      %parallel_loop3A_289 = arith.mulf %parallel_loop3A_288, %parallel_loop3A_288 : vector<16xf32>
      %parallel_loop3A_290 = arith.addf %parallel_loop3A_265, %parallel_loop3A_289 : vector<16xf32>
      %parallel_loop3A_291 = arith.constant 128 : i32
      %parallel_loop3A_292 = arith.muli %parallel_loop3A_264, %parallel_loop3A_291 : i32
      %parallel_loop3A_293 = arith.constant 16 : i32
      %parallel_loop3A_294 = arith.addi %parallel_loop3A_292, %parallel_loop3A_293 : i32
      %parallel_loop3A_295 = arith.index_cast %parallel_loop3A_294 : i32 to index
      %parallel_loop3A_296 = tpu.vector_load %arg9[%parallel_loop3A_295] {strides = array<i32>} : memref<16384xi32, #tpu.memory_space<vmem>>, vector<16xi32>,
      %parallel_loop3A_297 = arith.index_cast %parallel_loop3A_294 : i32 to index
      %parallel_loop3A_298 = tpu.vector_load %arg10[%parallel_loop3A_297] {strides = array<i32>} : memref<16384xf32, #tpu.memory_space<vmem>>, vector<16xf32>,
      %parallel_loop3A_299 = arith.constant 33280 : i32
      %parallel_loop3A_300 = vector.broadcast %parallel_loop3A_299 : i32 to vector<16xi32>
      %parallel_loop3A_301 = arith.cmpi slt, %parallel_loop3A_296, %parallel_loop3A_300 : vector<16xi32>
      %parallel_loop3A_302 = tpu.vector_load_idx %arg7[%parallel_loop3A_296] masked %parallel_loop3A_301 : memref<33536xf32, #tpu.memory_space<vmem>>[vector<16xi32>], vector<16xf32>, vector<16xi1>
      %parallel_loop3A_303 = arith.subf %parallel_loop3A_298, %parallel_loop3A_302 : vector<16xf32>
      %parallel_loop3A_304 = arith.constant 0.000000e+00 : f32
      %parallel_loop3A_305 = vector.broadcast %parallel_loop3A_304 : f32 to vector<16xf32>
      %parallel_loop3A_306 = arith.select %parallel_loop3A_301, %parallel_loop3A_303, %parallel_loop3A_305 : vector<16xi1>, vector<16xf32>
      %parallel_loop3A_307 = arith.mulf %parallel_loop3A_306, %parallel_loop3A_306 : vector<16xf32>
      %parallel_loop3A_308 = arith.addf %parallel_loop3A_266, %parallel_loop3A_307 : vector<16xf32>
      %parallel_loop3A_309 = arith.constant 128 : i32
      %parallel_loop3A_310 = arith.muli %parallel_loop3A_264, %parallel_loop3A_309 : i32
      %parallel_loop3A_311 = arith.constant 32 : i32
      %parallel_loop3A_312 = arith.addi %parallel_loop3A_310, %parallel_loop3A_311 : i32
      %parallel_loop3A_313 = arith.index_cast %parallel_loop3A_312 : i32 to index
      %parallel_loop3A_314 = tpu.vector_load %arg9[%parallel_loop3A_313] {strides = array<i32>} : memref<16384xi32, #tpu.memory_space<vmem>>, vector<16xi32>,
      %parallel_loop3A_315 = arith.index_cast %parallel_loop3A_312 : i32 to index
      %parallel_loop3A_316 = tpu.vector_load %arg10[%parallel_loop3A_315] {strides = array<i32>} : memref<16384xf32, #tpu.memory_space<vmem>>, vector<16xf32>,
      %parallel_loop3A_317 = arith.constant 33280 : i32
      %parallel_loop3A_318 = vector.broadcast %parallel_loop3A_317 : i32 to vector<16xi32>
      %parallel_loop3A_319 = arith.cmpi slt, %parallel_loop3A_314, %parallel_loop3A_318 : vector<16xi32>
      %parallel_loop3A_320 = tpu.vector_load_idx %arg7[%parallel_loop3A_314] masked %parallel_loop3A_319 : memref<33536xf32, #tpu.memory_space<vmem>>[vector<16xi32>], vector<16xf32>, vector<16xi1>
      %parallel_loop3A_321 = arith.subf %parallel_loop3A_316, %parallel_loop3A_320 : vector<16xf32>
      %parallel_loop3A_322 = arith.constant 0.000000e+00 : f32
      %parallel_loop3A_323 = vector.broadcast %parallel_loop3A_322 : f32 to vector<16xf32>
      %parallel_loop3A_324 = arith.select %parallel_loop3A_319, %parallel_loop3A_321, %parallel_loop3A_323 : vector<16xi1>, vector<16xf32>
      %parallel_loop3A_325 = arith.mulf %parallel_loop3A_324, %parallel_loop3A_324 : vector<16xf32>
      %parallel_loop3A_326 = arith.addf %parallel_loop3A_267, %parallel_loop3A_325 : vector<16xf32>
      %parallel_loop3A_327 = arith.constant 128 : i32
      %parallel_loop3A_328 = arith.muli %parallel_loop3A_264, %parallel_loop3A_327 : i32
      %parallel_loop3A_329 = arith.constant 48 : i32
      %parallel_loop3A_330 = arith.addi %parallel_loop3A_328, %parallel_loop3A_329 : i32
      %parallel_loop3A_331 = arith.index_cast %parallel_loop3A_330 : i32 to index
      %parallel_loop3A_332 = tpu.vector_load %arg9[%parallel_loop3A_331] {strides = array<i32>} : memref<16384xi32, #tpu.memory_space<vmem>>, vector<16xi32>,
      %parallel_loop3A_333 = arith.index_cast %parallel_loop3A_330 : i32 to index
      %parallel_loop3A_334 = tpu.vector_load %arg10[%parallel_loop3A_333] {strides = array<i32>} : memref<16384xf32, #tpu.memory_space<vmem>>, vector<16xf32>,
      %parallel_loop3A_335 = arith.constant 33280 : i32
      %parallel_loop3A_336 = vector.broadcast %parallel_loop3A_335 : i32 to vector<16xi32>
      %parallel_loop3A_337 = arith.cmpi slt, %parallel_loop3A_332, %parallel_loop3A_336 : vector<16xi32>
      %parallel_loop3A_338 = tpu.vector_load_idx %arg7[%parallel_loop3A_332] masked %parallel_loop3A_337 : memref<33536xf32, #tpu.memory_space<vmem>>[vector<16xi32>], vector<16xf32>, vector<16xi1>
      %parallel_loop3A_339 = arith.subf %parallel_loop3A_334, %parallel_loop3A_338 : vector<16xf32>
      %parallel_loop3A_340 = arith.constant 0.000000e+00 : f32
      %parallel_loop3A_341 = vector.broadcast %parallel_loop3A_340 : f32 to vector<16xf32>
      %parallel_loop3A_342 = arith.select %parallel_loop3A_337, %parallel_loop3A_339, %parallel_loop3A_341 : vector<16xi1>, vector<16xf32>
      %parallel_loop3A_343 = arith.mulf %parallel_loop3A_342, %parallel_loop3A_342 : vector<16xf32>
      %parallel_loop3A_344 = arith.addf %parallel_loop3A_268, %parallel_loop3A_343 : vector<16xf32>
      %parallel_loop3A_345 = arith.constant 128 : i32
      %parallel_loop3A_346 = arith.muli %parallel_loop3A_264, %parallel_loop3A_345 : i32
      %parallel_loop3A_347 = arith.constant 64 : i32
      %parallel_loop3A_348 = arith.addi %parallel_loop3A_346, %parallel_loop3A_347 : i32
      %parallel_loop3A_349 = arith.index_cast %parallel_loop3A_348 : i32 to index
      %parallel_loop3A_350 = tpu.vector_load %arg9[%parallel_loop3A_349] {strides = array<i32>} : memref<16384xi32, #tpu.memory_space<vmem>>, vector<16xi32>,
      %parallel_loop3A_351 = arith.index_cast %parallel_loop3A_348 : i32 to index
      %parallel_loop3A_352 = tpu.vector_load %arg10[%parallel_loop3A_351] {strides = array<i32>} : memref<16384xf32, #tpu.memory_space<vmem>>, vector<16xf32>,
      %parallel_loop3A_353 = arith.constant 33280 : i32
      %parallel_loop3A_354 = vector.broadcast %parallel_loop3A_353 : i32 to vector<16xi32>
      %parallel_loop3A_355 = arith.cmpi slt, %parallel_loop3A_350, %parallel_loop3A_354 : vector<16xi32>
      %parallel_loop3A_356 = tpu.vector_load_idx %arg7[%parallel_loop3A_350] masked %parallel_loop3A_355 : memref<33536xf32, #tpu.memory_space<vmem>>[vector<16xi32>], vector<16xf32>, vector<16xi1>
      %parallel_loop3A_357 = arith.subf %parallel_loop3A_352, %parallel_loop3A_356 : vector<16xf32>
      %parallel_loop3A_358 = arith.constant 0.000000e+00 : f32
      %parallel_loop3A_359 = vector.broadcast %parallel_loop3A_358 : f32 to vector<16xf32>
      %parallel_loop3A_360 = arith.select %parallel_loop3A_355, %parallel_loop3A_357, %parallel_loop3A_359 : vector<16xi1>, vector<16xf32>
      %parallel_loop3A_361 = arith.mulf %parallel_loop3A_360, %parallel_loop3A_360 : vector<16xf32>
      %parallel_loop3A_362 = arith.addf %parallel_loop3A_269, %parallel_loop3A_361 : vector<16xf32>
      %parallel_loop3A_363 = arith.constant 128 : i32
      %parallel_loop3A_364 = arith.muli %parallel_loop3A_264, %parallel_loop3A_363 : i32
      %parallel_loop3A_365 = arith.constant 80 : i32
      %parallel_loop3A_366 = arith.addi %parallel_loop3A_364, %parallel_loop3A_365 : i32
      %parallel_loop3A_367 = arith.index_cast %parallel_loop3A_366 : i32 to index
      %parallel_loop3A_368 = tpu.vector_load %arg9[%parallel_loop3A_367] {strides = array<i32>} : memref<16384xi32, #tpu.memory_space<vmem>>, vector<16xi32>,
      %parallel_loop3A_369 = arith.index_cast %parallel_loop3A_366 : i32 to index
      %parallel_loop3A_370 = tpu.vector_load %arg10[%parallel_loop3A_369] {strides = array<i32>} : memref<16384xf32, #tpu.memory_space<vmem>>, vector<16xf32>,
      %parallel_loop3A_371 = arith.constant 33280 : i32
      %parallel_loop3A_372 = vector.broadcast %parallel_loop3A_371 : i32 to vector<16xi32>
      %parallel_loop3A_373 = arith.cmpi slt, %parallel_loop3A_368, %parallel_loop3A_372 : vector<16xi32>
      %parallel_loop3A_374 = tpu.vector_load_idx %arg7[%parallel_loop3A_368] masked %parallel_loop3A_373 : memref<33536xf32, #tpu.memory_space<vmem>>[vector<16xi32>], vector<16xf32>, vector<16xi1>
      %parallel_loop3A_375 = arith.subf %parallel_loop3A_370, %parallel_loop3A_374 : vector<16xf32>
      %parallel_loop3A_376 = arith.constant 0.000000e+00 : f32
      %parallel_loop3A_377 = vector.broadcast %parallel_loop3A_376 : f32 to vector<16xf32>
      %parallel_loop3A_378 = arith.select %parallel_loop3A_373, %parallel_loop3A_375, %parallel_loop3A_377 : vector<16xi1>, vector<16xf32>
      %parallel_loop3A_379 = arith.mulf %parallel_loop3A_378, %parallel_loop3A_378 : vector<16xf32>
      %parallel_loop3A_380 = arith.addf %parallel_loop3A_270, %parallel_loop3A_379 : vector<16xf32>
      %parallel_loop3A_381 = arith.constant 128 : i32
      %parallel_loop3A_382 = arith.muli %parallel_loop3A_264, %parallel_loop3A_381 : i32
      %parallel_loop3A_383 = arith.constant 96 : i32
      %parallel_loop3A_384 = arith.addi %parallel_loop3A_382, %parallel_loop3A_383 : i32
      %parallel_loop3A_385 = arith.index_cast %parallel_loop3A_384 : i32 to index
      %parallel_loop3A_386 = tpu.vector_load %arg9[%parallel_loop3A_385] {strides = array<i32>} : memref<16384xi32, #tpu.memory_space<vmem>>, vector<16xi32>,
      %parallel_loop3A_387 = arith.index_cast %parallel_loop3A_384 : i32 to index
      %parallel_loop3A_388 = tpu.vector_load %arg10[%parallel_loop3A_387] {strides = array<i32>} : memref<16384xf32, #tpu.memory_space<vmem>>, vector<16xf32>,
      %parallel_loop3A_389 = arith.constant 33280 : i32
      %parallel_loop3A_390 = vector.broadcast %parallel_loop3A_389 : i32 to vector<16xi32>
      %parallel_loop3A_391 = arith.cmpi slt, %parallel_loop3A_386, %parallel_loop3A_390 : vector<16xi32>
      %parallel_loop3A_392 = tpu.vector_load_idx %arg7[%parallel_loop3A_386] masked %parallel_loop3A_391 : memref<33536xf32, #tpu.memory_space<vmem>>[vector<16xi32>], vector<16xf32>, vector<16xi1>
      %parallel_loop3A_393 = arith.subf %parallel_loop3A_388, %parallel_loop3A_392 : vector<16xf32>
      %parallel_loop3A_394 = arith.constant 0.000000e+00 : f32
      %parallel_loop3A_395 = vector.broadcast %parallel_loop3A_394 : f32 to vector<16xf32>
      %parallel_loop3A_396 = arith.select %parallel_loop3A_391, %parallel_loop3A_393, %parallel_loop3A_395 : vector<16xi1>, vector<16xf32>
      %parallel_loop3A_397 = arith.mulf %parallel_loop3A_396, %parallel_loop3A_396 : vector<16xf32>
      %parallel_loop3A_398 = arith.addf %parallel_loop3A_271, %parallel_loop3A_397 : vector<16xf32>
      %parallel_loop3A_399 = arith.constant 128 : i32
      %parallel_loop3A_400 = arith.muli %parallel_loop3A_264, %parallel_loop3A_399 : i32
      %parallel_loop3A_401 = arith.constant 112 : i32
      %parallel_loop3A_402 = arith.addi %parallel_loop3A_400, %parallel_loop3A_401 : i32
      %parallel_loop3A_403 = arith.index_cast %parallel_loop3A_402 : i32 to index
      %parallel_loop3A_404 = tpu.vector_load %arg9[%parallel_loop3A_403] {strides = array<i32>} : memref<16384xi32, #tpu.memory_space<vmem>>, vector<16xi32>,
      %parallel_loop3A_405 = arith.index_cast %parallel_loop3A_402 : i32 to index
      %parallel_loop3A_406 = tpu.vector_load %arg10[%parallel_loop3A_405] {strides = array<i32>} : memref<16384xf32, #tpu.memory_space<vmem>>, vector<16xf32>,
      %parallel_loop3A_407 = arith.constant 33280 : i32
      %parallel_loop3A_408 = vector.broadcast %parallel_loop3A_407 : i32 to vector<16xi32>
      %parallel_loop3A_409 = arith.cmpi slt, %parallel_loop3A_404, %parallel_loop3A_408 : vector<16xi32>
      %parallel_loop3A_410 = tpu.vector_load_idx %arg7[%parallel_loop3A_404] masked %parallel_loop3A_409 : memref<33536xf32, #tpu.memory_space<vmem>>[vector<16xi32>], vector<16xf32>, vector<16xi1>
      %parallel_loop3A_411 = arith.subf %parallel_loop3A_406, %parallel_loop3A_410 : vector<16xf32>
      %parallel_loop3A_412 = arith.constant 0.000000e+00 : f32
      %parallel_loop3A_413 = vector.broadcast %parallel_loop3A_412 : f32 to vector<16xf32>
      %parallel_loop3A_414 = arith.select %parallel_loop3A_409, %parallel_loop3A_411, %parallel_loop3A_413 : vector<16xi1>, vector<16xf32>
      %parallel_loop3A_415 = arith.mulf %parallel_loop3A_414, %parallel_loop3A_414 : vector<16xf32>
      %parallel_loop3A_416 = arith.addf %parallel_loop3A_272, %parallel_loop3A_415 : vector<16xf32>
      scf.yield %parallel_loop3A_290, %parallel_loop3A_308, %parallel_loop3A_326, %parallel_loop3A_344, %parallel_loop3A_362, %parallel_loop3A_380, %parallel_loop3A_398, %parallel_loop3A_416 : vector<16xf32>, vector<16xf32>, vector<16xf32>, vector<16xf32>, vector<16xf32>, vector<16xf32>, vector<16xf32>, vector<16xf32>
    } {sc.loop_unroll_factor = 1 : i64, sc.parallel_access}
    %mul3A_81 = arith.constant 2 : i32
    %mul3A_82 = arith.muli %add3A, %mul3A_81 : i32
    %add3A_83 = arith.constant 0 : i32
    %add3A_84 = arith.addi %mul3A_82, %add3A_83 : i32
    %dma_start3A_85 = arith.constant 0 : i32
    %dma_start3A_86 = tpu.memref_slice %arg7[%dma_start3A_85] : memref<33536xf32, #tpu.memory_space<vmem>> -> memref<33408xf32, #tpu.memory_space<vmem>>
    %dma_start3A_87 = arith.constant 66560 : i32
    %dma_start3A_88 = tpu.memref_slice %arg4[%add3A_84, %dma_start3A_87] : memref<64x100000xf32, #tpu.memory_space<hbm>> -> memref<1x33408xf32, #tpu.memory_space<hbm>>
    %dma_start3A_89 = tpu.memref_squeeze %dma_start3A_88 : memref<1x33408xf32, #tpu.memory_space<hbm>> -> memref<33408xf32, #tpu.memory_space<hbm>>
    %dma_start3A_90 = arith.constant 0 : i32
    %dma_start3A_91 = tpu.memref_slice %arg7[%dma_start3A_90] : memref<33536xf32, #tpu.memory_space<vmem>> -> memref<33408xf32, #tpu.memory_space<vmem>>
    %dma_start3A_92 = arith.constant 66560 : i32
    %dma_start3A_93 = tpu.memref_slice %arg4[%add3A_84, %dma_start3A_92] : memref<64x100000xf32, #tpu.memory_space<hbm>> -> memref<1x33408xf32, #tpu.memory_space<hbm>>
    %dma_start3A_94 = tpu.memref_squeeze %dma_start3A_93 : memref<1x33408xf32, #tpu.memory_space<hbm>> -> memref<33408xf32, #tpu.memory_space<hbm>>
    tpu.enqueue_dma source(%dma_start3A_94 : memref<33408xf32, #tpu.memory_space<hbm>>) target(%dma_start3A_91 : memref<33408xf32, #tpu.memory_space<vmem>>) target_semaphore(%arg13 : memref<!tpu.dma_semaphore, #tpu.memory_space<semaphore_mem>>)
    %dma_start3A_95 = arith.constant 33408 : i32
    %dma_start3A_96 = tpu.memref_slice %arg7[%dma_start3A_95] : memref<33536xf32, #tpu.memory_space<vmem>> -> memref<128xf32, #tpu.memory_space<vmem>>
    %dma_start3A_97 = arith.constant 0 : i32
    %dma_start3A_98 = tpu.memref_slice %arg5[%add3A_84, %dma_start3A_97] : memref<64x128xf32, #tpu.memory_space<hbm>> -> memref<1x128xf32, #tpu.memory_space<hbm>>
    %dma_start3A_99 = tpu.memref_squeeze %dma_start3A_98 : memref<1x128xf32, #tpu.memory_space<hbm>> -> memref<128xf32, #tpu.memory_space<hbm>>
    %dma_start3A_100 = arith.constant 33408 : i32
    %dma_start3A_101 = tpu.memref_slice %arg7[%dma_start3A_100] : memref<33536xf32, #tpu.memory_space<vmem>> -> memref<128xf32, #tpu.memory_space<vmem>>
    %dma_start3A_102 = arith.constant 0 : i32
    %dma_start3A_103 = tpu.memref_slice %arg5[%add3A_84, %dma_start3A_102] : memref<64x128xf32, #tpu.memory_space<hbm>> -> memref<1x128xf32, #tpu.memory_space<hbm>>
    %dma_start3A_104 = tpu.memref_squeeze %dma_start3A_103 : memref<1x128xf32, #tpu.memory_space<hbm>> -> memref<128xf32, #tpu.memory_space<hbm>>
    tpu.enqueue_dma source(%dma_start3A_104 : memref<128xf32, #tpu.memory_space<hbm>>) target(%dma_start3A_101 : memref<128xf32, #tpu.memory_space<vmem>>) target_semaphore(%arg13 : memref<!tpu.dma_semaphore, #tpu.memory_space<semaphore_mem>>)
    %dma_wait3A_105 = arith.constant 0 : i32
    %dma_wait3A_106 = tpu.memref_slice %arg8[%dma_wait3A_105] : memref<33536xf32, #tpu.memory_space<vmem>> -> memref<33280xf32, #tpu.memory_space<vmem>>
    %dma_wait3A_107 = arith.constant 33280 : i32
    %dma_wait3A_108 = tpu.memref_slice %arg4[%add3A_42, %dma_wait3A_107] : memref<64x100000xf32, #tpu.memory_space<hbm>> -> memref<1x33280xf32, #tpu.memory_space<hbm>>
    %dma_wait3A_109 = tpu.memref_squeeze %dma_wait3A_108 : memref<1x33280xf32, #tpu.memory_space<hbm>> -> memref<33280xf32, #tpu.memory_space<hbm>>
    %dma_wait3A_110 = arith.constant 0 : i32
    %dma_wait3A_111 = tpu.memref_slice %arg8[%dma_wait3A_110] : memref<33536xf32, #tpu.memory_space<vmem>> -> memref<33280xf32, #tpu.memory_space<vmem>>
    %dma_wait3A_112 = arith.constant 33280 : i32
    %dma_wait3A_113 = tpu.memref_slice %arg4[%add3A_42, %dma_wait3A_112] : memref<64x100000xf32, #tpu.memory_space<hbm>> -> memref<1x33280xf32, #tpu.memory_space<hbm>>
    %dma_wait3A_114 = tpu.memref_squeeze %dma_wait3A_113 : memref<1x33280xf32, #tpu.memory_space<hbm>> -> memref<33280xf32, #tpu.memory_space<hbm>>
    tpu.wait_dma2 semaphore(%arg14 : memref<!tpu.dma_semaphore, #tpu.memory_space<semaphore_mem>>) src(%dma_wait3A_114 : memref<33280xf32, #tpu.memory_space<hbm>>) dst(%dma_wait3A_111 : memref<33280xf32, #tpu.memory_space<vmem>>)
    %parallel_loop3A_115 = arith.constant 0 : i32
    %parallel_loop3A_116 = arith.constant 128 : i32
    %parallel_loop3A_117 = arith.constant 1 : i32
    %parallel_loop3A_118:8 = scf.for %parallel_loop3A_264 = %parallel_loop3A_115 to %parallel_loop3A_116 step %parallel_loop3A_117 iter_args(%parallel_loop3A_265 = %parallel_loop3A_80#0, %parallel_loop3A_266 = %parallel_loop3A_80#1, %parallel_loop3A_267 = %parallel_loop3A_80#2, %parallel_loop3A_268 = %parallel_loop3A_80#3, %parallel_loop3A_269 = %parallel_loop3A_80#4, %parallel_loop3A_270 = %parallel_loop3A_80#5, %parallel_loop3A_271 = %parallel_loop3A_80#6, %parallel_loop3A_272 = %parallel_loop3A_80#7) -> (vector<16xf32>, vector<16xf32>, vector<16xf32>, vector<16xf32>, vector<16xf32>, vector<16xf32>, vector<16xf32>, vector<16xf32>)  : i32 {
      %parallel_loop3A_273 = arith.constant 128 : i32
      %parallel_loop3A_274 = arith.muli %parallel_loop3A_264, %parallel_loop3A_273 : i32
      %parallel_loop3A_275 = arith.constant 0 : i32
      %parallel_loop3A_276 = arith.addi %parallel_loop3A_274, %parallel_loop3A_275 : i32
      %parallel_loop3A_277 = arith.index_cast %parallel_loop3A_276 : i32 to index
      %parallel_loop3A_278 = tpu.vector_load %arg9[%parallel_loop3A_277] {strides = array<i32>} : memref<16384xi32, #tpu.memory_space<vmem>>, vector<16xi32>,
      %parallel_loop3A_279 = arith.index_cast %parallel_loop3A_276 : i32 to index
      %parallel_loop3A_280 = tpu.vector_load %arg10[%parallel_loop3A_279] {strides = array<i32>} : memref<16384xf32, #tpu.memory_space<vmem>>, vector<16xf32>,
      %parallel_loop3A_281 = arith.constant 33280 : i32
      %parallel_loop3A_282 = vector.broadcast %parallel_loop3A_281 : i32 to vector<16xi32>
      %parallel_loop3A_283 = arith.subi %parallel_loop3A_278, %parallel_loop3A_282 : vector<16xi32>
      %parallel_loop3A_284 = arith.constant 33280 : i32
      %parallel_loop3A_285 = vector.broadcast %parallel_loop3A_284 : i32 to vector<16xi32>
      %parallel_loop3A_286 = arith.cmpi ult, %parallel_loop3A_283, %parallel_loop3A_285 : vector<16xi32>
      %parallel_loop3A_287 = tpu.vector_load_idx %arg8[%parallel_loop3A_283] masked %parallel_loop3A_286 : memref<33536xf32, #tpu.memory_space<vmem>>[vector<16xi32>], vector<16xf32>, vector<16xi1>
      %parallel_loop3A_288 = arith.subf %parallel_loop3A_280, %parallel_loop3A_287 : vector<16xf32>
      %parallel_loop3A_289 = arith.constant 0.000000e+00 : f32
      %parallel_loop3A_290 = vector.broadcast %parallel_loop3A_289 : f32 to vector<16xf32>
      %parallel_loop3A_291 = arith.select %parallel_loop3A_286, %parallel_loop3A_288, %parallel_loop3A_290 : vector<16xi1>, vector<16xf32>
      %parallel_loop3A_292 = arith.mulf %parallel_loop3A_291, %parallel_loop3A_291 : vector<16xf32>
      %parallel_loop3A_293 = arith.addf %parallel_loop3A_265, %parallel_loop3A_292 : vector<16xf32>
      %parallel_loop3A_294 = arith.constant 128 : i32
      %parallel_loop3A_295 = arith.muli %parallel_loop3A_264, %parallel_loop3A_294 : i32
      %parallel_loop3A_296 = arith.constant 16 : i32
      %parallel_loop3A_297 = arith.addi %parallel_loop3A_295, %parallel_loop3A_296 : i32
      %parallel_loop3A_298 = arith.index_cast %parallel_loop3A_297 : i32 to index
      %parallel_loop3A_299 = tpu.vector_load %arg9[%parallel_loop3A_298] {strides = array<i32>} : memref<16384xi32, #tpu.memory_space<vmem>>, vector<16xi32>,
      %parallel_loop3A_300 = arith.index_cast %parallel_loop3A_297 : i32 to index
      %parallel_loop3A_301 = tpu.vector_load %arg10[%parallel_loop3A_300] {strides = array<i32>} : memref<16384xf32, #tpu.memory_space<vmem>>, vector<16xf32>,
      %parallel_loop3A_302 = arith.constant 33280 : i32
      %parallel_loop3A_303 = vector.broadcast %parallel_loop3A_302 : i32 to vector<16xi32>
      %parallel_loop3A_304 = arith.subi %parallel_loop3A_299, %parallel_loop3A_303 : vector<16xi32>
      %parallel_loop3A_305 = arith.constant 33280 : i32
      %parallel_loop3A_306 = vector.broadcast %parallel_loop3A_305 : i32 to vector<16xi32>
      %parallel_loop3A_307 = arith.cmpi ult, %parallel_loop3A_304, %parallel_loop3A_306 : vector<16xi32>
      %parallel_loop3A_308 = tpu.vector_load_idx %arg8[%parallel_loop3A_304] masked %parallel_loop3A_307 : memref<33536xf32, #tpu.memory_space<vmem>>[vector<16xi32>], vector<16xf32>, vector<16xi1>
      %parallel_loop3A_309 = arith.subf %parallel_loop3A_301, %parallel_loop3A_308 : vector<16xf32>
      %parallel_loop3A_310 = arith.constant 0.000000e+00 : f32
      %parallel_loop3A_311 = vector.broadcast %parallel_loop3A_310 : f32 to vector<16xf32>
      %parallel_loop3A_312 = arith.select %parallel_loop3A_307, %parallel_loop3A_309, %parallel_loop3A_311 : vector<16xi1>, vector<16xf32>
      %parallel_loop3A_313 = arith.mulf %parallel_loop3A_312, %parallel_loop3A_312 : vector<16xf32>
      %parallel_loop3A_314 = arith.addf %parallel_loop3A_266, %parallel_loop3A_313 : vector<16xf32>
      %parallel_loop3A_315 = arith.constant 128 : i32
      %parallel_loop3A_316 = arith.muli %parallel_loop3A_264, %parallel_loop3A_315 : i32
      %parallel_loop3A_317 = arith.constant 32 : i32
      %parallel_loop3A_318 = arith.addi %parallel_loop3A_316, %parallel_loop3A_317 : i32
      %parallel_loop3A_319 = arith.index_cast %parallel_loop3A_318 : i32 to index
      %parallel_loop3A_320 = tpu.vector_load %arg9[%parallel_loop3A_319] {strides = array<i32>} : memref<16384xi32, #tpu.memory_space<vmem>>, vector<16xi32>,
      %parallel_loop3A_321 = arith.index_cast %parallel_loop3A_318 : i32 to index
      %parallel_loop3A_322 = tpu.vector_load %arg10[%parallel_loop3A_321] {strides = array<i32>} : memref<16384xf32, #tpu.memory_space<vmem>>, vector<16xf32>,
      %parallel_loop3A_323 = arith.constant 33280 : i32
      %parallel_loop3A_324 = vector.broadcast %parallel_loop3A_323 : i32 to vector<16xi32>
      %parallel_loop3A_325 = arith.subi %parallel_loop3A_320, %parallel_loop3A_324 : vector<16xi32>
      %parallel_loop3A_326 = arith.constant 33280 : i32
      %parallel_loop3A_327 = vector.broadcast %parallel_loop3A_326 : i32 to vector<16xi32>
      %parallel_loop3A_328 = arith.cmpi ult, %parallel_loop3A_325, %parallel_loop3A_327 : vector<16xi32>
      %parallel_loop3A_329 = tpu.vector_load_idx %arg8[%parallel_loop3A_325] masked %parallel_loop3A_328 : memref<33536xf32, #tpu.memory_space<vmem>>[vector<16xi32>], vector<16xf32>, vector<16xi1>
      %parallel_loop3A_330 = arith.subf %parallel_loop3A_322, %parallel_loop3A_329 : vector<16xf32>
      %parallel_loop3A_331 = arith.constant 0.000000e+00 : f32
      %parallel_loop3A_332 = vector.broadcast %parallel_loop3A_331 : f32 to vector<16xf32>
      %parallel_loop3A_333 = arith.select %parallel_loop3A_328, %parallel_loop3A_330, %parallel_loop3A_332 : vector<16xi1>, vector<16xf32>
      %parallel_loop3A_334 = arith.mulf %parallel_loop3A_333, %parallel_loop3A_333 : vector<16xf32>
      %parallel_loop3A_335 = arith.addf %parallel_loop3A_267, %parallel_loop3A_334 : vector<16xf32>
      %parallel_loop3A_336 = arith.constant 128 : i32
      %parallel_loop3A_337 = arith.muli %parallel_loop3A_264, %parallel_loop3A_336 : i32
      %parallel_loop3A_338 = arith.constant 48 : i32
      %parallel_loop3A_339 = arith.addi %parallel_loop3A_337, %parallel_loop3A_338 : i32
      %parallel_loop3A_340 = arith.index_cast %parallel_loop3A_339 : i32 to index
      %parallel_loop3A_341 = tpu.vector_load %arg9[%parallel_loop3A_340] {strides = array<i32>} : memref<16384xi32, #tpu.memory_space<vmem>>, vector<16xi32>,
      %parallel_loop3A_342 = arith.index_cast %parallel_loop3A_339 : i32 to index
      %parallel_loop3A_343 = tpu.vector_load %arg10[%parallel_loop3A_342] {strides = array<i32>} : memref<16384xf32, #tpu.memory_space<vmem>>, vector<16xf32>,
      %parallel_loop3A_344 = arith.constant 33280 : i32
      %parallel_loop3A_345 = vector.broadcast %parallel_loop3A_344 : i32 to vector<16xi32>
      %parallel_loop3A_346 = arith.subi %parallel_loop3A_341, %parallel_loop3A_345 : vector<16xi32>
      %parallel_loop3A_347 = arith.constant 33280 : i32
      %parallel_loop3A_348 = vector.broadcast %parallel_loop3A_347 : i32 to vector<16xi32>
      %parallel_loop3A_349 = arith.cmpi ult, %parallel_loop3A_346, %parallel_loop3A_348 : vector<16xi32>
      %parallel_loop3A_350 = tpu.vector_load_idx %arg8[%parallel_loop3A_346] masked %parallel_loop3A_349 : memref<33536xf32, #tpu.memory_space<vmem>>[vector<16xi32>], vector<16xf32>, vector<16xi1>
      %parallel_loop3A_351 = arith.subf %parallel_loop3A_343, %parallel_loop3A_350 : vector<16xf32>
      %parallel_loop3A_352 = arith.constant 0.000000e+00 : f32
      %parallel_loop3A_353 = vector.broadcast %parallel_loop3A_352 : f32 to vector<16xf32>
      %parallel_loop3A_354 = arith.select %parallel_loop3A_349, %parallel_loop3A_351, %parallel_loop3A_353 : vector<16xi1>, vector<16xf32>
      %parallel_loop3A_355 = arith.mulf %parallel_loop3A_354, %parallel_loop3A_354 : vector<16xf32>
      %parallel_loop3A_356 = arith.addf %parallel_loop3A_268, %parallel_loop3A_355 : vector<16xf32>
      %parallel_loop3A_357 = arith.constant 128 : i32
      %parallel_loop3A_358 = arith.muli %parallel_loop3A_264, %parallel_loop3A_357 : i32
      %parallel_loop3A_359 = arith.constant 64 : i32
      %parallel_loop3A_360 = arith.addi %parallel_loop3A_358, %parallel_loop3A_359 : i32
      %parallel_loop3A_361 = arith.index_cast %parallel_loop3A_360 : i32 to index
      %parallel_loop3A_362 = tpu.vector_load %arg9[%parallel_loop3A_361] {strides = array<i32>} : memref<16384xi32, #tpu.memory_space<vmem>>, vector<16xi32>,
      %parallel_loop3A_363 = arith.index_cast %parallel_loop3A_360 : i32 to index
      %parallel_loop3A_364 = tpu.vector_load %arg10[%parallel_loop3A_363] {strides = array<i32>} : memref<16384xf32, #tpu.memory_space<vmem>>, vector<16xf32>,
      %parallel_loop3A_365 = arith.constant 33280 : i32
      %parallel_loop3A_366 = vector.broadcast %parallel_loop3A_365 : i32 to vector<16xi32>
      %parallel_loop3A_367 = arith.subi %parallel_loop3A_362, %parallel_loop3A_366 : vector<16xi32>
      %parallel_loop3A_368 = arith.constant 33280 : i32
      %parallel_loop3A_369 = vector.broadcast %parallel_loop3A_368 : i32 to vector<16xi32>
      %parallel_loop3A_370 = arith.cmpi ult, %parallel_loop3A_367, %parallel_loop3A_369 : vector<16xi32>
      %parallel_loop3A_371 = tpu.vector_load_idx %arg8[%parallel_loop3A_367] masked %parallel_loop3A_370 : memref<33536xf32, #tpu.memory_space<vmem>>[vector<16xi32>], vector<16xf32>, vector<16xi1>
      %parallel_loop3A_372 = arith.subf %parallel_loop3A_364, %parallel_loop3A_371 : vector<16xf32>
      %parallel_loop3A_373 = arith.constant 0.000000e+00 : f32
      %parallel_loop3A_374 = vector.broadcast %parallel_loop3A_373 : f32 to vector<16xf32>
      %parallel_loop3A_375 = arith.select %parallel_loop3A_370, %parallel_loop3A_372, %parallel_loop3A_374 : vector<16xi1>, vector<16xf32>
      %parallel_loop3A_376 = arith.mulf %parallel_loop3A_375, %parallel_loop3A_375 : vector<16xf32>
      %parallel_loop3A_377 = arith.addf %parallel_loop3A_269, %parallel_loop3A_376 : vector<16xf32>
      %parallel_loop3A_378 = arith.constant 128 : i32
      %parallel_loop3A_379 = arith.muli %parallel_loop3A_264, %parallel_loop3A_378 : i32
      %parallel_loop3A_380 = arith.constant 80 : i32
      %parallel_loop3A_381 = arith.addi %parallel_loop3A_379, %parallel_loop3A_380 : i32
      %parallel_loop3A_382 = arith.index_cast %parallel_loop3A_381 : i32 to index
      %parallel_loop3A_383 = tpu.vector_load %arg9[%parallel_loop3A_382] {strides = array<i32>} : memref<16384xi32, #tpu.memory_space<vmem>>, vector<16xi32>,
      %parallel_loop3A_384 = arith.index_cast %parallel_loop3A_381 : i32 to index
      %parallel_loop3A_385 = tpu.vector_load %arg10[%parallel_loop3A_384] {strides = array<i32>} : memref<16384xf32, #tpu.memory_space<vmem>>, vector<16xf32>,
      %parallel_loop3A_386 = arith.constant 33280 : i32
      %parallel_loop3A_387 = vector.broadcast %parallel_loop3A_386 : i32 to vector<16xi32>
      %parallel_loop3A_388 = arith.subi %parallel_loop3A_383, %parallel_loop3A_387 : vector<16xi32>
      %parallel_loop3A_389 = arith.constant 33280 : i32
      %parallel_loop3A_390 = vector.broadcast %parallel_loop3A_389 : i32 to vector<16xi32>
      %parallel_loop3A_391 = arith.cmpi ult, %parallel_loop3A_388, %parallel_loop3A_390 : vector<16xi32>
      %parallel_loop3A_392 = tpu.vector_load_idx %arg8[%parallel_loop3A_388] masked %parallel_loop3A_391 : memref<33536xf32, #tpu.memory_space<vmem>>[vector<16xi32>], vector<16xf32>, vector<16xi1>
      %parallel_loop3A_393 = arith.subf %parallel_loop3A_385, %parallel_loop3A_392 : vector<16xf32>
      %parallel_loop3A_394 = arith.constant 0.000000e+00 : f32
      %parallel_loop3A_395 = vector.broadcast %parallel_loop3A_394 : f32 to vector<16xf32>
      %parallel_loop3A_396 = arith.select %parallel_loop3A_391, %parallel_loop3A_393, %parallel_loop3A_395 : vector<16xi1>, vector<16xf32>
      %parallel_loop3A_397 = arith.mulf %parallel_loop3A_396, %parallel_loop3A_396 : vector<16xf32>
      %parallel_loop3A_398 = arith.addf %parallel_loop3A_270, %parallel_loop3A_397 : vector<16xf32>
      %parallel_loop3A_399 = arith.constant 128 : i32
      %parallel_loop3A_400 = arith.muli %parallel_loop3A_264, %parallel_loop3A_399 : i32
      %parallel_loop3A_401 = arith.constant 96 : i32
      %parallel_loop3A_402 = arith.addi %parallel_loop3A_400, %parallel_loop3A_401 : i32
      %parallel_loop3A_403 = arith.index_cast %parallel_loop3A_402 : i32 to index
      %parallel_loop3A_404 = tpu.vector_load %arg9[%parallel_loop3A_403] {strides = array<i32>} : memref<16384xi32, #tpu.memory_space<vmem>>, vector<16xi32>,
      %parallel_loop3A_405 = arith.index_cast %parallel_loop3A_402 : i32 to index
      %parallel_loop3A_406 = tpu.vector_load %arg10[%parallel_loop3A_405] {strides = array<i32>} : memref<16384xf32, #tpu.memory_space<vmem>>, vector<16xf32>,
      %parallel_loop3A_407 = arith.constant 33280 : i32
      %parallel_loop3A_408 = vector.broadcast %parallel_loop3A_407 : i32 to vector<16xi32>
      %parallel_loop3A_409 = arith.subi %parallel_loop3A_404, %parallel_loop3A_408 : vector<16xi32>
      %parallel_loop3A_410 = arith.constant 33280 : i32
      %parallel_loop3A_411 = vector.broadcast %parallel_loop3A_410 : i32 to vector<16xi32>
      %parallel_loop3A_412 = arith.cmpi ult, %parallel_loop3A_409, %parallel_loop3A_411 : vector<16xi32>
      %parallel_loop3A_413 = tpu.vector_load_idx %arg8[%parallel_loop3A_409] masked %parallel_loop3A_412 : memref<33536xf32, #tpu.memory_space<vmem>>[vector<16xi32>], vector<16xf32>, vector<16xi1>
      %parallel_loop3A_414 = arith.subf %parallel_loop3A_406, %parallel_loop3A_413 : vector<16xf32>
      %parallel_loop3A_415 = arith.constant 0.000000e+00 : f32
      %parallel_loop3A_416 = vector.broadcast %parallel_loop3A_415 : f32 to vector<16xf32>
      %parallel_loop3A_417 = arith.select %parallel_loop3A_412, %parallel_loop3A_414, %parallel_loop3A_416 : vector<16xi1>, vector<16xf32>
      %parallel_loop3A_418 = arith.mulf %parallel_loop3A_417, %parallel_loop3A_417 : vector<16xf32>
      %parallel_loop3A_419 = arith.addf %parallel_loop3A_271, %parallel_loop3A_418 : vector<16xf32>
      %parallel_loop3A_420 = arith.constant 128 : i32
      %parallel_loop3A_421 = arith.muli %parallel_loop3A_264, %parallel_loop3A_420 : i32
      %parallel_loop3A_422 = arith.constant 112 : i32
      %parallel_loop3A_423 = arith.addi %parallel_loop3A_421, %parallel_loop3A_422 : i32
      %parallel_loop3A_424 = arith.index_cast %parallel_loop3A_423 : i32 to index
      %parallel_loop3A_425 = tpu.vector_load %arg9[%parallel_loop3A_424] {strides = array<i32>} : memref<16384xi32, #tpu.memory_space<vmem>>, vector<16xi32>,
      %parallel_loop3A_426 = arith.index_cast %parallel_loop3A_423 : i32 to index
      %parallel_loop3A_427 = tpu.vector_load %arg10[%parallel_loop3A_426] {strides = array<i32>} : memref<16384xf32, #tpu.memory_space<vmem>>, vector<16xf32>,
      %parallel_loop3A_428 = arith.constant 33280 : i32
      %parallel_loop3A_429 = vector.broadcast %parallel_loop3A_428 : i32 to vector<16xi32>
      %parallel_loop3A_430 = arith.subi %parallel_loop3A_425, %parallel_loop3A_429 : vector<16xi32>
      %parallel_loop3A_431 = arith.constant 33280 : i32
      %parallel_loop3A_432 = vector.broadcast %parallel_loop3A_431 : i32 to vector<16xi32>
      %parallel_loop3A_433 = arith.cmpi ult, %parallel_loop3A_430, %parallel_loop3A_432 : vector<16xi32>
      %parallel_loop3A_434 = tpu.vector_load_idx %arg8[%parallel_loop3A_430] masked %parallel_loop3A_433 : memref<33536xf32, #tpu.memory_space<vmem>>[vector<16xi32>], vector<16xf32>, vector<16xi1>
      %parallel_loop3A_435 = arith.subf %parallel_loop3A_427, %parallel_loop3A_434 : vector<16xf32>
      %parallel_loop3A_436 = arith.constant 0.000000e+00 : f32
      %parallel_loop3A_437 = vector.broadcast %parallel_loop3A_436 : f32 to vector<16xf32>
      %parallel_loop3A_438 = arith.select %parallel_loop3A_433, %parallel_loop3A_435, %parallel_loop3A_437 : vector<16xi1>, vector<16xf32>
      %parallel_loop3A_439 = arith.mulf %parallel_loop3A_438, %parallel_loop3A_438 : vector<16xf32>
      %parallel_loop3A_440 = arith.addf %parallel_loop3A_272, %parallel_loop3A_439 : vector<16xf32>
      scf.yield %parallel_loop3A_293, %parallel_loop3A_314, %parallel_loop3A_335, %parallel_loop3A_356, %parallel_loop3A_377, %parallel_loop3A_398, %parallel_loop3A_419, %parallel_loop3A_440 : vector<16xf32>, vector<16xf32>, vector<16xf32>, vector<16xf32>, vector<16xf32>, vector<16xf32>, vector<16xf32>, vector<16xf32>
    } {sc.loop_unroll_factor = 1 : i64, sc.parallel_access}
    %mul3A_119 = arith.constant 2 : i32
    %mul3A_120 = arith.muli %add3A, %mul3A_119 : i32
    %add3A_121 = arith.constant 1 : i32
    %add3A_122 = arith.addi %mul3A_120, %add3A_121 : i32
    %dma_start3A_123 = arith.constant 0 : i32
    %dma_start3A_124 = tpu.memref_slice %arg8[%dma_start3A_123] : memref<33536xf32, #tpu.memory_space<vmem>> -> memref<33280xf32, #tpu.memory_space<vmem>>
    %dma_start3A_125 = arith.constant 0 : i32
    %dma_start3A_126 = tpu.memref_slice %arg4[%add3A_122, %dma_start3A_125] : memref<64x100000xf32, #tpu.memory_space<hbm>> -> memref<1x33280xf32, #tpu.memory_space<hbm>>
    %dma_start3A_127 = tpu.memref_squeeze %dma_start3A_126 : memref<1x33280xf32, #tpu.memory_space<hbm>> -> memref<33280xf32, #tpu.memory_space<hbm>>
    %dma_start3A_128 = arith.constant 0 : i32
    %dma_start3A_129 = tpu.memref_slice %arg8[%dma_start3A_128] : memref<33536xf32, #tpu.memory_space<vmem>> -> memref<33280xf32, #tpu.memory_space<vmem>>
    %dma_start3A_130 = arith.constant 0 : i32
    %dma_start3A_131 = tpu.memref_slice %arg4[%add3A_122, %dma_start3A_130] : memref<64x100000xf32, #tpu.memory_space<hbm>> -> memref<1x33280xf32, #tpu.memory_space<hbm>>
    %dma_start3A_132 = tpu.memref_squeeze %dma_start3A_131 : memref<1x33280xf32, #tpu.memory_space<hbm>> -> memref<33280xf32, #tpu.memory_space<hbm>>
    tpu.enqueue_dma source(%dma_start3A_132 : memref<33280xf32, #tpu.memory_space<hbm>>) target(%dma_start3A_129 : memref<33280xf32, #tpu.memory_space<vmem>>) target_semaphore(%arg14 : memref<!tpu.dma_semaphore, #tpu.memory_space<semaphore_mem>>)
    %dma_wait3A_133 = arith.constant 0 : i32
    %dma_wait3A_134 = tpu.memref_slice %arg7[%dma_wait3A_133] : memref<33536xf32, #tpu.memory_space<vmem>> -> memref<33408xf32, #tpu.memory_space<vmem>>
    %dma_wait3A_135 = arith.constant 66560 : i32
    %dma_wait3A_136 = tpu.memref_slice %arg4[%add3A_84, %dma_wait3A_135] : memref<64x100000xf32, #tpu.memory_space<hbm>> -> memref<1x33408xf32, #tpu.memory_space<hbm>>
    %dma_wait3A_137 = tpu.memref_squeeze %dma_wait3A_136 : memref<1x33408xf32, #tpu.memory_space<hbm>> -> memref<33408xf32, #tpu.memory_space<hbm>>
    %dma_wait3A_138 = arith.constant 0 : i32
    %dma_wait3A_139 = tpu.memref_slice %arg7[%dma_wait3A_138] : memref<33536xf32, #tpu.memory_space<vmem>> -> memref<33408xf32, #tpu.memory_space<vmem>>
    %dma_wait3A_140 = arith.constant 66560 : i32
    %dma_wait3A_141 = tpu.memref_slice %arg4[%add3A_84, %dma_wait3A_140] : memref<64x100000xf32, #tpu.memory_space<hbm>> -> memref<1x33408xf32, #tpu.memory_space<hbm>>
    %dma_wait3A_142 = tpu.memref_squeeze %dma_wait3A_141 : memref<1x33408xf32, #tpu.memory_space<hbm>> -> memref<33408xf32, #tpu.memory_space<hbm>>
    tpu.wait_dma2 semaphore(%arg13 : memref<!tpu.dma_semaphore, #tpu.memory_space<semaphore_mem>>) src(%dma_wait3A_142 : memref<33408xf32, #tpu.memory_space<hbm>>) dst(%dma_wait3A_139 : memref<33408xf32, #tpu.memory_space<vmem>>)
    %dma_wait3A_143 = arith.constant 33408 : i32
    %dma_wait3A_144 = tpu.memref_slice %arg7[%dma_wait3A_143] : memref<33536xf32, #tpu.memory_space<vmem>> -> memref<128xf32, #tpu.memory_space<vmem>>
    %dma_wait3A_145 = arith.constant 0 : i32
    %dma_wait3A_146 = tpu.memref_slice %arg5[%add3A_84, %dma_wait3A_145] : memref<64x128xf32, #tpu.memory_space<hbm>> -> memref<1x128xf32, #tpu.memory_space<hbm>>
    %dma_wait3A_147 = tpu.memref_squeeze %dma_wait3A_146 : memref<1x128xf32, #tpu.memory_space<hbm>> -> memref<128xf32, #tpu.memory_space<hbm>>
    %dma_wait3A_148 = arith.constant 33408 : i32
    %dma_wait3A_149 = tpu.memref_slice %arg7[%dma_wait3A_148] : memref<33536xf32, #tpu.memory_space<vmem>> -> memref<128xf32, #tpu.memory_space<vmem>>
    %dma_wait3A_150 = arith.constant 0 : i32
    %dma_wait3A_151 = tpu.memref_slice %arg5[%add3A_84, %dma_wait3A_150] : memref<64x128xf32, #tpu.memory_space<hbm>> -> memref<1x128xf32, #tpu.memory_space<hbm>>
    %dma_wait3A_152 = tpu.memref_squeeze %dma_wait3A_151 : memref<1x128xf32, #tpu.memory_space<hbm>> -> memref<128xf32, #tpu.memory_space<hbm>>
    tpu.wait_dma2 semaphore(%arg13 : memref<!tpu.dma_semaphore, #tpu.memory_space<semaphore_mem>>) src(%dma_wait3A_152 : memref<128xf32, #tpu.memory_space<hbm>>) dst(%dma_wait3A_149 : memref<128xf32, #tpu.memory_space<vmem>>)
    %parallel_loop3A_153 = arith.constant 0 : i32
    %parallel_loop3A_154 = arith.constant 128 : i32
    %parallel_loop3A_155 = arith.constant 1 : i32
    %parallel_loop3A_156:8 = scf.for %parallel_loop3A_264 = %parallel_loop3A_153 to %parallel_loop3A_154 step %parallel_loop3A_155 iter_args(%parallel_loop3A_265 = %parallel_loop3A_118#0, %parallel_loop3A_266 = %parallel_loop3A_118#1, %parallel_loop3A_267 = %parallel_loop3A_118#2, %parallel_loop3A_268 = %parallel_loop3A_118#3, %parallel_loop3A_269 = %parallel_loop3A_118#4, %parallel_loop3A_270 = %parallel_loop3A_118#5, %parallel_loop3A_271 = %parallel_loop3A_118#6, %parallel_loop3A_272 = %parallel_loop3A_118#7) -> (vector<16xf32>, vector<16xf32>, vector<16xf32>, vector<16xf32>, vector<16xf32>, vector<16xf32>, vector<16xf32>, vector<16xf32>)  : i32 {
      %parallel_loop3A_273 = arith.constant 128 : i32
      %parallel_loop3A_274 = arith.muli %parallel_loop3A_264, %parallel_loop3A_273 : i32
      %parallel_loop3A_275 = arith.constant 0 : i32
      %parallel_loop3A_276 = arith.addi %parallel_loop3A_274, %parallel_loop3A_275 : i32
      %parallel_loop3A_277 = arith.index_cast %parallel_loop3A_276 : i32 to index
      %parallel_loop3A_278 = tpu.vector_load %arg9[%parallel_loop3A_277] {strides = array<i32>} : memref<16384xi32, #tpu.memory_space<vmem>>, vector<16xi32>,
      %parallel_loop3A_279 = arith.index_cast %parallel_loop3A_276 : i32 to index
      %parallel_loop3A_280 = tpu.vector_load %arg10[%parallel_loop3A_279] {strides = array<i32>} : memref<16384xf32, #tpu.memory_space<vmem>>, vector<16xf32>,
      %parallel_loop3A_281 = arith.constant 66560 : i32
      %parallel_loop3A_282 = vector.broadcast %parallel_loop3A_281 : i32 to vector<16xi32>
      %parallel_loop3A_283 = arith.cmpi sge, %parallel_loop3A_278, %parallel_loop3A_282 : vector<16xi32>
      %parallel_loop3A_284 = arith.constant 66560 : i32
      %parallel_loop3A_285 = vector.broadcast %parallel_loop3A_284 : i32 to vector<16xi32>
      %parallel_loop3A_286 = arith.subi %parallel_loop3A_278, %parallel_loop3A_285 : vector<16xi32>
      %parallel_loop3A_287 = tpu.vector_load_idx %arg7[%parallel_loop3A_286] masked %parallel_loop3A_283 : memref<33536xf32, #tpu.memory_space<vmem>>[vector<16xi32>], vector<16xf32>, vector<16xi1>
      %parallel_loop3A_288 = arith.subf %parallel_loop3A_280, %parallel_loop3A_287 : vector<16xf32>
      %parallel_loop3A_289 = arith.constant 0.000000e+00 : f32
      %parallel_loop3A_290 = vector.broadcast %parallel_loop3A_289 : f32 to vector<16xf32>
      %parallel_loop3A_291 = arith.select %parallel_loop3A_283, %parallel_loop3A_288, %parallel_loop3A_290 : vector<16xi1>, vector<16xf32>
      %parallel_loop3A_292 = arith.mulf %parallel_loop3A_291, %parallel_loop3A_291 : vector<16xf32>
      %parallel_loop3A_293 = arith.addf %parallel_loop3A_265, %parallel_loop3A_292 : vector<16xf32>
      %parallel_loop3A_294 = arith.constant 128 : i32
      %parallel_loop3A_295 = arith.muli %parallel_loop3A_264, %parallel_loop3A_294 : i32
      %parallel_loop3A_296 = arith.constant 16 : i32
      %parallel_loop3A_297 = arith.addi %parallel_loop3A_295, %parallel_loop3A_296 : i32
      %parallel_loop3A_298 = arith.index_cast %parallel_loop3A_297 : i32 to index
      %parallel_loop3A_299 = tpu.vector_load %arg9[%parallel_loop3A_298] {strides = array<i32>} : memref<16384xi32, #tpu.memory_space<vmem>>, vector<16xi32>,
      %parallel_loop3A_300 = arith.index_cast %parallel_loop3A_297 : i32 to index
      %parallel_loop3A_301 = tpu.vector_load %arg10[%parallel_loop3A_300] {strides = array<i32>} : memref<16384xf32, #tpu.memory_space<vmem>>, vector<16xf32>,
      %parallel_loop3A_302 = arith.constant 66560 : i32
      %parallel_loop3A_303 = vector.broadcast %parallel_loop3A_302 : i32 to vector<16xi32>
      %parallel_loop3A_304 = arith.cmpi sge, %parallel_loop3A_299, %parallel_loop3A_303 : vector<16xi32>
      %parallel_loop3A_305 = arith.constant 66560 : i32
      %parallel_loop3A_306 = vector.broadcast %parallel_loop3A_305 : i32 to vector<16xi32>
      %parallel_loop3A_307 = arith.subi %parallel_loop3A_299, %parallel_loop3A_306 : vector<16xi32>
      %parallel_loop3A_308 = tpu.vector_load_idx %arg7[%parallel_loop3A_307] masked %parallel_loop3A_304 : memref<33536xf32, #tpu.memory_space<vmem>>[vector<16xi32>], vector<16xf32>, vector<16xi1>
      %parallel_loop3A_309 = arith.subf %parallel_loop3A_301, %parallel_loop3A_308 : vector<16xf32>
      %parallel_loop3A_310 = arith.constant 0.000000e+00 : f32
      %parallel_loop3A_311 = vector.broadcast %parallel_loop3A_310 : f32 to vector<16xf32>
      %parallel_loop3A_312 = arith.select %parallel_loop3A_304, %parallel_loop3A_309, %parallel_loop3A_311 : vector<16xi1>, vector<16xf32>
      %parallel_loop3A_313 = arith.mulf %parallel_loop3A_312, %parallel_loop3A_312 : vector<16xf32>
      %parallel_loop3A_314 = arith.addf %parallel_loop3A_266, %parallel_loop3A_313 : vector<16xf32>
      %parallel_loop3A_315 = arith.constant 128 : i32
      %parallel_loop3A_316 = arith.muli %parallel_loop3A_264, %parallel_loop3A_315 : i32
      %parallel_loop3A_317 = arith.constant 32 : i32
      %parallel_loop3A_318 = arith.addi %parallel_loop3A_316, %parallel_loop3A_317 : i32
      %parallel_loop3A_319 = arith.index_cast %parallel_loop3A_318 : i32 to index
      %parallel_loop3A_320 = tpu.vector_load %arg9[%parallel_loop3A_319] {strides = array<i32>} : memref<16384xi32, #tpu.memory_space<vmem>>, vector<16xi32>,
      %parallel_loop3A_321 = arith.index_cast %parallel_loop3A_318 : i32 to index
      %parallel_loop3A_322 = tpu.vector_load %arg10[%parallel_loop3A_321] {strides = array<i32>} : memref<16384xf32, #tpu.memory_space<vmem>>, vector<16xf32>,
      %parallel_loop3A_323 = arith.constant 66560 : i32
      %parallel_loop3A_324 = vector.broadcast %parallel_loop3A_323 : i32 to vector<16xi32>
      %parallel_loop3A_325 = arith.cmpi sge, %parallel_loop3A_320, %parallel_loop3A_324 : vector<16xi32>
      %parallel_loop3A_326 = arith.constant 66560 : i32
      %parallel_loop3A_327 = vector.broadcast %parallel_loop3A_326 : i32 to vector<16xi32>
      %parallel_loop3A_328 = arith.subi %parallel_loop3A_320, %parallel_loop3A_327 : vector<16xi32>
      %parallel_loop3A_329 = tpu.vector_load_idx %arg7[%parallel_loop3A_328] masked %parallel_loop3A_325 : memref<33536xf32, #tpu.memory_space<vmem>>[vector<16xi32>], vector<16xf32>, vector<16xi1>
      %parallel_loop3A_330 = arith.subf %parallel_loop3A_322, %parallel_loop3A_329 : vector<16xf32>
      %parallel_loop3A_331 = arith.constant 0.000000e+00 : f32
      %parallel_loop3A_332 = vector.broadcast %parallel_loop3A_331 : f32 to vector<16xf32>
      %parallel_loop3A_333 = arith.select %parallel_loop3A_325, %parallel_loop3A_330, %parallel_loop3A_332 : vector<16xi1>, vector<16xf32>
      %parallel_loop3A_334 = arith.mulf %parallel_loop3A_333, %parallel_loop3A_333 : vector<16xf32>
      %parallel_loop3A_335 = arith.addf %parallel_loop3A_267, %parallel_loop3A_334 : vector<16xf32>
      %parallel_loop3A_336 = arith.constant 128 : i32
      %parallel_loop3A_337 = arith.muli %parallel_loop3A_264, %parallel_loop3A_336 : i32
      %parallel_loop3A_338 = arith.constant 48 : i32
      %parallel_loop3A_339 = arith.addi %parallel_loop3A_337, %parallel_loop3A_338 : i32
      %parallel_loop3A_340 = arith.index_cast %parallel_loop3A_339 : i32 to index
      %parallel_loop3A_341 = tpu.vector_load %arg9[%parallel_loop3A_340] {strides = array<i32>} : memref<16384xi32, #tpu.memory_space<vmem>>, vector<16xi32>,
      %parallel_loop3A_342 = arith.index_cast %parallel_loop3A_339 : i32 to index
      %parallel_loop3A_343 = tpu.vector_load %arg10[%parallel_loop3A_342] {strides = array<i32>} : memref<16384xf32, #tpu.memory_space<vmem>>, vector<16xf32>,
      %parallel_loop3A_344 = arith.constant 66560 : i32
      %parallel_loop3A_345 = vector.broadcast %parallel_loop3A_344 : i32 to vector<16xi32>
      %parallel_loop3A_346 = arith.cmpi sge, %parallel_loop3A_341, %parallel_loop3A_345 : vector<16xi32>
      %parallel_loop3A_347 = arith.constant 66560 : i32
      %parallel_loop3A_348 = vector.broadcast %parallel_loop3A_347 : i32 to vector<16xi32>
      %parallel_loop3A_349 = arith.subi %parallel_loop3A_341, %parallel_loop3A_348 : vector<16xi32>
      %parallel_loop3A_350 = tpu.vector_load_idx %arg7[%parallel_loop3A_349] masked %parallel_loop3A_346 : memref<33536xf32, #tpu.memory_space<vmem>>[vector<16xi32>], vector<16xf32>, vector<16xi1>
      %parallel_loop3A_351 = arith.subf %parallel_loop3A_343, %parallel_loop3A_350 : vector<16xf32>
      %parallel_loop3A_352 = arith.constant 0.000000e+00 : f32
      %parallel_loop3A_353 = vector.broadcast %parallel_loop3A_352 : f32 to vector<16xf32>
      %parallel_loop3A_354 = arith.select %parallel_loop3A_346, %parallel_loop3A_351, %parallel_loop3A_353 : vector<16xi1>, vector<16xf32>
      %parallel_loop3A_355 = arith.mulf %parallel_loop3A_354, %parallel_loop3A_354 : vector<16xf32>
      %parallel_loop3A_356 = arith.addf %parallel_loop3A_268, %parallel_loop3A_355 : vector<16xf32>
      %parallel_loop3A_357 = arith.constant 128 : i32
      %parallel_loop3A_358 = arith.muli %parallel_loop3A_264, %parallel_loop3A_357 : i32
      %parallel_loop3A_359 = arith.constant 64 : i32
      %parallel_loop3A_360 = arith.addi %parallel_loop3A_358, %parallel_loop3A_359 : i32
      %parallel_loop3A_361 = arith.index_cast %parallel_loop3A_360 : i32 to index
      %parallel_loop3A_362 = tpu.vector_load %arg9[%parallel_loop3A_361] {strides = array<i32>} : memref<16384xi32, #tpu.memory_space<vmem>>, vector<16xi32>,
      %parallel_loop3A_363 = arith.index_cast %parallel_loop3A_360 : i32 to index
      %parallel_loop3A_364 = tpu.vector_load %arg10[%parallel_loop3A_363] {strides = array<i32>} : memref<16384xf32, #tpu.memory_space<vmem>>, vector<16xf32>,
      %parallel_loop3A_365 = arith.constant 66560 : i32
      %parallel_loop3A_366 = vector.broadcast %parallel_loop3A_365 : i32 to vector<16xi32>
      %parallel_loop3A_367 = arith.cmpi sge, %parallel_loop3A_362, %parallel_loop3A_366 : vector<16xi32>
      %parallel_loop3A_368 = arith.constant 66560 : i32
      %parallel_loop3A_369 = vector.broadcast %parallel_loop3A_368 : i32 to vector<16xi32>
      %parallel_loop3A_370 = arith.subi %parallel_loop3A_362, %parallel_loop3A_369 : vector<16xi32>
      %parallel_loop3A_371 = tpu.vector_load_idx %arg7[%parallel_loop3A_370] masked %parallel_loop3A_367 : memref<33536xf32, #tpu.memory_space<vmem>>[vector<16xi32>], vector<16xf32>, vector<16xi1>
      %parallel_loop3A_372 = arith.subf %parallel_loop3A_364, %parallel_loop3A_371 : vector<16xf32>
      %parallel_loop3A_373 = arith.constant 0.000000e+00 : f32
      %parallel_loop3A_374 = vector.broadcast %parallel_loop3A_373 : f32 to vector<16xf32>
      %parallel_loop3A_375 = arith.select %parallel_loop3A_367, %parallel_loop3A_372, %parallel_loop3A_374 : vector<16xi1>, vector<16xf32>
      %parallel_loop3A_376 = arith.mulf %parallel_loop3A_375, %parallel_loop3A_375 : vector<16xf32>
      %parallel_loop3A_377 = arith.addf %parallel_loop3A_269, %parallel_loop3A_376 : vector<16xf32>
      %parallel_loop3A_378 = arith.constant 128 : i32
      %parallel_loop3A_379 = arith.muli %parallel_loop3A_264, %parallel_loop3A_378 : i32
      %parallel_loop3A_380 = arith.constant 80 : i32
      %parallel_loop3A_381 = arith.addi %parallel_loop3A_379, %parallel_loop3A_380 : i32
      %parallel_loop3A_382 = arith.index_cast %parallel_loop3A_381 : i32 to index
      %parallel_loop3A_383 = tpu.vector_load %arg9[%parallel_loop3A_382] {strides = array<i32>} : memref<16384xi32, #tpu.memory_space<vmem>>, vector<16xi32>,
      %parallel_loop3A_384 = arith.index_cast %parallel_loop3A_381 : i32 to index
      %parallel_loop3A_385 = tpu.vector_load %arg10[%parallel_loop3A_384] {strides = array<i32>} : memref<16384xf32, #tpu.memory_space<vmem>>, vector<16xf32>,
      %parallel_loop3A_386 = arith.constant 66560 : i32
      %parallel_loop3A_387 = vector.broadcast %parallel_loop3A_386 : i32 to vector<16xi32>
      %parallel_loop3A_388 = arith.cmpi sge, %parallel_loop3A_383, %parallel_loop3A_387 : vector<16xi32>
      %parallel_loop3A_389 = arith.constant 66560 : i32
      %parallel_loop3A_390 = vector.broadcast %parallel_loop3A_389 : i32 to vector<16xi32>
      %parallel_loop3A_391 = arith.subi %parallel_loop3A_383, %parallel_loop3A_390 : vector<16xi32>
      %parallel_loop3A_392 = tpu.vector_load_idx %arg7[%parallel_loop3A_391] masked %parallel_loop3A_388 : memref<33536xf32, #tpu.memory_space<vmem>>[vector<16xi32>], vector<16xf32>, vector<16xi1>
      %parallel_loop3A_393 = arith.subf %parallel_loop3A_385, %parallel_loop3A_392 : vector<16xf32>
      %parallel_loop3A_394 = arith.constant 0.000000e+00 : f32
      %parallel_loop3A_395 = vector.broadcast %parallel_loop3A_394 : f32 to vector<16xf32>
      %parallel_loop3A_396 = arith.select %parallel_loop3A_388, %parallel_loop3A_393, %parallel_loop3A_395 : vector<16xi1>, vector<16xf32>
      %parallel_loop3A_397 = arith.mulf %parallel_loop3A_396, %parallel_loop3A_396 : vector<16xf32>
      %parallel_loop3A_398 = arith.addf %parallel_loop3A_270, %parallel_loop3A_397 : vector<16xf32>
      %parallel_loop3A_399 = arith.constant 128 : i32
      %parallel_loop3A_400 = arith.muli %parallel_loop3A_264, %parallel_loop3A_399 : i32
      %parallel_loop3A_401 = arith.constant 96 : i32
      %parallel_loop3A_402 = arith.addi %parallel_loop3A_400, %parallel_loop3A_401 : i32
      %parallel_loop3A_403 = arith.index_cast %parallel_loop3A_402 : i32 to index
      %parallel_loop3A_404 = tpu.vector_load %arg9[%parallel_loop3A_403] {strides = array<i32>} : memref<16384xi32, #tpu.memory_space<vmem>>, vector<16xi32>,
      %parallel_loop3A_405 = arith.index_cast %parallel_loop3A_402 : i32 to index
      %parallel_loop3A_406 = tpu.vector_load %arg10[%parallel_loop3A_405] {strides = array<i32>} : memref<16384xf32, #tpu.memory_space<vmem>>, vector<16xf32>,
      %parallel_loop3A_407 = arith.constant 66560 : i32
      %parallel_loop3A_408 = vector.broadcast %parallel_loop3A_407 : i32 to vector<16xi32>
      %parallel_loop3A_409 = arith.cmpi sge, %parallel_loop3A_404, %parallel_loop3A_408 : vector<16xi32>
      %parallel_loop3A_410 = arith.constant 66560 : i32
      %parallel_loop3A_411 = vector.broadcast %parallel_loop3A_410 : i32 to vector<16xi32>
      %parallel_loop3A_412 = arith.subi %parallel_loop3A_404, %parallel_loop3A_411 : vector<16xi32>
      %parallel_loop3A_413 = tpu.vector_load_idx %arg7[%parallel_loop3A_412] masked %parallel_loop3A_409 : memref<33536xf32, #tpu.memory_space<vmem>>[vector<16xi32>], vector<16xf32>, vector<16xi1>
      %parallel_loop3A_414 = arith.subf %parallel_loop3A_406, %parallel_loop3A_413 : vector<16xf32>
      %parallel_loop3A_415 = arith.constant 0.000000e+00 : f32
      %parallel_loop3A_416 = vector.broadcast %parallel_loop3A_415 : f32 to vector<16xf32>
      %parallel_loop3A_417 = arith.select %parallel_loop3A_409, %parallel_loop3A_414, %parallel_loop3A_416 : vector<16xi1>, vector<16xf32>
      %parallel_loop3A_418 = arith.mulf %parallel_loop3A_417, %parallel_loop3A_417 : vector<16xf32>
      %parallel_loop3A_419 = arith.addf %parallel_loop3A_271, %parallel_loop3A_418 : vector<16xf32>
      %parallel_loop3A_420 = arith.constant 128 : i32
      %parallel_loop3A_421 = arith.muli %parallel_loop3A_264, %parallel_loop3A_420 : i32
      %parallel_loop3A_422 = arith.constant 112 : i32
      %parallel_loop3A_423 = arith.addi %parallel_loop3A_421, %parallel_loop3A_422 : i32
      %parallel_loop3A_424 = arith.index_cast %parallel_loop3A_423 : i32 to index
      %parallel_loop3A_425 = tpu.vector_load %arg9[%parallel_loop3A_424] {strides = array<i32>} : memref<16384xi32, #tpu.memory_space<vmem>>, vector<16xi32>,
      %parallel_loop3A_426 = arith.index_cast %parallel_loop3A_423 : i32 to index
      %parallel_loop3A_427 = tpu.vector_load %arg10[%parallel_loop3A_426] {strides = array<i32>} : memref<16384xf32, #tpu.memory_space<vmem>>, vector<16xf32>,
      %parallel_loop3A_428 = arith.constant 66560 : i32
      %parallel_loop3A_429 = vector.broadcast %parallel_loop3A_428 : i32 to vector<16xi32>
      %parallel_loop3A_430 = arith.cmpi sge, %parallel_loop3A_425, %parallel_loop3A_429 : vector<16xi32>
      %parallel_loop3A_431 = arith.constant 66560 : i32
      %parallel_loop3A_432 = vector.broadcast %parallel_loop3A_431 : i32 to vector<16xi32>
      %parallel_loop3A_433 = arith.subi %parallel_loop3A_425, %parallel_loop3A_432 : vector<16xi32>
      %parallel_loop3A_434 = tpu.vector_load_idx %arg7[%parallel_loop3A_433] masked %parallel_loop3A_430 : memref<33536xf32, #tpu.memory_space<vmem>>[vector<16xi32>], vector<16xf32>, vector<16xi1>
      %parallel_loop3A_435 = arith.subf %parallel_loop3A_427, %parallel_loop3A_434 : vector<16xf32>
      %parallel_loop3A_436 = arith.constant 0.000000e+00 : f32
      %parallel_loop3A_437 = vector.broadcast %parallel_loop3A_436 : f32 to vector<16xf32>
      %parallel_loop3A_438 = arith.select %parallel_loop3A_430, %parallel_loop3A_435, %parallel_loop3A_437 : vector<16xi1>, vector<16xf32>
      %parallel_loop3A_439 = arith.mulf %parallel_loop3A_438, %parallel_loop3A_438 : vector<16xf32>
      %parallel_loop3A_440 = arith.addf %parallel_loop3A_272, %parallel_loop3A_439 : vector<16xf32>
      scf.yield %parallel_loop3A_293, %parallel_loop3A_314, %parallel_loop3A_335, %parallel_loop3A_356, %parallel_loop3A_377, %parallel_loop3A_398, %parallel_loop3A_419, %parallel_loop3A_440 : vector<16xf32>, vector<16xf32>, vector<16xf32>, vector<16xf32>, vector<16xf32>, vector<16xf32>, vector<16xf32>, vector<16xf32>
    } {sc.loop_unroll_factor = 1 : i64, sc.parallel_access}
    %mul3A_157 = arith.constant 2 : i32
    %mul3A_158 = arith.muli %add3A, %mul3A_157 : i32
    %add3A_159 = arith.constant 1 : i32
    %add3A_160 = arith.addi %mul3A_158, %add3A_159 : i32
    %dma_start3A_161 = arith.constant 0 : i32
    %dma_start3A_162 = tpu.memref_slice %arg7[%dma_start3A_161] : memref<33536xf32, #tpu.memory_space<vmem>> -> memref<33280xf32, #tpu.memory_space<vmem>>
    %dma_start3A_163 = arith.constant 33280 : i32
    %dma_start3A_164 = tpu.memref_slice %arg4[%add3A_160, %dma_start3A_163] : memref<64x100000xf32, #tpu.memory_space<hbm>> -> memref<1x33280xf32, #tpu.memory_space<hbm>>
    %dma_start3A_165 = tpu.memref_squeeze %dma_start3A_164 : memref<1x33280xf32, #tpu.memory_space<hbm>> -> memref<33280xf32, #tpu.memory_space<hbm>>
    %dma_start3A_166 = arith.constant 0 : i32
    %dma_start3A_167 = tpu.memref_slice %arg7[%dma_start3A_166] : memref<33536xf32, #tpu.memory_space<vmem>> -> memref<33280xf32, #tpu.memory_space<vmem>>
    %dma_start3A_168 = arith.constant 33280 : i32
    %dma_start3A_169 = tpu.memref_slice %arg4[%add3A_160, %dma_start3A_168] : memref<64x100000xf32, #tpu.memory_space<hbm>> -> memref<1x33280xf32, #tpu.memory_space<hbm>>
    %dma_start3A_170 = tpu.memref_squeeze %dma_start3A_169 : memref<1x33280xf32, #tpu.memory_space<hbm>> -> memref<33280xf32, #tpu.memory_space<hbm>>
    tpu.enqueue_dma source(%dma_start3A_170 : memref<33280xf32, #tpu.memory_space<hbm>>) target(%dma_start3A_167 : memref<33280xf32, #tpu.memory_space<vmem>>) target_semaphore(%arg13 : memref<!tpu.dma_semaphore, #tpu.memory_space<semaphore_mem>>)
    %dma_wait3A_171 = arith.constant 0 : i32
    %dma_wait3A_172 = tpu.memref_slice %arg2[%add3A_61, %dma_wait3A_171] : memref<64x16384xf32, #tpu.memory_space<hbm>> -> memref<1x16384xf32, #tpu.memory_space<hbm>>
    %dma_wait3A_173 = tpu.memref_squeeze %dma_wait3A_172 : memref<1x16384xf32, #tpu.memory_space<hbm>> -> memref<16384xf32, #tpu.memory_space<hbm>>
    %dma_wait3A_174 = arith.constant 0 : i32
    %dma_wait3A_175 = tpu.memref_slice %arg2[%add3A_61, %dma_wait3A_174] : memref<64x16384xf32, #tpu.memory_space<hbm>> -> memref<1x16384xf32, #tpu.memory_space<hbm>>
    %dma_wait3A_176 = tpu.memref_squeeze %dma_wait3A_175 : memref<1x16384xf32, #tpu.memory_space<hbm>> -> memref<16384xf32, #tpu.memory_space<hbm>>
    tpu.wait_dma2 semaphore(%arg16 : memref<!tpu.dma_semaphore, #tpu.memory_space<semaphore_mem>>) src(%dma_wait3A_176 : memref<16384xf32, #tpu.memory_space<hbm>>) dst(%arg11 : memref<16384xf32, #tpu.memory_space<vmem>>)
    %dma_wait3A_177 = arith.constant 0 : i32
    %dma_wait3A_178 = tpu.memref_slice %arg8[%dma_wait3A_177] : memref<33536xf32, #tpu.memory_space<vmem>> -> memref<33280xf32, #tpu.memory_space<vmem>>
    %dma_wait3A_179 = arith.constant 0 : i32
    %dma_wait3A_180 = tpu.memref_slice %arg4[%add3A_122, %dma_wait3A_179] : memref<64x100000xf32, #tpu.memory_space<hbm>> -> memref<1x33280xf32, #tpu.memory_space<hbm>>
    %dma_wait3A_181 = tpu.memref_squeeze %dma_wait3A_180 : memref<1x33280xf32, #tpu.memory_space<hbm>> -> memref<33280xf32, #tpu.memory_space<hbm>>
    %dma_wait3A_182 = arith.constant 0 : i32
    %dma_wait3A_183 = tpu.memref_slice %arg8[%dma_wait3A_182] : memref<33536xf32, #tpu.memory_space<vmem>> -> memref<33280xf32, #tpu.memory_space<vmem>>
    %dma_wait3A_184 = arith.constant 0 : i32
    %dma_wait3A_185 = tpu.memref_slice %arg4[%add3A_122, %dma_wait3A_184] : memref<64x100000xf32, #tpu.memory_space<hbm>> -> memref<1x33280xf32, #tpu.memory_space<hbm>>
    %dma_wait3A_186 = tpu.memref_squeeze %dma_wait3A_185 : memref<1x33280xf32, #tpu.memory_space<hbm>> -> memref<33280xf32, #tpu.memory_space<hbm>>
    tpu.wait_dma2 semaphore(%arg14 : memref<!tpu.dma_semaphore, #tpu.memory_space<semaphore_mem>>) src(%dma_wait3A_186 : memref<33280xf32, #tpu.memory_space<hbm>>) dst(%dma_wait3A_183 : memref<33280xf32, #tpu.memory_space<vmem>>)
    %parallel_loop3A_187 = arith.constant 0 : i32
    %parallel_loop3A_188 = arith.constant 128 : i32
    %parallel_loop3A_189 = arith.constant 1 : i32
    %parallel_loop3A_190:8 = scf.for %parallel_loop3A_264 = %parallel_loop3A_187 to %parallel_loop3A_188 step %parallel_loop3A_189 iter_args(%parallel_loop3A_265 = %parallel_loop3A_156#0, %parallel_loop3A_266 = %parallel_loop3A_156#1, %parallel_loop3A_267 = %parallel_loop3A_156#2, %parallel_loop3A_268 = %parallel_loop3A_156#3, %parallel_loop3A_269 = %parallel_loop3A_156#4, %parallel_loop3A_270 = %parallel_loop3A_156#5, %parallel_loop3A_271 = %parallel_loop3A_156#6, %parallel_loop3A_272 = %parallel_loop3A_156#7) -> (vector<16xf32>, vector<16xf32>, vector<16xf32>, vector<16xf32>, vector<16xf32>, vector<16xf32>, vector<16xf32>, vector<16xf32>)  : i32 {
      %parallel_loop3A_273 = arith.constant 128 : i32
      %parallel_loop3A_274 = arith.muli %parallel_loop3A_264, %parallel_loop3A_273 : i32
      %parallel_loop3A_275 = arith.constant 0 : i32
      %parallel_loop3A_276 = arith.addi %parallel_loop3A_274, %parallel_loop3A_275 : i32
      %parallel_loop3A_277 = arith.index_cast %parallel_loop3A_276 : i32 to index
      %parallel_loop3A_278 = tpu.vector_load %arg9[%parallel_loop3A_277] {strides = array<i32>} : memref<16384xi32, #tpu.memory_space<vmem>>, vector<16xi32>,
      %parallel_loop3A_279 = arith.index_cast %parallel_loop3A_276 : i32 to index
      %parallel_loop3A_280 = tpu.vector_load %arg11[%parallel_loop3A_279] {strides = array<i32>} : memref<16384xf32, #tpu.memory_space<vmem>>, vector<16xf32>,
      %parallel_loop3A_281 = arith.constant 33280 : i32
      %parallel_loop3A_282 = vector.broadcast %parallel_loop3A_281 : i32 to vector<16xi32>
      %parallel_loop3A_283 = arith.cmpi slt, %parallel_loop3A_278, %parallel_loop3A_282 : vector<16xi32>
      %parallel_loop3A_284 = tpu.vector_load_idx %arg8[%parallel_loop3A_278] masked %parallel_loop3A_283 : memref<33536xf32, #tpu.memory_space<vmem>>[vector<16xi32>], vector<16xf32>, vector<16xi1>
      %parallel_loop3A_285 = arith.subf %parallel_loop3A_280, %parallel_loop3A_284 : vector<16xf32>
      %parallel_loop3A_286 = arith.constant 0.000000e+00 : f32
      %parallel_loop3A_287 = vector.broadcast %parallel_loop3A_286 : f32 to vector<16xf32>
      %parallel_loop3A_288 = arith.select %parallel_loop3A_283, %parallel_loop3A_285, %parallel_loop3A_287 : vector<16xi1>, vector<16xf32>
      %parallel_loop3A_289 = arith.mulf %parallel_loop3A_288, %parallel_loop3A_288 : vector<16xf32>
      %parallel_loop3A_290 = arith.addf %parallel_loop3A_265, %parallel_loop3A_289 : vector<16xf32>
      %parallel_loop3A_291 = arith.constant 128 : i32
      %parallel_loop3A_292 = arith.muli %parallel_loop3A_264, %parallel_loop3A_291 : i32
      %parallel_loop3A_293 = arith.constant 16 : i32
      %parallel_loop3A_294 = arith.addi %parallel_loop3A_292, %parallel_loop3A_293 : i32
      %parallel_loop3A_295 = arith.index_cast %parallel_loop3A_294 : i32 to index
      %parallel_loop3A_296 = tpu.vector_load %arg9[%parallel_loop3A_295] {strides = array<i32>} : memref<16384xi32, #tpu.memory_space<vmem>>, vector<16xi32>,
      %parallel_loop3A_297 = arith.index_cast %parallel_loop3A_294 : i32 to index
      %parallel_loop3A_298 = tpu.vector_load %arg11[%parallel_loop3A_297] {strides = array<i32>} : memref<16384xf32, #tpu.memory_space<vmem>>, vector<16xf32>,
      %parallel_loop3A_299 = arith.constant 33280 : i32
      %parallel_loop3A_300 = vector.broadcast %parallel_loop3A_299 : i32 to vector<16xi32>
      %parallel_loop3A_301 = arith.cmpi slt, %parallel_loop3A_296, %parallel_loop3A_300 : vector<16xi32>
      %parallel_loop3A_302 = tpu.vector_load_idx %arg8[%parallel_loop3A_296] masked %parallel_loop3A_301 : memref<33536xf32, #tpu.memory_space<vmem>>[vector<16xi32>], vector<16xf32>, vector<16xi1>
      %parallel_loop3A_303 = arith.subf %parallel_loop3A_298, %parallel_loop3A_302 : vector<16xf32>
      %parallel_loop3A_304 = arith.constant 0.000000e+00 : f32
      %parallel_loop3A_305 = vector.broadcast %parallel_loop3A_304 : f32 to vector<16xf32>
      %parallel_loop3A_306 = arith.select %parallel_loop3A_301, %parallel_loop3A_303, %parallel_loop3A_305 : vector<16xi1>, vector<16xf32>
      %parallel_loop3A_307 = arith.mulf %parallel_loop3A_306, %parallel_loop3A_306 : vector<16xf32>
      %parallel_loop3A_308 = arith.addf %parallel_loop3A_266, %parallel_loop3A_307 : vector<16xf32>
      %parallel_loop3A_309 = arith.constant 128 : i32
      %parallel_loop3A_310 = arith.muli %parallel_loop3A_264, %parallel_loop3A_309 : i32
      %parallel_loop3A_311 = arith.constant 32 : i32
      %parallel_loop3A_312 = arith.addi %parallel_loop3A_310, %parallel_loop3A_311 : i32
      %parallel_loop3A_313 = arith.index_cast %parallel_loop3A_312 : i32 to index
      %parallel_loop3A_314 = tpu.vector_load %arg9[%parallel_loop3A_313] {strides = array<i32>} : memref<16384xi32, #tpu.memory_space<vmem>>, vector<16xi32>,
      %parallel_loop3A_315 = arith.index_cast %parallel_loop3A_312 : i32 to index
      %parallel_loop3A_316 = tpu.vector_load %arg11[%parallel_loop3A_315] {strides = array<i32>} : memref<16384xf32, #tpu.memory_space<vmem>>, vector<16xf32>,
      %parallel_loop3A_317 = arith.constant 33280 : i32
      %parallel_loop3A_318 = vector.broadcast %parallel_loop3A_317 : i32 to vector<16xi32>
      %parallel_loop3A_319 = arith.cmpi slt, %parallel_loop3A_314, %parallel_loop3A_318 : vector<16xi32>
      %parallel_loop3A_320 = tpu.vector_load_idx %arg8[%parallel_loop3A_314] masked %parallel_loop3A_319 : memref<33536xf32, #tpu.memory_space<vmem>>[vector<16xi32>], vector<16xf32>, vector<16xi1>
      %parallel_loop3A_321 = arith.subf %parallel_loop3A_316, %parallel_loop3A_320 : vector<16xf32>
      %parallel_loop3A_322 = arith.constant 0.000000e+00 : f32
      %parallel_loop3A_323 = vector.broadcast %parallel_loop3A_322 : f32 to vector<16xf32>
      %parallel_loop3A_324 = arith.select %parallel_loop3A_319, %parallel_loop3A_321, %parallel_loop3A_323 : vector<16xi1>, vector<16xf32>
      %parallel_loop3A_325 = arith.mulf %parallel_loop3A_324, %parallel_loop3A_324 : vector<16xf32>
      %parallel_loop3A_326 = arith.addf %parallel_loop3A_267, %parallel_loop3A_325 : vector<16xf32>
      %parallel_loop3A_327 = arith.constant 128 : i32
      %parallel_loop3A_328 = arith.muli %parallel_loop3A_264, %parallel_loop3A_327 : i32
      %parallel_loop3A_329 = arith.constant 48 : i32
      %parallel_loop3A_330 = arith.addi %parallel_loop3A_328, %parallel_loop3A_329 : i32
      %parallel_loop3A_331 = arith.index_cast %parallel_loop3A_330 : i32 to index
      %parallel_loop3A_332 = tpu.vector_load %arg9[%parallel_loop3A_331] {strides = array<i32>} : memref<16384xi32, #tpu.memory_space<vmem>>, vector<16xi32>,
      %parallel_loop3A_333 = arith.index_cast %parallel_loop3A_330 : i32 to index
      %parallel_loop3A_334 = tpu.vector_load %arg11[%parallel_loop3A_333] {strides = array<i32>} : memref<16384xf32, #tpu.memory_space<vmem>>, vector<16xf32>,
      %parallel_loop3A_335 = arith.constant 33280 : i32
      %parallel_loop3A_336 = vector.broadcast %parallel_loop3A_335 : i32 to vector<16xi32>
      %parallel_loop3A_337 = arith.cmpi slt, %parallel_loop3A_332, %parallel_loop3A_336 : vector<16xi32>
      %parallel_loop3A_338 = tpu.vector_load_idx %arg8[%parallel_loop3A_332] masked %parallel_loop3A_337 : memref<33536xf32, #tpu.memory_space<vmem>>[vector<16xi32>], vector<16xf32>, vector<16xi1>
      %parallel_loop3A_339 = arith.subf %parallel_loop3A_334, %parallel_loop3A_338 : vector<16xf32>
      %parallel_loop3A_340 = arith.constant 0.000000e+00 : f32
      %parallel_loop3A_341 = vector.broadcast %parallel_loop3A_340 : f32 to vector<16xf32>
      %parallel_loop3A_342 = arith.select %parallel_loop3A_337, %parallel_loop3A_339, %parallel_loop3A_341 : vector<16xi1>, vector<16xf32>
      %parallel_loop3A_343 = arith.mulf %parallel_loop3A_342, %parallel_loop3A_342 : vector<16xf32>
      %parallel_loop3A_344 = arith.addf %parallel_loop3A_268, %parallel_loop3A_343 : vector<16xf32>
      %parallel_loop3A_345 = arith.constant 128 : i32
      %parallel_loop3A_346 = arith.muli %parallel_loop3A_264, %parallel_loop3A_345 : i32
      %parallel_loop3A_347 = arith.constant 64 : i32
      %parallel_loop3A_348 = arith.addi %parallel_loop3A_346, %parallel_loop3A_347 : i32
      %parallel_loop3A_349 = arith.index_cast %parallel_loop3A_348 : i32 to index
      %parallel_loop3A_350 = tpu.vector_load %arg9[%parallel_loop3A_349] {strides = array<i32>} : memref<16384xi32, #tpu.memory_space<vmem>>, vector<16xi32>,
      %parallel_loop3A_351 = arith.index_cast %parallel_loop3A_348 : i32 to index
      %parallel_loop3A_352 = tpu.vector_load %arg11[%parallel_loop3A_351] {strides = array<i32>} : memref<16384xf32, #tpu.memory_space<vmem>>, vector<16xf32>,
      %parallel_loop3A_353 = arith.constant 33280 : i32
      %parallel_loop3A_354 = vector.broadcast %parallel_loop3A_353 : i32 to vector<16xi32>
      %parallel_loop3A_355 = arith.cmpi slt, %parallel_loop3A_350, %parallel_loop3A_354 : vector<16xi32>
      %parallel_loop3A_356 = tpu.vector_load_idx %arg8[%parallel_loop3A_350] masked %parallel_loop3A_355 : memref<33536xf32, #tpu.memory_space<vmem>>[vector<16xi32>], vector<16xf32>, vector<16xi1>
      %parallel_loop3A_357 = arith.subf %parallel_loop3A_352, %parallel_loop3A_356 : vector<16xf32>
      %parallel_loop3A_358 = arith.constant 0.000000e+00 : f32
      %parallel_loop3A_359 = vector.broadcast %parallel_loop3A_358 : f32 to vector<16xf32>
      %parallel_loop3A_360 = arith.select %parallel_loop3A_355, %parallel_loop3A_357, %parallel_loop3A_359 : vector<16xi1>, vector<16xf32>
      %parallel_loop3A_361 = arith.mulf %parallel_loop3A_360, %parallel_loop3A_360 : vector<16xf32>
      %parallel_loop3A_362 = arith.addf %parallel_loop3A_269, %parallel_loop3A_361 : vector<16xf32>
      %parallel_loop3A_363 = arith.constant 128 : i32
      %parallel_loop3A_364 = arith.muli %parallel_loop3A_264, %parallel_loop3A_363 : i32
      %parallel_loop3A_365 = arith.constant 80 : i32
      %parallel_loop3A_366 = arith.addi %parallel_loop3A_364, %parallel_loop3A_365 : i32
      %parallel_loop3A_367 = arith.index_cast %parallel_loop3A_366 : i32 to index
      %parallel_loop3A_368 = tpu.vector_load %arg9[%parallel_loop3A_367] {strides = array<i32>} : memref<16384xi32, #tpu.memory_space<vmem>>, vector<16xi32>,
      %parallel_loop3A_369 = arith.index_cast %parallel_loop3A_366 : i32 to index
      %parallel_loop3A_370 = tpu.vector_load %arg11[%parallel_loop3A_369] {strides = array<i32>} : memref<16384xf32, #tpu.memory_space<vmem>>, vector<16xf32>,
      %parallel_loop3A_371 = arith.constant 33280 : i32
      %parallel_loop3A_372 = vector.broadcast %parallel_loop3A_371 : i32 to vector<16xi32>
      %parallel_loop3A_373 = arith.cmpi slt, %parallel_loop3A_368, %parallel_loop3A_372 : vector<16xi32>
      %parallel_loop3A_374 = tpu.vector_load_idx %arg8[%parallel_loop3A_368] masked %parallel_loop3A_373 : memref<33536xf32, #tpu.memory_space<vmem>>[vector<16xi32>], vector<16xf32>, vector<16xi1>
      %parallel_loop3A_375 = arith.subf %parallel_loop3A_370, %parallel_loop3A_374 : vector<16xf32>
      %parallel_loop3A_376 = arith.constant 0.000000e+00 : f32
      %parallel_loop3A_377 = vector.broadcast %parallel_loop3A_376 : f32 to vector<16xf32>
      %parallel_loop3A_378 = arith.select %parallel_loop3A_373, %parallel_loop3A_375, %parallel_loop3A_377 : vector<16xi1>, vector<16xf32>
      %parallel_loop3A_379 = arith.mulf %parallel_loop3A_378, %parallel_loop3A_378 : vector<16xf32>
      %parallel_loop3A_380 = arith.addf %parallel_loop3A_270, %parallel_loop3A_379 : vector<16xf32>
      %parallel_loop3A_381 = arith.constant 128 : i32
      %parallel_loop3A_382 = arith.muli %parallel_loop3A_264, %parallel_loop3A_381 : i32
      %parallel_loop3A_383 = arith.constant 96 : i32
      %parallel_loop3A_384 = arith.addi %parallel_loop3A_382, %parallel_loop3A_383 : i32
      %parallel_loop3A_385 = arith.index_cast %parallel_loop3A_384 : i32 to index
      %parallel_loop3A_386 = tpu.vector_load %arg9[%parallel_loop3A_385] {strides = array<i32>} : memref<16384xi32, #tpu.memory_space<vmem>>, vector<16xi32>,
      %parallel_loop3A_387 = arith.index_cast %parallel_loop3A_384 : i32 to index
      %parallel_loop3A_388 = tpu.vector_load %arg11[%parallel_loop3A_387] {strides = array<i32>} : memref<16384xf32, #tpu.memory_space<vmem>>, vector<16xf32>,
      %parallel_loop3A_389 = arith.constant 33280 : i32
      %parallel_loop3A_390 = vector.broadcast %parallel_loop3A_389 : i32 to vector<16xi32>
      %parallel_loop3A_391 = arith.cmpi slt, %parallel_loop3A_386, %parallel_loop3A_390 : vector<16xi32>
      %parallel_loop3A_392 = tpu.vector_load_idx %arg8[%parallel_loop3A_386] masked %parallel_loop3A_391 : memref<33536xf32, #tpu.memory_space<vmem>>[vector<16xi32>], vector<16xf32>, vector<16xi1>
      %parallel_loop3A_393 = arith.subf %parallel_loop3A_388, %parallel_loop3A_392 : vector<16xf32>
      %parallel_loop3A_394 = arith.constant 0.000000e+00 : f32
      %parallel_loop3A_395 = vector.broadcast %parallel_loop3A_394 : f32 to vector<16xf32>
      %parallel_loop3A_396 = arith.select %parallel_loop3A_391, %parallel_loop3A_393, %parallel_loop3A_395 : vector<16xi1>, vector<16xf32>
      %parallel_loop3A_397 = arith.mulf %parallel_loop3A_396, %parallel_loop3A_396 : vector<16xf32>
      %parallel_loop3A_398 = arith.addf %parallel_loop3A_271, %parallel_loop3A_397 : vector<16xf32>
      %parallel_loop3A_399 = arith.constant 128 : i32
      %parallel_loop3A_400 = arith.muli %parallel_loop3A_264, %parallel_loop3A_399 : i32
      %parallel_loop3A_401 = arith.constant 112 : i32
      %parallel_loop3A_402 = arith.addi %parallel_loop3A_400, %parallel_loop3A_401 : i32
      %parallel_loop3A_403 = arith.index_cast %parallel_loop3A_402 : i32 to index
      %parallel_loop3A_404 = tpu.vector_load %arg9[%parallel_loop3A_403] {strides = array<i32>} : memref<16384xi32, #tpu.memory_space<vmem>>, vector<16xi32>,
      %parallel_loop3A_405 = arith.index_cast %parallel_loop3A_402 : i32 to index
      %parallel_loop3A_406 = tpu.vector_load %arg11[%parallel_loop3A_405] {strides = array<i32>} : memref<16384xf32, #tpu.memory_space<vmem>>, vector<16xf32>,
      %parallel_loop3A_407 = arith.constant 33280 : i32
      %parallel_loop3A_408 = vector.broadcast %parallel_loop3A_407 : i32 to vector<16xi32>
      %parallel_loop3A_409 = arith.cmpi slt, %parallel_loop3A_404, %parallel_loop3A_408 : vector<16xi32>
      %parallel_loop3A_410 = tpu.vector_load_idx %arg8[%parallel_loop3A_404] masked %parallel_loop3A_409 : memref<33536xf32, #tpu.memory_space<vmem>>[vector<16xi32>], vector<16xf32>, vector<16xi1>
      %parallel_loop3A_411 = arith.subf %parallel_loop3A_406, %parallel_loop3A_410 : vector<16xf32>
      %parallel_loop3A_412 = arith.constant 0.000000e+00 : f32
      %parallel_loop3A_413 = vector.broadcast %parallel_loop3A_412 : f32 to vector<16xf32>
      %parallel_loop3A_414 = arith.select %parallel_loop3A_409, %parallel_loop3A_411, %parallel_loop3A_413 : vector<16xi1>, vector<16xf32>
      %parallel_loop3A_415 = arith.mulf %parallel_loop3A_414, %parallel_loop3A_414 : vector<16xf32>
      %parallel_loop3A_416 = arith.addf %parallel_loop3A_272, %parallel_loop3A_415 : vector<16xf32>
      scf.yield %parallel_loop3A_290, %parallel_loop3A_308, %parallel_loop3A_326, %parallel_loop3A_344, %parallel_loop3A_362, %parallel_loop3A_380, %parallel_loop3A_398, %parallel_loop3A_416 : vector<16xf32>, vector<16xf32>, vector<16xf32>, vector<16xf32>, vector<16xf32>, vector<16xf32>, vector<16xf32>, vector<16xf32>
    } {sc.loop_unroll_factor = 1 : i64, sc.parallel_access}
    %mul3A_191 = arith.constant 2 : i32
    %mul3A_192 = arith.muli %add3A, %mul3A_191 : i32
    %add3A_193 = arith.constant 1 : i32
    %add3A_194 = arith.addi %mul3A_192, %add3A_193 : i32
    %dma_start3A_195 = arith.constant 0 : i32
    %dma_start3A_196 = tpu.memref_slice %arg8[%dma_start3A_195] : memref<33536xf32, #tpu.memory_space<vmem>> -> memref<33408xf32, #tpu.memory_space<vmem>>
    %dma_start3A_197 = arith.constant 66560 : i32
    %dma_start3A_198 = tpu.memref_slice %arg4[%add3A_194, %dma_start3A_197] : memref<64x100000xf32, #tpu.memory_space<hbm>> -> memref<1x33408xf32, #tpu.memory_space<hbm>>
    %dma_start3A_199 = tpu.memref_squeeze %dma_start3A_198 : memref<1x33408xf32, #tpu.memory_space<hbm>> -> memref<33408xf32, #tpu.memory_space<hbm>>
    %dma_start3A_200 = arith.constant 0 : i32
    %dma_start3A_201 = tpu.memref_slice %arg8[%dma_start3A_200] : memref<33536xf32, #tpu.memory_space<vmem>> -> memref<33408xf32, #tpu.memory_space<vmem>>
    %dma_start3A_202 = arith.constant 66560 : i32
    %dma_start3A_203 = tpu.memref_slice %arg4[%add3A_194, %dma_start3A_202] : memref<64x100000xf32, #tpu.memory_space<hbm>> -> memref<1x33408xf32, #tpu.memory_space<hbm>>
    %dma_start3A_204 = tpu.memref_squeeze %dma_start3A_203 : memref<1x33408xf32, #tpu.memory_space<hbm>> -> memref<33408xf32, #tpu.memory_space<hbm>>
    tpu.enqueue_dma source(%dma_start3A_204 : memref<33408xf32, #tpu.memory_space<hbm>>) target(%dma_start3A_201 : memref<33408xf32, #tpu.memory_space<vmem>>) target_semaphore(%arg14 : memref<!tpu.dma_semaphore, #tpu.memory_space<semaphore_mem>>)
    %dma_start3A_205 = arith.constant 33408 : i32
    %dma_start3A_206 = tpu.memref_slice %arg8[%dma_start3A_205] : memref<33536xf32, #tpu.memory_space<vmem>> -> memref<128xf32, #tpu.memory_space<vmem>>
    %dma_start3A_207 = arith.constant 0 : i32
    %dma_start3A_208 = tpu.memref_slice %arg5[%add3A_194, %dma_start3A_207] : memref<64x128xf32, #tpu.memory_space<hbm>> -> memref<1x128xf32, #tpu.memory_space<hbm>>
    %dma_start3A_209 = tpu.memref_squeeze %dma_start3A_208 : memref<1x128xf32, #tpu.memory_space<hbm>> -> memref<128xf32, #tpu.memory_space<hbm>>
    %dma_start3A_210 = arith.constant 33408 : i32
    %dma_start3A_211 = tpu.memref_slice %arg8[%dma_start3A_210] : memref<33536xf32, #tpu.memory_space<vmem>> -> memref<128xf32, #tpu.memory_space<vmem>>
    %dma_start3A_212 = arith.constant 0 : i32
    %dma_start3A_213 = tpu.memref_slice %arg5[%add3A_194, %dma_start3A_212] : memref<64x128xf32, #tpu.memory_space<hbm>> -> memref<1x128xf32, #tpu.memory_space<hbm>>
    %dma_start3A_214 = tpu.memref_squeeze %dma_start3A_213 : memref<1x128xf32, #tpu.memory_space<hbm>> -> memref<128xf32, #tpu.memory_space<hbm>>
    tpu.enqueue_dma source(%dma_start3A_214 : memref<128xf32, #tpu.memory_space<hbm>>) target(%dma_start3A_211 : memref<128xf32, #tpu.memory_space<vmem>>) target_semaphore(%arg14 : memref<!tpu.dma_semaphore, #tpu.memory_space<semaphore_mem>>)
    %dma_wait3A_215 = arith.constant 0 : i32
    %dma_wait3A_216 = tpu.memref_slice %arg7[%dma_wait3A_215] : memref<33536xf32, #tpu.memory_space<vmem>> -> memref<33280xf32, #tpu.memory_space<vmem>>
    %dma_wait3A_217 = arith.constant 33280 : i32
    %dma_wait3A_218 = tpu.memref_slice %arg4[%add3A_160, %dma_wait3A_217] : memref<64x100000xf32, #tpu.memory_space<hbm>> -> memref<1x33280xf32, #tpu.memory_space<hbm>>
    %dma_wait3A_219 = tpu.memref_squeeze %dma_wait3A_218 : memref<1x33280xf32, #tpu.memory_space<hbm>> -> memref<33280xf32, #tpu.memory_space<hbm>>
    %dma_wait3A_220 = arith.constant 0 : i32
    %dma_wait3A_221 = tpu.memref_slice %arg7[%dma_wait3A_220] : memref<33536xf32, #tpu.memory_space<vmem>> -> memref<33280xf32, #tpu.memory_space<vmem>>
    %dma_wait3A_222 = arith.constant 33280 : i32
    %dma_wait3A_223 = tpu.memref_slice %arg4[%add3A_160, %dma_wait3A_222] : memref<64x100000xf32, #tpu.memory_space<hbm>> -> memref<1x33280xf32, #tpu.memory_space<hbm>>
    %dma_wait3A_224 = tpu.memref_squeeze %dma_wait3A_223 : memref<1x33280xf32, #tpu.memory_space<hbm>> -> memref<33280xf32, #tpu.memory_space<hbm>>
    tpu.wait_dma2 semaphore(%arg13 : memref<!tpu.dma_semaphore, #tpu.memory_space<semaphore_mem>>) src(%dma_wait3A_224 : memref<33280xf32, #tpu.memory_space<hbm>>) dst(%dma_wait3A_221 : memref<33280xf32, #tpu.memory_space<vmem>>)
    %parallel_loop3A_225 = arith.constant 0 : i32
    %parallel_loop3A_226 = arith.constant 128 : i32
    %parallel_loop3A_227 = arith.constant 1 : i32
    %parallel_loop3A_228:8 = scf.for %parallel_loop3A_264 = %parallel_loop3A_225 to %parallel_loop3A_226 step %parallel_loop3A_227 iter_args(%parallel_loop3A_265 = %parallel_loop3A_190#0, %parallel_loop3A_266 = %parallel_loop3A_190#1, %parallel_loop3A_267 = %parallel_loop3A_190#2, %parallel_loop3A_268 = %parallel_loop3A_190#3, %parallel_loop3A_269 = %parallel_loop3A_190#4, %parallel_loop3A_270 = %parallel_loop3A_190#5, %parallel_loop3A_271 = %parallel_loop3A_190#6, %parallel_loop3A_272 = %parallel_loop3A_190#7) -> (vector<16xf32>, vector<16xf32>, vector<16xf32>, vector<16xf32>, vector<16xf32>, vector<16xf32>, vector<16xf32>, vector<16xf32>)  : i32 {
      %parallel_loop3A_273 = arith.constant 128 : i32
      %parallel_loop3A_274 = arith.muli %parallel_loop3A_264, %parallel_loop3A_273 : i32
      %parallel_loop3A_275 = arith.constant 0 : i32
      %parallel_loop3A_276 = arith.addi %parallel_loop3A_274, %parallel_loop3A_275 : i32
      %parallel_loop3A_277 = arith.index_cast %parallel_loop3A_276 : i32 to index
      %parallel_loop3A_278 = tpu.vector_load %arg9[%parallel_loop3A_277] {strides = array<i32>} : memref<16384xi32, #tpu.memory_space<vmem>>, vector<16xi32>,
      %parallel_loop3A_279 = arith.index_cast %parallel_loop3A_276 : i32 to index
      %parallel_loop3A_280 = tpu.vector_load %arg11[%parallel_loop3A_279] {strides = array<i32>} : memref<16384xf32, #tpu.memory_space<vmem>>, vector<16xf32>,
      %parallel_loop3A_281 = arith.constant 33280 : i32
      %parallel_loop3A_282 = vector.broadcast %parallel_loop3A_281 : i32 to vector<16xi32>
      %parallel_loop3A_283 = arith.subi %parallel_loop3A_278, %parallel_loop3A_282 : vector<16xi32>
      %parallel_loop3A_284 = arith.constant 33280 : i32
      %parallel_loop3A_285 = vector.broadcast %parallel_loop3A_284 : i32 to vector<16xi32>
      %parallel_loop3A_286 = arith.cmpi ult, %parallel_loop3A_283, %parallel_loop3A_285 : vector<16xi32>
      %parallel_loop3A_287 = tpu.vector_load_idx %arg7[%parallel_loop3A_283] masked %parallel_loop3A_286 : memref<33536xf32, #tpu.memory_space<vmem>>[vector<16xi32>], vector<16xf32>, vector<16xi1>
      %parallel_loop3A_288 = arith.subf %parallel_loop3A_280, %parallel_loop3A_287 : vector<16xf32>
      %parallel_loop3A_289 = arith.constant 0.000000e+00 : f32
      %parallel_loop3A_290 = vector.broadcast %parallel_loop3A_289 : f32 to vector<16xf32>
      %parallel_loop3A_291 = arith.select %parallel_loop3A_286, %parallel_loop3A_288, %parallel_loop3A_290 : vector<16xi1>, vector<16xf32>
      %parallel_loop3A_292 = arith.mulf %parallel_loop3A_291, %parallel_loop3A_291 : vector<16xf32>
      %parallel_loop3A_293 = arith.addf %parallel_loop3A_265, %parallel_loop3A_292 : vector<16xf32>
      %parallel_loop3A_294 = arith.constant 128 : i32
      %parallel_loop3A_295 = arith.muli %parallel_loop3A_264, %parallel_loop3A_294 : i32
      %parallel_loop3A_296 = arith.constant 16 : i32
      %parallel_loop3A_297 = arith.addi %parallel_loop3A_295, %parallel_loop3A_296 : i32
      %parallel_loop3A_298 = arith.index_cast %parallel_loop3A_297 : i32 to index
      %parallel_loop3A_299 = tpu.vector_load %arg9[%parallel_loop3A_298] {strides = array<i32>} : memref<16384xi32, #tpu.memory_space<vmem>>, vector<16xi32>,
      %parallel_loop3A_300 = arith.index_cast %parallel_loop3A_297 : i32 to index
      %parallel_loop3A_301 = tpu.vector_load %arg11[%parallel_loop3A_300] {strides = array<i32>} : memref<16384xf32, #tpu.memory_space<vmem>>, vector<16xf32>,
      %parallel_loop3A_302 = arith.constant 33280 : i32
      %parallel_loop3A_303 = vector.broadcast %parallel_loop3A_302 : i32 to vector<16xi32>
      %parallel_loop3A_304 = arith.subi %parallel_loop3A_299, %parallel_loop3A_303 : vector<16xi32>
      %parallel_loop3A_305 = arith.constant 33280 : i32
      %parallel_loop3A_306 = vector.broadcast %parallel_loop3A_305 : i32 to vector<16xi32>
      %parallel_loop3A_307 = arith.cmpi ult, %parallel_loop3A_304, %parallel_loop3A_306 : vector<16xi32>
      %parallel_loop3A_308 = tpu.vector_load_idx %arg7[%parallel_loop3A_304] masked %parallel_loop3A_307 : memref<33536xf32, #tpu.memory_space<vmem>>[vector<16xi32>], vector<16xf32>, vector<16xi1>
      %parallel_loop3A_309 = arith.subf %parallel_loop3A_301, %parallel_loop3A_308 : vector<16xf32>
      %parallel_loop3A_310 = arith.constant 0.000000e+00 : f32
      %parallel_loop3A_311 = vector.broadcast %parallel_loop3A_310 : f32 to vector<16xf32>
      %parallel_loop3A_312 = arith.select %parallel_loop3A_307, %parallel_loop3A_309, %parallel_loop3A_311 : vector<16xi1>, vector<16xf32>
      %parallel_loop3A_313 = arith.mulf %parallel_loop3A_312, %parallel_loop3A_312 : vector<16xf32>
      %parallel_loop3A_314 = arith.addf %parallel_loop3A_266, %parallel_loop3A_313 : vector<16xf32>
      %parallel_loop3A_315 = arith.constant 128 : i32
      %parallel_loop3A_316 = arith.muli %parallel_loop3A_264, %parallel_loop3A_315 : i32
      %parallel_loop3A_317 = arith.constant 32 : i32
      %parallel_loop3A_318 = arith.addi %parallel_loop3A_316, %parallel_loop3A_317 : i32
      %parallel_loop3A_319 = arith.index_cast %parallel_loop3A_318 : i32 to index
      %parallel_loop3A_320 = tpu.vector_load %arg9[%parallel_loop3A_319] {strides = array<i32>} : memref<16384xi32, #tpu.memory_space<vmem>>, vector<16xi32>,
      %parallel_loop3A_321 = arith.index_cast %parallel_loop3A_318 : i32 to index
      %parallel_loop3A_322 = tpu.vector_load %arg11[%parallel_loop3A_321] {strides = array<i32>} : memref<16384xf32, #tpu.memory_space<vmem>>, vector<16xf32>,
      %parallel_loop3A_323 = arith.constant 33280 : i32
      %parallel_loop3A_324 = vector.broadcast %parallel_loop3A_323 : i32 to vector<16xi32>
      %parallel_loop3A_325 = arith.subi %parallel_loop3A_320, %parallel_loop3A_324 : vector<16xi32>
      %parallel_loop3A_326 = arith.constant 33280 : i32
      %parallel_loop3A_327 = vector.broadcast %parallel_loop3A_326 : i32 to vector<16xi32>
      %parallel_loop3A_328 = arith.cmpi ult, %parallel_loop3A_325, %parallel_loop3A_327 : vector<16xi32>
      %parallel_loop3A_329 = tpu.vector_load_idx %arg7[%parallel_loop3A_325] masked %parallel_loop3A_328 : memref<33536xf32, #tpu.memory_space<vmem>>[vector<16xi32>], vector<16xf32>, vector<16xi1>
      %parallel_loop3A_330 = arith.subf %parallel_loop3A_322, %parallel_loop3A_329 : vector<16xf32>
      %parallel_loop3A_331 = arith.constant 0.000000e+00 : f32
      %parallel_loop3A_332 = vector.broadcast %parallel_loop3A_331 : f32 to vector<16xf32>
      %parallel_loop3A_333 = arith.select %parallel_loop3A_328, %parallel_loop3A_330, %parallel_loop3A_332 : vector<16xi1>, vector<16xf32>
      %parallel_loop3A_334 = arith.mulf %parallel_loop3A_333, %parallel_loop3A_333 : vector<16xf32>
      %parallel_loop3A_335 = arith.addf %parallel_loop3A_267, %parallel_loop3A_334 : vector<16xf32>
      %parallel_loop3A_336 = arith.constant 128 : i32
      %parallel_loop3A_337 = arith.muli %parallel_loop3A_264, %parallel_loop3A_336 : i32
      %parallel_loop3A_338 = arith.constant 48 : i32
      %parallel_loop3A_339 = arith.addi %parallel_loop3A_337, %parallel_loop3A_338 : i32
      %parallel_loop3A_340 = arith.index_cast %parallel_loop3A_339 : i32 to index
      %parallel_loop3A_341 = tpu.vector_load %arg9[%parallel_loop3A_340] {strides = array<i32>} : memref<16384xi32, #tpu.memory_space<vmem>>, vector<16xi32>,
      %parallel_loop3A_342 = arith.index_cast %parallel_loop3A_339 : i32 to index
      %parallel_loop3A_343 = tpu.vector_load %arg11[%parallel_loop3A_342] {strides = array<i32>} : memref<16384xf32, #tpu.memory_space<vmem>>, vector<16xf32>,
      %parallel_loop3A_344 = arith.constant 33280 : i32
      %parallel_loop3A_345 = vector.broadcast %parallel_loop3A_344 : i32 to vector<16xi32>
      %parallel_loop3A_346 = arith.subi %parallel_loop3A_341, %parallel_loop3A_345 : vector<16xi32>
      %parallel_loop3A_347 = arith.constant 33280 : i32
      %parallel_loop3A_348 = vector.broadcast %parallel_loop3A_347 : i32 to vector<16xi32>
      %parallel_loop3A_349 = arith.cmpi ult, %parallel_loop3A_346, %parallel_loop3A_348 : vector<16xi32>
      %parallel_loop3A_350 = tpu.vector_load_idx %arg7[%parallel_loop3A_346] masked %parallel_loop3A_349 : memref<33536xf32, #tpu.memory_space<vmem>>[vector<16xi32>], vector<16xf32>, vector<16xi1>
      %parallel_loop3A_351 = arith.subf %parallel_loop3A_343, %parallel_loop3A_350 : vector<16xf32>
      %parallel_loop3A_352 = arith.constant 0.000000e+00 : f32
      %parallel_loop3A_353 = vector.broadcast %parallel_loop3A_352 : f32 to vector<16xf32>
      %parallel_loop3A_354 = arith.select %parallel_loop3A_349, %parallel_loop3A_351, %parallel_loop3A_353 : vector<16xi1>, vector<16xf32>
      %parallel_loop3A_355 = arith.mulf %parallel_loop3A_354, %parallel_loop3A_354 : vector<16xf32>
      %parallel_loop3A_356 = arith.addf %parallel_loop3A_268, %parallel_loop3A_355 : vector<16xf32>
      %parallel_loop3A_357 = arith.constant 128 : i32
      %parallel_loop3A_358 = arith.muli %parallel_loop3A_264, %parallel_loop3A_357 : i32
      %parallel_loop3A_359 = arith.constant 64 : i32
      %parallel_loop3A_360 = arith.addi %parallel_loop3A_358, %parallel_loop3A_359 : i32
      %parallel_loop3A_361 = arith.index_cast %parallel_loop3A_360 : i32 to index
      %parallel_loop3A_362 = tpu.vector_load %arg9[%parallel_loop3A_361] {strides = array<i32>} : memref<16384xi32, #tpu.memory_space<vmem>>, vector<16xi32>,
      %parallel_loop3A_363 = arith.index_cast %parallel_loop3A_360 : i32 to index
      %parallel_loop3A_364 = tpu.vector_load %arg11[%parallel_loop3A_363] {strides = array<i32>} : memref<16384xf32, #tpu.memory_space<vmem>>, vector<16xf32>,
      %parallel_loop3A_365 = arith.constant 33280 : i32
      %parallel_loop3A_366 = vector.broadcast %parallel_loop3A_365 : i32 to vector<16xi32>
      %parallel_loop3A_367 = arith.subi %parallel_loop3A_362, %parallel_loop3A_366 : vector<16xi32>
      %parallel_loop3A_368 = arith.constant 33280 : i32
      %parallel_loop3A_369 = vector.broadcast %parallel_loop3A_368 : i32 to vector<16xi32>
      %parallel_loop3A_370 = arith.cmpi ult, %parallel_loop3A_367, %parallel_loop3A_369 : vector<16xi32>
      %parallel_loop3A_371 = tpu.vector_load_idx %arg7[%parallel_loop3A_367] masked %parallel_loop3A_370 : memref<33536xf32, #tpu.memory_space<vmem>>[vector<16xi32>], vector<16xf32>, vector<16xi1>
      %parallel_loop3A_372 = arith.subf %parallel_loop3A_364, %parallel_loop3A_371 : vector<16xf32>
      %parallel_loop3A_373 = arith.constant 0.000000e+00 : f32
      %parallel_loop3A_374 = vector.broadcast %parallel_loop3A_373 : f32 to vector<16xf32>
      %parallel_loop3A_375 = arith.select %parallel_loop3A_370, %parallel_loop3A_372, %parallel_loop3A_374 : vector<16xi1>, vector<16xf32>
      %parallel_loop3A_376 = arith.mulf %parallel_loop3A_375, %parallel_loop3A_375 : vector<16xf32>
      %parallel_loop3A_377 = arith.addf %parallel_loop3A_269, %parallel_loop3A_376 : vector<16xf32>
      %parallel_loop3A_378 = arith.constant 128 : i32
      %parallel_loop3A_379 = arith.muli %parallel_loop3A_264, %parallel_loop3A_378 : i32
      %parallel_loop3A_380 = arith.constant 80 : i32
      %parallel_loop3A_381 = arith.addi %parallel_loop3A_379, %parallel_loop3A_380 : i32
      %parallel_loop3A_382 = arith.index_cast %parallel_loop3A_381 : i32 to index
      %parallel_loop3A_383 = tpu.vector_load %arg9[%parallel_loop3A_382] {strides = array<i32>} : memref<16384xi32, #tpu.memory_space<vmem>>, vector<16xi32>,
      %parallel_loop3A_384 = arith.index_cast %parallel_loop3A_381 : i32 to index
      %parallel_loop3A_385 = tpu.vector_load %arg11[%parallel_loop3A_384] {strides = array<i32>} : memref<16384xf32, #tpu.memory_space<vmem>>, vector<16xf32>,
      %parallel_loop3A_386 = arith.constant 33280 : i32
      %parallel_loop3A_387 = vector.broadcast %parallel_loop3A_386 : i32 to vector<16xi32>
      %parallel_loop3A_388 = arith.subi %parallel_loop3A_383, %parallel_loop3A_387 : vector<16xi32>
      %parallel_loop3A_389 = arith.constant 33280 : i32
      %parallel_loop3A_390 = vector.broadcast %parallel_loop3A_389 : i32 to vector<16xi32>
      %parallel_loop3A_391 = arith.cmpi ult, %parallel_loop3A_388, %parallel_loop3A_390 : vector<16xi32>
      %parallel_loop3A_392 = tpu.vector_load_idx %arg7[%parallel_loop3A_388] masked %parallel_loop3A_391 : memref<33536xf32, #tpu.memory_space<vmem>>[vector<16xi32>], vector<16xf32>, vector<16xi1>
      %parallel_loop3A_393 = arith.subf %parallel_loop3A_385, %parallel_loop3A_392 : vector<16xf32>
      %parallel_loop3A_394 = arith.constant 0.000000e+00 : f32
      %parallel_loop3A_395 = vector.broadcast %parallel_loop3A_394 : f32 to vector<16xf32>
      %parallel_loop3A_396 = arith.select %parallel_loop3A_391, %parallel_loop3A_393, %parallel_loop3A_395 : vector<16xi1>, vector<16xf32>
      %parallel_loop3A_397 = arith.mulf %parallel_loop3A_396, %parallel_loop3A_396 : vector<16xf32>
      %parallel_loop3A_398 = arith.addf %parallel_loop3A_270, %parallel_loop3A_397 : vector<16xf32>
      %parallel_loop3A_399 = arith.constant 128 : i32
      %parallel_loop3A_400 = arith.muli %parallel_loop3A_264, %parallel_loop3A_399 : i32
      %parallel_loop3A_401 = arith.constant 96 : i32
      %parallel_loop3A_402 = arith.addi %parallel_loop3A_400, %parallel_loop3A_401 : i32
      %parallel_loop3A_403 = arith.index_cast %parallel_loop3A_402 : i32 to index
      %parallel_loop3A_404 = tpu.vector_load %arg9[%parallel_loop3A_403] {strides = array<i32>} : memref<16384xi32, #tpu.memory_space<vmem>>, vector<16xi32>,
      %parallel_loop3A_405 = arith.index_cast %parallel_loop3A_402 : i32 to index
      %parallel_loop3A_406 = tpu.vector_load %arg11[%parallel_loop3A_405] {strides = array<i32>} : memref<16384xf32, #tpu.memory_space<vmem>>, vector<16xf32>,
      %parallel_loop3A_407 = arith.constant 33280 : i32
      %parallel_loop3A_408 = vector.broadcast %parallel_loop3A_407 : i32 to vector<16xi32>
      %parallel_loop3A_409 = arith.subi %parallel_loop3A_404, %parallel_loop3A_408 : vector<16xi32>
      %parallel_loop3A_410 = arith.constant 33280 : i32
      %parallel_loop3A_411 = vector.broadcast %parallel_loop3A_410 : i32 to vector<16xi32>
      %parallel_loop3A_412 = arith.cmpi ult, %parallel_loop3A_409, %parallel_loop3A_411 : vector<16xi32>
      %parallel_loop3A_413 = tpu.vector_load_idx %arg7[%parallel_loop3A_409] masked %parallel_loop3A_412 : memref<33536xf32, #tpu.memory_space<vmem>>[vector<16xi32>], vector<16xf32>, vector<16xi1>
      %parallel_loop3A_414 = arith.subf %parallel_loop3A_406, %parallel_loop3A_413 : vector<16xf32>
      %parallel_loop3A_415 = arith.constant 0.000000e+00 : f32
      %parallel_loop3A_416 = vector.broadcast %parallel_loop3A_415 : f32 to vector<16xf32>
      %parallel_loop3A_417 = arith.select %parallel_loop3A_412, %parallel_loop3A_414, %parallel_loop3A_416 : vector<16xi1>, vector<16xf32>
      %parallel_loop3A_418 = arith.mulf %parallel_loop3A_417, %parallel_loop3A_417 : vector<16xf32>
      %parallel_loop3A_419 = arith.addf %parallel_loop3A_271, %parallel_loop3A_418 : vector<16xf32>
      %parallel_loop3A_420 = arith.constant 128 : i32
      %parallel_loop3A_421 = arith.muli %parallel_loop3A_264, %parallel_loop3A_420 : i32
      %parallel_loop3A_422 = arith.constant 112 : i32
      %parallel_loop3A_423 = arith.addi %parallel_loop3A_421, %parallel_loop3A_422 : i32
      %parallel_loop3A_424 = arith.index_cast %parallel_loop3A_423 : i32 to index
      %parallel_loop3A_425 = tpu.vector_load %arg9[%parallel_loop3A_424] {strides = array<i32>} : memref<16384xi32, #tpu.memory_space<vmem>>, vector<16xi32>,
      %parallel_loop3A_426 = arith.index_cast %parallel_loop3A_423 : i32 to index
      %parallel_loop3A_427 = tpu.vector_load %arg11[%parallel_loop3A_426] {strides = array<i32>} : memref<16384xf32, #tpu.memory_space<vmem>>, vector<16xf32>,
      %parallel_loop3A_428 = arith.constant 33280 : i32
      %parallel_loop3A_429 = vector.broadcast %parallel_loop3A_428 : i32 to vector<16xi32>
      %parallel_loop3A_430 = arith.subi %parallel_loop3A_425, %parallel_loop3A_429 : vector<16xi32>
      %parallel_loop3A_431 = arith.constant 33280 : i32
      %parallel_loop3A_432 = vector.broadcast %parallel_loop3A_431 : i32 to vector<16xi32>
      %parallel_loop3A_433 = arith.cmpi ult, %parallel_loop3A_430, %parallel_loop3A_432 : vector<16xi32>
      %parallel_loop3A_434 = tpu.vector_load_idx %arg7[%parallel_loop3A_430] masked %parallel_loop3A_433 : memref<33536xf32, #tpu.memory_space<vmem>>[vector<16xi32>], vector<16xf32>, vector<16xi1>
      %parallel_loop3A_435 = arith.subf %parallel_loop3A_427, %parallel_loop3A_434 : vector<16xf32>
      %parallel_loop3A_436 = arith.constant 0.000000e+00 : f32
      %parallel_loop3A_437 = vector.broadcast %parallel_loop3A_436 : f32 to vector<16xf32>
      %parallel_loop3A_438 = arith.select %parallel_loop3A_433, %parallel_loop3A_435, %parallel_loop3A_437 : vector<16xi1>, vector<16xf32>
      %parallel_loop3A_439 = arith.mulf %parallel_loop3A_438, %parallel_loop3A_438 : vector<16xf32>
      %parallel_loop3A_440 = arith.addf %parallel_loop3A_272, %parallel_loop3A_439 : vector<16xf32>
      scf.yield %parallel_loop3A_293, %parallel_loop3A_314, %parallel_loop3A_335, %parallel_loop3A_356, %parallel_loop3A_377, %parallel_loop3A_398, %parallel_loop3A_419, %parallel_loop3A_440 : vector<16xf32>, vector<16xf32>, vector<16xf32>, vector<16xf32>, vector<16xf32>, vector<16xf32>, vector<16xf32>, vector<16xf32>
    } {sc.loop_unroll_factor = 1 : i64, sc.parallel_access}
    %dma_wait3A_229 = arith.constant 0 : i32
    %dma_wait3A_230 = tpu.memref_slice %arg8[%dma_wait3A_229] : memref<33536xf32, #tpu.memory_space<vmem>> -> memref<33408xf32, #tpu.memory_space<vmem>>
    %dma_wait3A_231 = arith.constant 66560 : i32
    %dma_wait3A_232 = tpu.memref_slice %arg4[%add3A_194, %dma_wait3A_231] : memref<64x100000xf32, #tpu.memory_space<hbm>> -> memref<1x33408xf32, #tpu.memory_space<hbm>>
    %dma_wait3A_233 = tpu.memref_squeeze %dma_wait3A_232 : memref<1x33408xf32, #tpu.memory_space<hbm>> -> memref<33408xf32, #tpu.memory_space<hbm>>
    %dma_wait3A_234 = arith.constant 0 : i32
    %dma_wait3A_235 = tpu.memref_slice %arg8[%dma_wait3A_234] : memref<33536xf32, #tpu.memory_space<vmem>> -> memref<33408xf32, #tpu.memory_space<vmem>>
    %dma_wait3A_236 = arith.constant 66560 : i32
    %dma_wait3A_237 = tpu.memref_slice %arg4[%add3A_194, %dma_wait3A_236] : memref<64x100000xf32, #tpu.memory_space<hbm>> -> memref<1x33408xf32, #tpu.memory_space<hbm>>
    %dma_wait3A_238 = tpu.memref_squeeze %dma_wait3A_237 : memref<1x33408xf32, #tpu.memory_space<hbm>> -> memref<33408xf32, #tpu.memory_space<hbm>>
    tpu.wait_dma2 semaphore(%arg14 : memref<!tpu.dma_semaphore, #tpu.memory_space<semaphore_mem>>) src(%dma_wait3A_238 : memref<33408xf32, #tpu.memory_space<hbm>>) dst(%dma_wait3A_235 : memref<33408xf32, #tpu.memory_space<vmem>>)
    %dma_wait3A_239 = arith.constant 33408 : i32
    %dma_wait3A_240 = tpu.memref_slice %arg8[%dma_wait3A_239] : memref<33536xf32, #tpu.memory_space<vmem>> -> memref<128xf32, #tpu.memory_space<vmem>>
    %dma_wait3A_241 = arith.constant 0 : i32
    %dma_wait3A_242 = tpu.memref_slice %arg5[%add3A_194, %dma_wait3A_241] : memref<64x128xf32, #tpu.memory_space<hbm>> -> memref<1x128xf32, #tpu.memory_space<hbm>>
    %dma_wait3A_243 = tpu.memref_squeeze %dma_wait3A_242 : memref<1x128xf32, #tpu.memory_space<hbm>> -> memref<128xf32, #tpu.memory_space<hbm>>
    %dma_wait3A_244 = arith.constant 33408 : i32
    %dma_wait3A_245 = tpu.memref_slice %arg8[%dma_wait3A_244] : memref<33536xf32, #tpu.memory_space<vmem>> -> memref<128xf32, #tpu.memory_space<vmem>>
    %dma_wait3A_246 = arith.constant 0 : i32
    %dma_wait3A_247 = tpu.memref_slice %arg5[%add3A_194, %dma_wait3A_246] : memref<64x128xf32, #tpu.memory_space<hbm>> -> memref<1x128xf32, #tpu.memory_space<hbm>>
    %dma_wait3A_248 = tpu.memref_squeeze %dma_wait3A_247 : memref<1x128xf32, #tpu.memory_space<hbm>> -> memref<128xf32, #tpu.memory_space<hbm>>
    tpu.wait_dma2 semaphore(%arg14 : memref<!tpu.dma_semaphore, #tpu.memory_space<semaphore_mem>>) src(%dma_wait3A_248 : memref<128xf32, #tpu.memory_space<hbm>>) dst(%dma_wait3A_245 : memref<128xf32, #tpu.memory_space<vmem>>)
    %parallel_loop3A_249 = arith.constant 0 : i32
    %parallel_loop3A_250 = arith.constant 128 : i32
    %parallel_loop3A_251 = arith.constant 1 : i32
    %parallel_loop3A_252:8 = scf.for %parallel_loop3A_264 = %parallel_loop3A_249 to %parallel_loop3A_250 step %parallel_loop3A_251 iter_args(%parallel_loop3A_265 = %parallel_loop3A_228#0, %parallel_loop3A_266 = %parallel_loop3A_228#1, %parallel_loop3A_267 = %parallel_loop3A_228#2, %parallel_loop3A_268 = %parallel_loop3A_228#3, %parallel_loop3A_269 = %parallel_loop3A_228#4, %parallel_loop3A_270 = %parallel_loop3A_228#5, %parallel_loop3A_271 = %parallel_loop3A_228#6, %parallel_loop3A_272 = %parallel_loop3A_228#7) -> (vector<16xf32>, vector<16xf32>, vector<16xf32>, vector<16xf32>, vector<16xf32>, vector<16xf32>, vector<16xf32>, vector<16xf32>)  : i32 {
      %parallel_loop3A_273 = arith.constant 128 : i32
      %parallel_loop3A_274 = arith.muli %parallel_loop3A_264, %parallel_loop3A_273 : i32
      %parallel_loop3A_275 = arith.constant 0 : i32
      %parallel_loop3A_276 = arith.addi %parallel_loop3A_274, %parallel_loop3A_275 : i32
      %parallel_loop3A_277 = arith.index_cast %parallel_loop3A_276 : i32 to index
      %parallel_loop3A_278 = tpu.vector_load %arg9[%parallel_loop3A_277] {strides = array<i32>} : memref<16384xi32, #tpu.memory_space<vmem>>, vector<16xi32>,
      %parallel_loop3A_279 = arith.index_cast %parallel_loop3A_276 : i32 to index
      %parallel_loop3A_280 = tpu.vector_load %arg11[%parallel_loop3A_279] {strides = array<i32>} : memref<16384xf32, #tpu.memory_space<vmem>>, vector<16xf32>,
      %parallel_loop3A_281 = arith.constant 66560 : i32
      %parallel_loop3A_282 = vector.broadcast %parallel_loop3A_281 : i32 to vector<16xi32>
      %parallel_loop3A_283 = arith.cmpi sge, %parallel_loop3A_278, %parallel_loop3A_282 : vector<16xi32>
      %parallel_loop3A_284 = arith.constant 66560 : i32
      %parallel_loop3A_285 = vector.broadcast %parallel_loop3A_284 : i32 to vector<16xi32>
      %parallel_loop3A_286 = arith.subi %parallel_loop3A_278, %parallel_loop3A_285 : vector<16xi32>
      %parallel_loop3A_287 = tpu.vector_load_idx %arg8[%parallel_loop3A_286] masked %parallel_loop3A_283 : memref<33536xf32, #tpu.memory_space<vmem>>[vector<16xi32>], vector<16xf32>, vector<16xi1>
      %parallel_loop3A_288 = arith.subf %parallel_loop3A_280, %parallel_loop3A_287 : vector<16xf32>
      %parallel_loop3A_289 = arith.constant 0.000000e+00 : f32
      %parallel_loop3A_290 = vector.broadcast %parallel_loop3A_289 : f32 to vector<16xf32>
      %parallel_loop3A_291 = arith.select %parallel_loop3A_283, %parallel_loop3A_288, %parallel_loop3A_290 : vector<16xi1>, vector<16xf32>
      %parallel_loop3A_292 = arith.mulf %parallel_loop3A_291, %parallel_loop3A_291 : vector<16xf32>
      %parallel_loop3A_293 = arith.addf %parallel_loop3A_265, %parallel_loop3A_292 : vector<16xf32>
      %parallel_loop3A_294 = arith.constant 128 : i32
      %parallel_loop3A_295 = arith.muli %parallel_loop3A_264, %parallel_loop3A_294 : i32
      %parallel_loop3A_296 = arith.constant 16 : i32
      %parallel_loop3A_297 = arith.addi %parallel_loop3A_295, %parallel_loop3A_296 : i32
      %parallel_loop3A_298 = arith.index_cast %parallel_loop3A_297 : i32 to index
      %parallel_loop3A_299 = tpu.vector_load %arg9[%parallel_loop3A_298] {strides = array<i32>} : memref<16384xi32, #tpu.memory_space<vmem>>, vector<16xi32>,
      %parallel_loop3A_300 = arith.index_cast %parallel_loop3A_297 : i32 to index
      %parallel_loop3A_301 = tpu.vector_load %arg11[%parallel_loop3A_300] {strides = array<i32>} : memref<16384xf32, #tpu.memory_space<vmem>>, vector<16xf32>,
      %parallel_loop3A_302 = arith.constant 66560 : i32
      %parallel_loop3A_303 = vector.broadcast %parallel_loop3A_302 : i32 to vector<16xi32>
      %parallel_loop3A_304 = arith.cmpi sge, %parallel_loop3A_299, %parallel_loop3A_303 : vector<16xi32>
      %parallel_loop3A_305 = arith.constant 66560 : i32
      %parallel_loop3A_306 = vector.broadcast %parallel_loop3A_305 : i32 to vector<16xi32>
      %parallel_loop3A_307 = arith.subi %parallel_loop3A_299, %parallel_loop3A_306 : vector<16xi32>
      %parallel_loop3A_308 = tpu.vector_load_idx %arg8[%parallel_loop3A_307] masked %parallel_loop3A_304 : memref<33536xf32, #tpu.memory_space<vmem>>[vector<16xi32>], vector<16xf32>, vector<16xi1>
      %parallel_loop3A_309 = arith.subf %parallel_loop3A_301, %parallel_loop3A_308 : vector<16xf32>
      %parallel_loop3A_310 = arith.constant 0.000000e+00 : f32
      %parallel_loop3A_311 = vector.broadcast %parallel_loop3A_310 : f32 to vector<16xf32>
      %parallel_loop3A_312 = arith.select %parallel_loop3A_304, %parallel_loop3A_309, %parallel_loop3A_311 : vector<16xi1>, vector<16xf32>
      %parallel_loop3A_313 = arith.mulf %parallel_loop3A_312, %parallel_loop3A_312 : vector<16xf32>
      %parallel_loop3A_314 = arith.addf %parallel_loop3A_266, %parallel_loop3A_313 : vector<16xf32>
      %parallel_loop3A_315 = arith.constant 128 : i32
      %parallel_loop3A_316 = arith.muli %parallel_loop3A_264, %parallel_loop3A_315 : i32
      %parallel_loop3A_317 = arith.constant 32 : i32
      %parallel_loop3A_318 = arith.addi %parallel_loop3A_316, %parallel_loop3A_317 : i32
      %parallel_loop3A_319 = arith.index_cast %parallel_loop3A_318 : i32 to index
      %parallel_loop3A_320 = tpu.vector_load %arg9[%parallel_loop3A_319] {strides = array<i32>} : memref<16384xi32, #tpu.memory_space<vmem>>, vector<16xi32>,
      %parallel_loop3A_321 = arith.index_cast %parallel_loop3A_318 : i32 to index
      %parallel_loop3A_322 = tpu.vector_load %arg11[%parallel_loop3A_321] {strides = array<i32>} : memref<16384xf32, #tpu.memory_space<vmem>>, vector<16xf32>,
      %parallel_loop3A_323 = arith.constant 66560 : i32
      %parallel_loop3A_324 = vector.broadcast %parallel_loop3A_323 : i32 to vector<16xi32>
      %parallel_loop3A_325 = arith.cmpi sge, %parallel_loop3A_320, %parallel_loop3A_324 : vector<16xi32>
      %parallel_loop3A_326 = arith.constant 66560 : i32
      %parallel_loop3A_327 = vector.broadcast %parallel_loop3A_326 : i32 to vector<16xi32>
      %parallel_loop3A_328 = arith.subi %parallel_loop3A_320, %parallel_loop3A_327 : vector<16xi32>
      %parallel_loop3A_329 = tpu.vector_load_idx %arg8[%parallel_loop3A_328] masked %parallel_loop3A_325 : memref<33536xf32, #tpu.memory_space<vmem>>[vector<16xi32>], vector<16xf32>, vector<16xi1>
      %parallel_loop3A_330 = arith.subf %parallel_loop3A_322, %parallel_loop3A_329 : vector<16xf32>
      %parallel_loop3A_331 = arith.constant 0.000000e+00 : f32
      %parallel_loop3A_332 = vector.broadcast %parallel_loop3A_331 : f32 to vector<16xf32>
      %parallel_loop3A_333 = arith.select %parallel_loop3A_325, %parallel_loop3A_330, %parallel_loop3A_332 : vector<16xi1>, vector<16xf32>
      %parallel_loop3A_334 = arith.mulf %parallel_loop3A_333, %parallel_loop3A_333 : vector<16xf32>
      %parallel_loop3A_335 = arith.addf %parallel_loop3A_267, %parallel_loop3A_334 : vector<16xf32>
      %parallel_loop3A_336 = arith.constant 128 : i32
      %parallel_loop3A_337 = arith.muli %parallel_loop3A_264, %parallel_loop3A_336 : i32
      %parallel_loop3A_338 = arith.constant 48 : i32
      %parallel_loop3A_339 = arith.addi %parallel_loop3A_337, %parallel_loop3A_338 : i32
      %parallel_loop3A_340 = arith.index_cast %parallel_loop3A_339 : i32 to index
      %parallel_loop3A_341 = tpu.vector_load %arg9[%parallel_loop3A_340] {strides = array<i32>} : memref<16384xi32, #tpu.memory_space<vmem>>, vector<16xi32>,
      %parallel_loop3A_342 = arith.index_cast %parallel_loop3A_339 : i32 to index
      %parallel_loop3A_343 = tpu.vector_load %arg11[%parallel_loop3A_342] {strides = array<i32>} : memref<16384xf32, #tpu.memory_space<vmem>>, vector<16xf32>,
      %parallel_loop3A_344 = arith.constant 66560 : i32
      %parallel_loop3A_345 = vector.broadcast %parallel_loop3A_344 : i32 to vector<16xi32>
      %parallel_loop3A_346 = arith.cmpi sge, %parallel_loop3A_341, %parallel_loop3A_345 : vector<16xi32>
      %parallel_loop3A_347 = arith.constant 66560 : i32
      %parallel_loop3A_348 = vector.broadcast %parallel_loop3A_347 : i32 to vector<16xi32>
      %parallel_loop3A_349 = arith.subi %parallel_loop3A_341, %parallel_loop3A_348 : vector<16xi32>
      %parallel_loop3A_350 = tpu.vector_load_idx %arg8[%parallel_loop3A_349] masked %parallel_loop3A_346 : memref<33536xf32, #tpu.memory_space<vmem>>[vector<16xi32>], vector<16xf32>, vector<16xi1>
      %parallel_loop3A_351 = arith.subf %parallel_loop3A_343, %parallel_loop3A_350 : vector<16xf32>
      %parallel_loop3A_352 = arith.constant 0.000000e+00 : f32
      %parallel_loop3A_353 = vector.broadcast %parallel_loop3A_352 : f32 to vector<16xf32>
      %parallel_loop3A_354 = arith.select %parallel_loop3A_346, %parallel_loop3A_351, %parallel_loop3A_353 : vector<16xi1>, vector<16xf32>
      %parallel_loop3A_355 = arith.mulf %parallel_loop3A_354, %parallel_loop3A_354 : vector<16xf32>
      %parallel_loop3A_356 = arith.addf %parallel_loop3A_268, %parallel_loop3A_355 : vector<16xf32>
      %parallel_loop3A_357 = arith.constant 128 : i32
      %parallel_loop3A_358 = arith.muli %parallel_loop3A_264, %parallel_loop3A_357 : i32
      %parallel_loop3A_359 = arith.constant 64 : i32
      %parallel_loop3A_360 = arith.addi %parallel_loop3A_358, %parallel_loop3A_359 : i32
      %parallel_loop3A_361 = arith.index_cast %parallel_loop3A_360 : i32 to index
      %parallel_loop3A_362 = tpu.vector_load %arg9[%parallel_loop3A_361] {strides = array<i32>} : memref<16384xi32, #tpu.memory_space<vmem>>, vector<16xi32>,
      %parallel_loop3A_363 = arith.index_cast %parallel_loop3A_360 : i32 to index
      %parallel_loop3A_364 = tpu.vector_load %arg11[%parallel_loop3A_363] {strides = array<i32>} : memref<16384xf32, #tpu.memory_space<vmem>>, vector<16xf32>,
      %parallel_loop3A_365 = arith.constant 66560 : i32
      %parallel_loop3A_366 = vector.broadcast %parallel_loop3A_365 : i32 to vector<16xi32>
      %parallel_loop3A_367 = arith.cmpi sge, %parallel_loop3A_362, %parallel_loop3A_366 : vector<16xi32>
      %parallel_loop3A_368 = arith.constant 66560 : i32
      %parallel_loop3A_369 = vector.broadcast %parallel_loop3A_368 : i32 to vector<16xi32>
      %parallel_loop3A_370 = arith.subi %parallel_loop3A_362, %parallel_loop3A_369 : vector<16xi32>
      %parallel_loop3A_371 = tpu.vector_load_idx %arg8[%parallel_loop3A_370] masked %parallel_loop3A_367 : memref<33536xf32, #tpu.memory_space<vmem>>[vector<16xi32>], vector<16xf32>, vector<16xi1>
      %parallel_loop3A_372 = arith.subf %parallel_loop3A_364, %parallel_loop3A_371 : vector<16xf32>
      %parallel_loop3A_373 = arith.constant 0.000000e+00 : f32
      %parallel_loop3A_374 = vector.broadcast %parallel_loop3A_373 : f32 to vector<16xf32>
      %parallel_loop3A_375 = arith.select %parallel_loop3A_367, %parallel_loop3A_372, %parallel_loop3A_374 : vector<16xi1>, vector<16xf32>
      %parallel_loop3A_376 = arith.mulf %parallel_loop3A_375, %parallel_loop3A_375 : vector<16xf32>
      %parallel_loop3A_377 = arith.addf %parallel_loop3A_269, %parallel_loop3A_376 : vector<16xf32>
      %parallel_loop3A_378 = arith.constant 128 : i32
      %parallel_loop3A_379 = arith.muli %parallel_loop3A_264, %parallel_loop3A_378 : i32
      %parallel_loop3A_380 = arith.constant 80 : i32
      %parallel_loop3A_381 = arith.addi %parallel_loop3A_379, %parallel_loop3A_380 : i32
      %parallel_loop3A_382 = arith.index_cast %parallel_loop3A_381 : i32 to index
      %parallel_loop3A_383 = tpu.vector_load %arg9[%parallel_loop3A_382] {strides = array<i32>} : memref<16384xi32, #tpu.memory_space<vmem>>, vector<16xi32>,
      %parallel_loop3A_384 = arith.index_cast %parallel_loop3A_381 : i32 to index
      %parallel_loop3A_385 = tpu.vector_load %arg11[%parallel_loop3A_384] {strides = array<i32>} : memref<16384xf32, #tpu.memory_space<vmem>>, vector<16xf32>,
      %parallel_loop3A_386 = arith.constant 66560 : i32
      %parallel_loop3A_387 = vector.broadcast %parallel_loop3A_386 : i32 to vector<16xi32>
      %parallel_loop3A_388 = arith.cmpi sge, %parallel_loop3A_383, %parallel_loop3A_387 : vector<16xi32>
      %parallel_loop3A_389 = arith.constant 66560 : i32
      %parallel_loop3A_390 = vector.broadcast %parallel_loop3A_389 : i32 to vector<16xi32>
      %parallel_loop3A_391 = arith.subi %parallel_loop3A_383, %parallel_loop3A_390 : vector<16xi32>
      %parallel_loop3A_392 = tpu.vector_load_idx %arg8[%parallel_loop3A_391] masked %parallel_loop3A_388 : memref<33536xf32, #tpu.memory_space<vmem>>[vector<16xi32>], vector<16xf32>, vector<16xi1>
      %parallel_loop3A_393 = arith.subf %parallel_loop3A_385, %parallel_loop3A_392 : vector<16xf32>
      %parallel_loop3A_394 = arith.constant 0.000000e+00 : f32
      %parallel_loop3A_395 = vector.broadcast %parallel_loop3A_394 : f32 to vector<16xf32>
      %parallel_loop3A_396 = arith.select %parallel_loop3A_388, %parallel_loop3A_393, %parallel_loop3A_395 : vector<16xi1>, vector<16xf32>
      %parallel_loop3A_397 = arith.mulf %parallel_loop3A_396, %parallel_loop3A_396 : vector<16xf32>
      %parallel_loop3A_398 = arith.addf %parallel_loop3A_270, %parallel_loop3A_397 : vector<16xf32>
      %parallel_loop3A_399 = arith.constant 128 : i32
      %parallel_loop3A_400 = arith.muli %parallel_loop3A_264, %parallel_loop3A_399 : i32
      %parallel_loop3A_401 = arith.constant 96 : i32
      %parallel_loop3A_402 = arith.addi %parallel_loop3A_400, %parallel_loop3A_401 : i32
      %parallel_loop3A_403 = arith.index_cast %parallel_loop3A_402 : i32 to index
      %parallel_loop3A_404 = tpu.vector_load %arg9[%parallel_loop3A_403] {strides = array<i32>} : memref<16384xi32, #tpu.memory_space<vmem>>, vector<16xi32>,
      %parallel_loop3A_405 = arith.index_cast %parallel_loop3A_402 : i32 to index
      %parallel_loop3A_406 = tpu.vector_load %arg11[%parallel_loop3A_405] {strides = array<i32>} : memref<16384xf32, #tpu.memory_space<vmem>>, vector<16xf32>,
      %parallel_loop3A_407 = arith.constant 66560 : i32
      %parallel_loop3A_408 = vector.broadcast %parallel_loop3A_407 : i32 to vector<16xi32>
      %parallel_loop3A_409 = arith.cmpi sge, %parallel_loop3A_404, %parallel_loop3A_408 : vector<16xi32>
      %parallel_loop3A_410 = arith.constant 66560 : i32
      %parallel_loop3A_411 = vector.broadcast %parallel_loop3A_410 : i32 to vector<16xi32>
      %parallel_loop3A_412 = arith.subi %parallel_loop3A_404, %parallel_loop3A_411 : vector<16xi32>
      %parallel_loop3A_413 = tpu.vector_load_idx %arg8[%parallel_loop3A_412] masked %parallel_loop3A_409 : memref<33536xf32, #tpu.memory_space<vmem>>[vector<16xi32>], vector<16xf32>, vector<16xi1>
      %parallel_loop3A_414 = arith.subf %parallel_loop3A_406, %parallel_loop3A_413 : vector<16xf32>
      %parallel_loop3A_415 = arith.constant 0.000000e+00 : f32
      %parallel_loop3A_416 = vector.broadcast %parallel_loop3A_415 : f32 to vector<16xf32>
      %parallel_loop3A_417 = arith.select %parallel_loop3A_409, %parallel_loop3A_414, %parallel_loop3A_416 : vector<16xi1>, vector<16xf32>
      %parallel_loop3A_418 = arith.mulf %parallel_loop3A_417, %parallel_loop3A_417 : vector<16xf32>
      %parallel_loop3A_419 = arith.addf %parallel_loop3A_271, %parallel_loop3A_418 : vector<16xf32>
      %parallel_loop3A_420 = arith.constant 128 : i32
      %parallel_loop3A_421 = arith.muli %parallel_loop3A_264, %parallel_loop3A_420 : i32
      %parallel_loop3A_422 = arith.constant 112 : i32
      %parallel_loop3A_423 = arith.addi %parallel_loop3A_421, %parallel_loop3A_422 : i32
      %parallel_loop3A_424 = arith.index_cast %parallel_loop3A_423 : i32 to index
      %parallel_loop3A_425 = tpu.vector_load %arg9[%parallel_loop3A_424] {strides = array<i32>} : memref<16384xi32, #tpu.memory_space<vmem>>, vector<16xi32>,
      %parallel_loop3A_426 = arith.index_cast %parallel_loop3A_423 : i32 to index
      %parallel_loop3A_427 = tpu.vector_load %arg11[%parallel_loop3A_426] {strides = array<i32>} : memref<16384xf32, #tpu.memory_space<vmem>>, vector<16xf32>,
      %parallel_loop3A_428 = arith.constant 66560 : i32
      %parallel_loop3A_429 = vector.broadcast %parallel_loop3A_428 : i32 to vector<16xi32>
      %parallel_loop3A_430 = arith.cmpi sge, %parallel_loop3A_425, %parallel_loop3A_429 : vector<16xi32>
      %parallel_loop3A_431 = arith.constant 66560 : i32
      %parallel_loop3A_432 = vector.broadcast %parallel_loop3A_431 : i32 to vector<16xi32>
      %parallel_loop3A_433 = arith.subi %parallel_loop3A_425, %parallel_loop3A_432 : vector<16xi32>
      %parallel_loop3A_434 = tpu.vector_load_idx %arg8[%parallel_loop3A_433] masked %parallel_loop3A_430 : memref<33536xf32, #tpu.memory_space<vmem>>[vector<16xi32>], vector<16xf32>, vector<16xi1>
      %parallel_loop3A_435 = arith.subf %parallel_loop3A_427, %parallel_loop3A_434 : vector<16xf32>
      %parallel_loop3A_436 = arith.constant 0.000000e+00 : f32
      %parallel_loop3A_437 = vector.broadcast %parallel_loop3A_436 : f32 to vector<16xf32>
      %parallel_loop3A_438 = arith.select %parallel_loop3A_430, %parallel_loop3A_435, %parallel_loop3A_437 : vector<16xi1>, vector<16xf32>
      %parallel_loop3A_439 = arith.mulf %parallel_loop3A_438, %parallel_loop3A_438 : vector<16xf32>
      %parallel_loop3A_440 = arith.addf %parallel_loop3A_272, %parallel_loop3A_439 : vector<16xf32>
      scf.yield %parallel_loop3A_293, %parallel_loop3A_314, %parallel_loop3A_335, %parallel_loop3A_356, %parallel_loop3A_377, %parallel_loop3A_398, %parallel_loop3A_419, %parallel_loop3A_440 : vector<16xf32>, vector<16xf32>, vector<16xf32>, vector<16xf32>, vector<16xf32>, vector<16xf32>, vector<16xf32>, vector<16xf32>
    } {sc.loop_unroll_factor = 1 : i64, sc.parallel_access}
    %add3A_253 = arith.addf %parallel_loop3A_252#0, %parallel_loop3A_252#1 : vector<16xf32>
    %add3A_254 = arith.addf %add3A_253, %parallel_loop3A_252#2 : vector<16xf32>
    %add3A_255 = arith.addf %add3A_254, %parallel_loop3A_252#3 : vector<16xf32>
    %add3A_256 = arith.addf %add3A_255, %parallel_loop3A_252#4 : vector<16xf32>
    %add3A_257 = arith.addf %add3A_256, %parallel_loop3A_252#5 : vector<16xf32>
    %add3A_258 = arith.addf %add3A_257, %parallel_loop3A_252#6 : vector<16xf32>
    %add3A_259 = arith.addf %add3A_258, %parallel_loop3A_252#7 : vector<16xf32>
    %mul3A_260 = arith.constant 5.000000e-01 : f32
    %mul3A_261 = vector.broadcast %mul3A_260 : f32 to vector<16xf32>
    %mul3A_262 = arith.mulf %add3A_259, %mul3A_261 : vector<16xf32>
    %swap3A = arith.constant 0 : index
    %swap3A_263 = tpu.vector_load %arg12[%swap3A] {strides = array<i32>} : memref<16xf32, #tpu.memory_space<vmem>>, vector<16xf32>,
    tpu.vector_store %arg12[%swap3A], %mul3A_262 {strides = array<i32>} : memref<16xf32, #tpu.memory_space<vmem>>, vector<16xf32>,
    "tpu.region"() ({
      %run_scoped3A = tpu.sem_alloc : memref<!tpu.dma_semaphore, #tpu.memory_space<semaphore_mem>>
      %dma_start3A_264 = arith.constant 0 : i32
      %dma_start3A_265 = tpu.memref_slice %arg6[%add3A, %dma_start3A_264] : memref<32x16xf32, #tpu.memory_space<hbm>> -> memref<1x16xf32, #tpu.memory_space<hbm>>
      %dma_start3A_266 = tpu.memref_squeeze %dma_start3A_265 : memref<1x16xf32, #tpu.memory_space<hbm>> -> memref<16xf32, #tpu.memory_space<hbm>>
      %dma_start3A_267 = arith.constant 0 : i32
      %dma_start3A_268 = tpu.memref_slice %arg6[%add3A, %dma_start3A_267] : memref<32x16xf32, #tpu.memory_space<hbm>> -> memref<1x16xf32, #tpu.memory_space<hbm>>
      %dma_start3A_269 = tpu.memref_squeeze %dma_start3A_268 : memref<1x16xf32, #tpu.memory_space<hbm>> -> memref<16xf32, #tpu.memory_space<hbm>>
      tpu.enqueue_dma source(%arg12 : memref<16xf32, #tpu.memory_space<vmem>>) target(%dma_start3A_269 : memref<16xf32, #tpu.memory_space<hbm>>) target_semaphore(%run_scoped3A : memref<!tpu.dma_semaphore, #tpu.memory_space<semaphore_mem>>)
      %dma_wait3A_270 = arith.constant 0 : i32
      %dma_wait3A_271 = tpu.memref_slice %arg6[%add3A, %dma_wait3A_270] : memref<32x16xf32, #tpu.memory_space<hbm>> -> memref<1x16xf32, #tpu.memory_space<hbm>>
      %dma_wait3A_272 = tpu.memref_squeeze %dma_wait3A_271 : memref<1x16xf32, #tpu.memory_space<hbm>> -> memref<16xf32, #tpu.memory_space<hbm>>
      %dma_wait3A_273 = arith.constant 0 : i32
      %dma_wait3A_274 = tpu.memref_slice %arg6[%add3A, %dma_wait3A_273] : memref<32x16xf32, #tpu.memory_space<hbm>> -> memref<1x16xf32, #tpu.memory_space<hbm>>
      %dma_wait3A_275 = tpu.memref_squeeze %dma_wait3A_274 : memref<1x16xf32, #tpu.memory_space<hbm>> -> memref<16xf32, #tpu.memory_space<hbm>>
      tpu.wait_dma2 semaphore(%run_scoped3A : memref<!tpu.dma_semaphore, #tpu.memory_space<semaphore_mem>>) src(%arg12 : memref<16xf32, #tpu.memory_space<vmem>>) dst(%dma_wait3A_275 : memref<16xf32, #tpu.memory_space<hbm>>)
      tpu.yield
    }) : () -> ()
    return
  }
}

</mosaic_0001>

<sc_bundles>
// kernel: kernel.3.cloned.1.call-start
scs
__scs_entry_jumppad:
0x0: {  	(pc) =	sbr.rel $0x88, $3  }
0x1: {  	(tag) =	ssettag $0x0;
	lr =	simm.s32 $0x1  }
0x2: {  	[smem:$0x3F9E] =	sst lr;
	_ =	strace $0xD0000000  }
0x3: {  	_ = 	snop  }
0x4: {  	_ = 	snop  }
0x5: {  	_ = 	snop  }
0x6: {  	_ = 	snop  }
0x7: {  	_ = 	snop  }
__scs_overlays_trampoline_lowered:
0x8: {  	[smem:$0x3FAD] =	sst s0  }
0x9: {  	[smem:$0x3FAE] =	sst s1  }
0xa: {  	[smem:$0x3FAF] =	sst s2  }
0xb: {  	[smem:$0x3FB0] =	sst s3  }
0xc: {  	[smem:$0x3FB1] =	sst s4  }
0xd: {  	[smem:$0x3FB2] =	sst s5  }
0xe: {  	[smem:$0x3FB3] =	sst s6  }
0xf: {  	[smem:$0x3FB4] =	sst s7  }
0x10: {  	[smem:$0x3FB5] =	sst s8  }
0x11: {  	[smem:$0x3FB6] =	sst s9;
	s0 =	simm.s32 @!p0 $0x0  }
0x12: {  	s1 =	sld [smem:$0x3F9C];
	s0 =	simm.s32 @p0 $0x1  }
0x13: {  	[smem:$0x3FB7] =	sst s0;
	s0 =	simm.s32 @!p1 $0x0  }
0x14: {  	s2 =	sld [smem:$0x3F9B];
	s0 =	simm.s32 @p1 $0x1  }
0x15: {  	[smem:$0x3FB8] =	sst s0;
	s0 =	simm.s32 @!p2 $0x0  }
0x16: {  	s3 =	sld [smem:$0x3FDB];
	s0 =	simm.s32 @p2 $0x1  }
0x17: {  	s4 =	simm.s32 $0x1BF5;
	[smem:$0x3FBA] =	sst s0  }
0x18: {  	s0 =	sld [smem:$0x3F9D];
	_ =	swait.ge [sflag:s4], $0x0  }
0x19: {  	s7 =	sld [smem:$0x3F9E]  }
0x1a: {  	s8 =	sadd.s32 $0xFFFFE003, lr  }
0x1b: {  	s9 =	sadd.s32 $0xFFFFFEF7, lr;
	s5 =	simm.s32 $0xFFFFFFFF;
	p2 =	slt.u32 s8, $0xFFFFF086  }
0x1c: {  	p1 =	slt.u32 s9, $0xF7A;
	s5 =	simm.s32 @!p2 $0x0  }
0x1d: {  	s5 =	simm.s32 @p1 $0x1;
	p0 =	seq.s32 s7, s2  }
0x1e: {  	s7 =	smul.u32 @!p0 $0xF7A, s2;
	p2 =	seq.s32 @!p0 s5, $0x0  }
0x1f: {  	s9 =	smul.u32 $0xF7A, s1;
	s8 =	simm.s32 @!p0 $0x1BF5;
	p2 =	por !p2, p0  }
0x20: {  	[sflag:s8] =	ssyncset.s32 @!p0 $0xFFFFF086;
	s6 =	sadd.s32 @!p0 s3, s7;
	s7 =	simm.s32 @!p0 $0x108  }
0x21: {  	s3 =	sadd.s32 s3, s9;
	s6 =	sadd.s32 @!p0 $0x88, s6;
	s7 =	simm.s32 @p2 $0x1082  }
0x22: {  	[simem:s7], [sflag:s8] =	dma.local @!p0 [hbm:s6], $0xF7A  }
0x23: {  	s9 =	sor.u32 $0xD0000000, s2;
	s6 =	simm.s32 $0x108;
	_ =	swait.ge @!p0 [sflag:s8], $0x0  }
0x24: {  	s3 =	sadd.s32 $0x88, s3;
	s6 =	simm.s32 @!p1 $0x1082;
	[sflag:s4] =	ssyncset.s32 $0xFFFFF086  }
0x25: {  	[simem:s6], [sflag:s4] =	dma.local [hbm:s3], $0xF7A  }
0x26: {  	[smem:$0x3F9E] =	sst s1;
	(tag) =	ssettag s2;
	_ =	strace s9  }
0x27: {  	s1 =	sld [smem:$0x3FAE]  }
0x28: {  	s2 =	sld [smem:$0x3FAF]  }
0x29: {  	s4 =	sld [smem:$0x3FB1]  }
0x2a: {  	p0 =	seq.s32 s5, $0x0;
	s5 =	sld [smem:$0x3FB2]  }
0x2b: {  	s6 =	sld [smem:$0x3FB3]  }
0x2c: {  	s7 =	sld [smem:$0x3FB4]  }
0x2d: {  	s3 =	simm.s32 $0x108;
	s8 =	sld [smem:$0x3FB5]  }
0x2e: {  	s3 =	simm.s32 @!p0 $0x1082;
	s9 =	sld [smem:$0x3FB6]  }
0x2f: {  	lr =	sadd.s32 s0, s3;
	s0 =	sld [smem:$0x3FAD]  }
0x30: {  	s3 =	sld [smem:$0x3FB0]  }
0x31: {  	[smem:$0x3FB9] =	sst s10  }
0x32: {  	s10 =	sld [smem:$0x3FB7];
	_ =	sdelay $0x3  }
0x33: {  	p0 =	seq.s32 s10, $0x1;
	s10 =	sld [smem:$0x3FB9];
	_ =	sdelay $0x3  }
0x34: {  	[smem:$0x3FB9] =	sst s10  }
0x35: {  	s10 =	sld [smem:$0x3FB8];
	_ =	sdelay $0x3  }
0x36: {  	p1 =	seq.s32 s10, $0x1;
	s10 =	sld [smem:$0x3FB9];
	_ =	sdelay $0x3  }
0x37: {  	[smem:$0x3FB9] =	sst s10  }
0x38: {  	s10 =	sld [smem:$0x3FBA]  }
0x39: {  	_ = 	snop;
	(pc) =	sbr.ind lr, $3  }
0x3a: {  	_ = 	snop  }
0x3b: {  	_ = 	snop  }
0x3c: {  	p2 =	seq.s32 s10, $0x1;
	s10 =	sld [smem:$0x3FB9]  }
0x3d: {  	_ =	shalt  }
0x3e: {  	_ =	shalt  }
0x3f: {  	_ =	shalt  }
0x40: {  	_ =	shalt  }
0x41: {  	_ =	shalt  }
0x42: {  	_ =	shalt  }
0x43: {  	_ =	shalt  }
0x44: {  	_ =	shalt  }
0x45: {  	_ =	shalt  }
0x46: {  	_ =	shalt  }
0x47: {  	_ =	shalt  }
0x48: {  	_ =	shalt  }
0x49: {  	_ =	shalt  }
0x4a: {  	_ =	shalt  }
0x4b: {  	_ =	shalt  }
0x4c: {  	_ =	shalt  }
0x4d: {  	_ =	shalt  }
0x4e: {  	_ =	shalt  }
0x4f: {  	_ =	shalt  }
0x50: {  	_ =	shalt  }
0x51: {  	_ =	shalt  }
0x52: {  	_ =	shalt  }
0x53: {  	_ =	shalt  }
0x54: {  	_ =	shalt  }
0x55: {  	_ =	shalt  }
0x56: {  	_ =	shalt  }
0x57: {  	_ =	shalt  }
0x58: {  	_ =	shalt  }
0x59: {  	_ =	shalt  }
0x5a: {  	_ =	shalt  }
0x5b: {  	_ =	shalt  }
0x5c: {  	_ =	shalt  }
0x5d: {  	_ =	shalt  }
0x5e: {  	_ =	shalt  }
0x5f: {  	_ =	shalt  }
0x60: {  	_ =	shalt  }
0x61: {  	_ =	shalt  }
0x62: {  	_ =	shalt  }
0x63: {  	_ =	shalt  }
0x64: {  	_ =	shalt  }
0x65: {  	_ =	shalt  }
0x66: {  	_ =	shalt  }
0x67: {  	_ =	shalt  }
0x68: {  	_ =	shalt  }
0x69: {  	_ =	shalt  }
0x6a: {  	_ =	shalt  }
0x6b: {  	_ =	shalt  }
0x6c: {  	_ =	shalt  }
0x6d: {  	_ =	shalt  }
0x6e: {  	_ =	shalt  }
0x6f: {  	_ =	shalt  }
0x70: {  	_ =	shalt  }
0x71: {  	_ =	shalt  }
0x72: {  	_ =	shalt  }
0x73: {  	_ =	shalt  }
0x74: {  	_ =	shalt  }
0x75: {  	_ =	shalt  }
0x76: {  	_ =	shalt  }
0x77: {  	_ =	shalt  }
0x78: {  	_ =	shalt  }
0x79: {  	_ =	shalt  }
0x7a: {  	_ =	shalt  }
0x7b: {  	_ =	shalt  }
0x7c: {  	_ =	shalt  }
0x7d: {  	_ =	shalt  }
0x7e: {  	_ =	shalt  }
0x7f: {  	_ =	shalt  }
0x80: {  	_ =	shalt  }
0x81: {  	_ =	shalt  }
0x82: {  	_ =	shalt  }
0x83: {  	_ =	shalt  }
0x84: {  	_ =	shalt  }
0x85: {  	_ =	shalt  }
0x86: {  	_ =	shalt  }
0x87: {  	_ =	shalt  }
.Lfunc_end0:
.L_simem_size_0:
called_computation_lowered:
.L_overlay_start_0:
0x88: {  	s2 =	sld [smem:$0x3FD9]  }
0x89: {  	s3 =	sld [smem:$0x3FFE];
	_ =	sdelay $0x1  }
0x8a: {  	s1 =	srdreg.scid  }
0x8b: {  	s0 =	sand.u32 $0x1, s1  }
0x8c: {  	s17 =	sshll.u32 s0, $0xA;
	s2 =	sadd.s32 s3, s2  }
0x8d: {  	s2 =	sadd.s32 s2, s17  }
0x8e: {  	[smem:$0x3FC5] =	sst s2  }
0x8f: {  	_ = 	snop  }
0x90: {  	s2 =	sld [smem:$0x3FC9]  }
0x91: {  	s18 =	sld [smem:$0x3FC8]  }
0x92: {  	s4 =	sld [smem:$0x3FC7];
	(tm) =	ssettm $0x1  }
0x93: {  	s5 =	sld [smem:$0x3FFB];
	_ =	sdelay $0x3  }
0x94: {  	_ =	strace s5  }
0x95: {  	s5 =	sld [smem:$0x3FFC];
	_ =	sdelay $0x3  }
0x96: {  	_ =	strace s5  }
0x97: {  	s5 =	sld [smem:$0x3FFD];
	_ =	sdelay $0x3  }
0x98: {  	_ =	strace s5  }
0x99: {  	_ =	strace $0x8FFFFFFF  }
0x9a: {  	s19 =	sld [smem:$0x3FDB];
	_ =	sdelay $0x1  }
0x9b: {  	s6 =	simm.s32 $_scs_section_size  }
0x9c: {  	s7 =	simm.s32 $_size__tile_overlayer_lowered;
	s8 =	simm.s32 $_tile_overlayer_lowered  }
0x9d: {  	s22 =	simm.s32 $0x1BFF;
	s21 =	sshll.u32 s8, $0x1;
	s5 =	sadd.s32 s6, s19  }
0x9e: {  	s9 =	simm.s32 $0x0;
	s20 =	sshll.u32 s7, $0x1;
	s7 =	sadd.s32 s21, s5  }
0x9f: {  	[timem:s9], [sflag:s22] =	dma.local [hbm:s7], s20  }
0xa0: {  	_ =	swait.ge [sflag:s22], s20  }
0xa1: {  	s6 =	ssub.s32 $0x0, s20;
	[sflag:s22] =	ssyncset.done $0x0  }
0xa2: {  	[sflag:s22] =	ssyncadd.s32 s6;
	_ =	sdelay $0x1  }
0xa3: {  	s23 =	simm.s32 $0x1B8B  }
0xa4: {  	_ =	swait.ge [sflag:s23], $0x1  }
0xa5: {  	[sflag:s23] =	ssyncset.done $0x0  }
0xa6: {  	s25 =	simm.s32 $0x1B8E;
	s24 =	sld [smem:$0x3FFE];
	[sflag:s23] =	ssyncadd.s32 $0xFFFFFFFF  }
0xa7: {  	s26 =	simm.s32 $execute0_lowered;
	[smem:$0x3FD2] =	sst s25  }
0xa8: {  	s7 =	sshll.u32 s26, $0x1;
	_ =	strace $0x80000046;
	[dreg:$0x1] =	wrdreg $0xFFFFFFFF  }
0xa9: {  	s28 =	simm.s32 $_size_execute0_lowered;
	s5 =	sadd.s32 s5, s7;
	[dreg:$0x0] =	wrdreg $0x0  }
0xaa: {  	s7 =	sshll.u32 s28, $0x1;
	[dreg:$0x2] =	wrdreg s5  }
0xab: {  	[dreg:$0x3] =	wrdreg s7  }
0xac: {  	[dreg:$0x4] =	wrdreg $0xC0  }
0xad: {  	_ =	task [dreg:s9], $0x5FFFF  }
0xae: {  	[dreg:$0x1] =	wrdreg $0xFFFFFFFF  }
0xaf: {  	[dreg:$0x0] =	wrdreg $0x60  }
0xb0: {  	[dreg:$0x2] =	wrdreg s2  }
0xb1: {  	[dreg:$0x3] =	wrdreg s18  }
0xb2: {  	[dreg:$0x4] =	wrdreg s4  }
0xb3: {  	[dreg:$0x5] =	wrdreg s24  }
0xb4: {  	[dreg:$0x6] =	wrdreg $0x9  }
0xb5: {  	_ =	task.clear_ibuf [dreg:s9], $0x7FFFF;
	_ =	strace $0x90000046  }
0xb6: {  	s29 =	simm.s32 $0x9;
	_ =	strace $0x80000048  }
0xb7: {  	_ =	swait.ge [sflag:s29], $0x1  }
0xb8: {  	[sflag:s29] =	ssyncadd.s32 $0xFFFFFFFF  }
0xb9: {  	_ =	strace $0x90000048  }
0xba: {  	_ =	sfence  }
0xbb: {  	s30 =	sld [smem:$0x0];
	_ =	sdelay $0x2  }
0xbc: {  	s31 =	sshll.u32 s1, $0xD;
	s1 =	sshrl.u32 s1, $0x2  }
0xbd: {  	s3 =	sand.u32 $0x4000, s31;
	s1 =	sadd.s32 s1, s30  }
0xbe: {  	s0 =	sor.u32 s3, s0;
	s1 =	sshll.u32 s1, $0x11  }
0xbf: {  	s0 =	sor.u32 s1, s0  }
0xc0: {  	s0 =	sadd.s32 $0x8F2B, s0  }
0xc1: {  	[sflag:s0] =	ssyncadd.remote.s32 $0x1  }
0xc2: {  	_ =	sfence.sel $0xFFFF  }
0xc3: {  	[dreg:$0x0] =	wrdreg $0xFFFFFFFF;
	(pc) =	sbr.abs _section_cstart, $3  }
0xc4: {  	[dreg:$0x1] =	wrdreg $0xFFFFFFFF  }
0xc5: {  	_ =	task.clear_ibuf [dreg:s9], $0x2FFFF;
	_ =	strace $0x9FFFFFFF  }
0xc6: {  	(tm) =	ssettm $0x7FFFFFFF  }
0xc7: {  	_ =	shalt  }
tec
execute0_lowered:
.L_overlay_start_1:
0x0: {  	(tag) =	ssettag $0x1  }
0x1: {  	s0 =	rddreg [dreg:$0x0]  }
0x2: {  	s1 =	rddreg [dreg:$0x2]  }
0x3: {  	s2 =	rddreg [dreg:$0x3];
	s3 =	srdreg.scid  }
0x4: {  	s7 =	stileid.u32;
	s28 =	simm.s32 $0x4;
	s29 =	simm.s32 $0x10580  }
0x5: {  	s30 =	simm.s32 $0x1C600;
	s31 =	simm.s32 $0x6;
	s4 =	sand.u32 $0x1, s3  }
0x6: {  	s3 =	simm.s32 $0x0;
	s6 =	sshll.u32 s7, $0x4;
	s25 =	sshll.u32 s7, $0x8  }
0x7: {  	s5 =	sshll.u32 s4, $0x4;
	[smem:$0x7FF] =	sst s3;
	s24 =	sand.u32 $0x70, s6  }
0x8: {  	s4 =	ssub.s32 $0x2, s4;
	s11 =	sand.u32 $0x300, s25;
	s12 =	sor.u32 s7, s5  }
0x9: {  	_ =	strace $0x80000047;
	s14 =	sadd.s32 s24, s2;
	s7 =	sshrl.u32 s4, $0x1  }
0xa: {  	s9 =	sshrl.u32 s12, $0x2;
	s15 =	ssub.s32 s4, s7;
	s12 =	sshll.u32 s12, $0x4  }
0xb: {  	s10 =	smul.u32 $0xC3800, s9;
	s26 =	sshll.u32 s9, $0x11;
	s22 =	sshll.u32 s9, $0xA  }
0xc: {  	s25 =	sand.u32 $0x180, s12;
	s15 =	smax.u32 s15, $0x1;
	s8 =	sor.u32 s11, s26  }
0xd: {  	s9 =	sor.u32 s11, s22;
	s13 =	sor.u32 s11, s10;
	s17 =	sshrl.u32 s8, $0x3  }
0xe: {  	s9 =	sshrl.u32 s9, $0x3;
	s16 =	sshrl.u32 s13, $0x3;
	s5 =	sadd.s32 s0, s17  }
0xf: {  	s13 =	sadd.s32 $0x41000, s10;
	s17 =	sadd.s32 $0x82000, s10;
	s9 =	sadd.s32 s2, s9  }
0x10: {  	s4 =	sadd.s32 s1, s16;
	s18 =	sor.u32 s11, s13;
	s16 =	sor.u32 $0x80, s11  }
0x11: {  	s7 =	sshrl.u32 s18, $0x3;
	s19 =	sor.u32 s16, s26;
	s18 =	sor.u32 s11, s17  }
0x12: {  	s10 =	sor.u32 s16, s10;
	s23 =	sor.u32 s16, s13;
	s24 =	sor.u32 s16, s17  }
0x13: {  	s26 =	sadd.s32 s25, s14;
	s17 =	simm.s32 $0x80;
	s25 =	simm.s32 $0x8280  }
0x14: {  	s6 =	sadd.s32 s1, s7;
	s20 =	sshrl.u32 s19, $0x3;
	s21 =	sshrl.u32 s18, $0x3  }
0x15: {  	s10 =	sshrl.u32 s10, $0x3;
	s11 =	sshrl.u32 s23, $0x3;
	s13 =	sshrl.u32 s24, $0x3  }
0x16: {  	s14 =	sadd.s32 $0x400, s26;
	s18 =	simm.s32 $0x400;
	s19 =	simm.s32 $0x14600  }
0x17: {  	s23 =	simm.s32 $0x18600;
	s24 =	simm.s32 $0x1;
	s26 =	simm.s32 $0x2  }
0x18: {  	s7 =	sadd.s32 s0, s20;
	s8 =	sadd.s32 s1, s21;
	s10 =	sadd.s32 s1, s10  }
0x19: {  	s11 =	sadd.s32 s1, s11;
	s0 =	sor.u32 s16, s22;
	s12 =	sadd.s32 s1, s13  }
0x1a: {  	s20 =	simm.s32 $0x5;
	s21 =	simm.s32 $0x8300;
	s0 =	sshrl.u32 s0, $0x3  }
0x1b: {  	s22 =	simm.s32 $0x3;
	s13 =	sadd.s32 s2, s0;
	s0 =	simm.s32 $0x0  }
.LBB2_1:
0x1c: {  	s1 =	rddreg [dreg:$0x1];
	s2 =	simm.s32 $0x10600  }
0x1d: {  	[tilespmem:s2], [sflag:$0x5] =	stream.linear.gather [hbm4b:s1+s3], $0x4000, $0x38;
	[tilespmem:$0x1C680] =	vst v63  }
0x1e: {  	_ = 	snop  }
0x1f: {  	[tilespmem:s3], [sflag:$0x1] =	stream.strided.gather [hbm4b:s4+s17], $0x8200, s18, s17, $0x38;
	[tilespmem:$0x1C680] =	vst v63  }
0x20: {  	_ = 	snop  }
0x21: {  	[tilespmem:s19], [sflag:$0x3] =	stream.strided.gather [hbm4b:s5+s17], $0x4000, s18, s17, $0x38;
	[tilespmem:$0x1C680] =	vst v63  }
0x22: {  	_ =	swait.ge [sflag:s20], $0x4000  }
0x23: {  	[sflag:s20] =	ssyncset.done $0x0  }
0x24: {  	[sflag:s20] =	ssyncadd.s32 $0xFFFFC000  }
0x25: {  	[tilespmem:s21], [sflag:$0x2] =	stream.strided.gather [hbm4b:s6+s17], $0x8200, s18, s17, $0x38;
	[tilespmem:$0x1C680] =	vst v63  }
0x26: {  	_ =	swait.ge [sflag:s22], $0x4000  }
0x27: {  	[sflag:s22] =	ssyncset.done $0x0  }
0x28: {  	[sflag:s22] =	ssyncadd.s32 $0xFFFFC000  }
0x29: {  	[tilespmem:s23], [sflag:$0x4] =	stream.strided.gather [hbm4b:s7+s17], $0x4000, s18, s17, $0x38;
	[tilespmem:$0x1C680] =	vst v63  }
0x2a: {  	_ =	swait.ge [sflag:s24], $0x8200  }
0x2b: {  	[sflag:s24] =	ssyncset.done $0x0  }
0x2c: {  	s16 =	simm.s32 $0x0;
	[sflag:s24] =	ssyncadd.s32 $0xFFFF7E00  }
0x2d: {  	v0 =	vld [tilespmem:s16+$0x10670]  }
0x2e: {  	v1 =	vld [tilespmem:s16+$0x10600]  }
0x2f: {  	v2 =	vld [tilespmem:s16+$0x10610]  }
0x30: {  	v3 =	vld [tilespmem:s16+$0x10620]  }
0x31: {  	v4 =	vld [tilespmem:s16+$0x10630]  }
0x32: {  	v5 =	vld [tilespmem:s16+$0x10640]  }
0x33: {  	v6 =	vld [tilespmem:s16+$0x10650];
	vm4 =	vlt.s32 v0, $0x8200  }
0x34: {  	v7 =	vld [tilespmem:s16+$0x10660];
	vm5 =	vlt.s32 v1, $0x8200  }
0x35: {  	v8 =	vld [tilespmem:s16+$0x14600];
	vm6 =	vlt.s32 v2, $0x8200  }
0x36: {  	v12 =	vld [tilespmem:s16+$0x14610];
	vm7 =	vlt.s32 v3, $0x8200  }
0x37: {  	v13 =	vld [tilespmem:s16+$0x14620]  }
0x38: {  	v9 =	vld [tilespmem:s16+$0x14670];
	vm2 =	vlt.s32 v4, $0x8200  }
0x39: {  	vm1 =	vlt.s32 v6, $0x8200;
	v0 =	vld.idx.msk [tilespmem:v0+s3+$0x0], vm4  }
0x3a: {  	vm3 =	vlt.s32 v5, $0x8200;
	v1 =	vld.idx.msk [tilespmem:v1+s3+$0x0], vm5  }
0x3b: {  	vm0 =	vlt.s32 v7, $0x8200;
	v2 =	vld.idx.msk [tilespmem:v2+s3+$0x0], vm6  }
0x3c: {  	v3 =	vld.idx.msk [tilespmem:v3+s3+$0x0], vm7;
	_ =	sdelay $0x1  }
0x3d: {  	v11 =	vld.idx.msk [tilespmem:v4+s3+$0x0], vm2  }
0x3e: {  	v10 =	vld.idx.msk [tilespmem:v6+s3+$0x0], vm1;
	v0 =	vsub.f32 v9, v0  }
0x3f: {  	v6 =	vimm.f32 $0.0e+00;
	v9 =	vld.idx.msk [tilespmem:v5+s3+$0x0], vm3;
	v1 =	vsub.f32 v8, v1;
	v2 =	vsub.f32 v12, v2  }
0x40: {  	v8 =	vld.idx.msk [tilespmem:v7+s3+$0x0], vm0;
	v4 =	vsub.f32 v13, v3;
	v3 =	vimm.f32 $0.0e+00;
	v7 =	vimm.f32 $0.0e+00  }
0x41: {  	v13 =	vld [tilespmem:s16+$0x14630];
	v5 =	vimm.f32 $0.0e+00;
	v0 =	vnsel vm4, $0x0, v0;
	v1 =	vnsel vm5, $0x0, v1  }
0x42: {  	v15 =	vld [tilespmem:s16+$0x14640];
	v18 =	vnsel vm7, $0x0, v4;
	v4 =	vimm.f32 $0.0e+00;
	v0 =	vmul.f32 v0, v0  }
0x43: {  	v17 =	vld [tilespmem:s16+$0x14650];
	v14 =	vmul.f32 v1, v1;
	v1 =	vnsel vm6, $0x0, v2;
	v2 =	vimm.f32 $0.0e+00  }
0x44: {  	s2 =	simm.s32 $0x80;
	s1 =	simm.s32 $0x400;
	v12 =	vld [tilespmem:s16+$0x14660];
	v16 =	vmul.f32 v1, v1;
	v1 =	vimm.f32 $0.0e+00;
	v0 =	vadd.f32 v0, v3  }
.LBB2_2:
0x45: {  	p0 =	sne.s32 s1, $0xFE00;
	v19 =	vld [tilespmem:s2+$0x10670];
	v3 =	vadd.f32 v14, v3;
	v14 =	vmul.f32 v18, v18  }
0x46: {  	v18 =	vld [tilespmem:s2+$0x10600];
	v7 =	vadd.f32 v16, v7;
	v11 =	vsub.f32 v13, v11  }
0x47: {  	v13 =	vld [tilespmem:s2+$0x10610];
	v5 =	vadd.f32 v14, v5;
	v9 =	vsub.f32 v15, v9  }
0x48: {  	v14 =	vld [tilespmem:s2+$0x10620];
	v11 =	vnsel vm2, $0x0, v11;
	v10 =	vsub.f32 v17, v10  }
0x49: {  	v15 =	vld [tilespmem:s2+$0x10630];
	v11 =	vmul.f32 v11, v11;
	v9 =	vnsel vm3, $0x0, v9;
	v8 =	vsub.f32 v12, v8  }
0x4a: {  	v12 =	vld [tilespmem:s2+$0x10640];
	vm7 =	vlt.s32 v19, $0x8200;
	v9 =	vmul.f32 v9, v9;
	v10 =	vnsel vm1, $0x0, v10  }
0x4b: {  	vm4 =	vlt.s32 v18, $0x8200;
	v16 =	vld [tilespmem:s2+$0x10650];
	v10 =	vmul.f32 v10, v10;
	v8 =	vnsel vm0, $0x0, v8  }
0x4c: {  	v4 =	vadd.f32 v11, v4;
	vm5 =	vlt.s32 v13, $0x8200;
	v17 =	vld [tilespmem:s2+$0x10660];
	v8 =	vmul.f32 v8, v8  }
0x4d: {  	v6 =	vadd.f32 v9, v6;
	v20 =	vld [tilespmem:s2+$0x14600];
	vm6 =	vlt.s32 v14, $0x8200;
	v2 =	vadd.f32 v10, v2  }
0x4e: {  	v21 =	vld [tilespmem:s2+$0x14610];
	vm2 =	vlt.s32 v15, $0x8200;
	v1 =	vadd.f32 v8, v1  }
0x4f: {  	v22 =	vld [tilespmem:s2+$0x14620];
	vm3 =	vlt.s32 v12, $0x8200  }
0x50: {  	vm1 =	vlt.s32 v16, $0x8200;
	v8 =	vld.idx.msk [tilespmem:v19+s3+$0x0], vm7  }
0x51: {  	vm0 =	vlt.s32 v17, $0x8200;
	v10 =	vld [tilespmem:s2+$0x14670]  }
0x52: {  	v18 =	vld.idx.msk [tilespmem:v18+s3+$0x0], vm4  }
0x53: {  	v13 =	vld.idx.msk [tilespmem:v13+s3+$0x0], vm5  }
0x54: {  	v14 =	vld.idx.msk [tilespmem:v14+s3+$0x0], vm6  }
0x55: {  	v11 =	vld.idx.msk [tilespmem:v15+s3+$0x0], vm2  }
0x56: {  	v9 =	vld.idx.msk [tilespmem:v12+s3+$0x0], vm3;
	v12 =	vsub.f32 v10, v8  }
0x57: {  	v10 =	vld.idx.msk [tilespmem:v16+s3+$0x0], vm1  }
.Ltmp0:
0x58: {  	v15 =	vsub.f32 v20, v18;
	v8 =	vld.idx.msk [tilespmem:v17+s3+$0x0], vm0;
	v12 =	vnsel vm7, $0x0, v12;
	(pc) =	sbr.rel @p0 .LBB2_2-.Ltmp0, $4  }
0x59: {  	v16 =	vsub.f32 v21, v13;
	v13 =	vld [tilespmem:s2+$0x14630];
	v12 =	vmul.f32 v12, v12  }
0x5a: {  	v17 =	vnsel vm4, $0x0, v15;
	v18 =	vsub.f32 v22, v14;
	v15 =	vld [tilespmem:s2+$0x14640]  }
0x5b: {  	v14 =	vmul.f32 v17, v17;
	v16 =	vnsel vm5, $0x0, v16;
	v17 =	vld [tilespmem:s2+$0x14650];
	v0 =	vadd.f32 v12, v0  }
0x5c: {  	v16 =	vmul.f32 v16, v16;
	v18 =	vnsel vm6, $0x0, v18;
	v12 =	vld [tilespmem:s2+$0x14660];
	s2 =	sshra.s32 s1, $0x2;
	s1 =	sadd.s32 $0x200, s1  }
0x5d: {  	v19 =	vld [tilespmem:s2+$0x10670]  }
0x5e: {  	v20 =	vld [tilespmem:s2+$0x10600]  }
0x5f: {  	v21 =	vld [tilespmem:s2+$0x10610]  }
0x60: {  	v22 =	vld [tilespmem:s2+$0x10620]  }
0x61: {  	v23 =	vld [tilespmem:s2+$0x10630]  }
0x62: {  	v24 =	vld [tilespmem:s2+$0x10640]  }
0x63: {  	v25 =	vld [tilespmem:s2+$0x10650]  }
0x64: {  	v26 =	vld [tilespmem:s2+$0x10660]  }
0x65: {  	v27 =	vld [tilespmem:s2+$0x14600]  }
0x66: {  	v28 =	vld [tilespmem:s2+$0x14610]  }
0x67: {  	v29 =	vld [tilespmem:s2+$0x14620];
	vm11 =	vlt.s32 v19, $0x8200  }
0x68: {  	v30 =	vld [tilespmem:s2+$0x14670];
	vm8 =	vlt.s32 v20, $0x8200  }
0x69: {  	v31 =	vld [tilespmem:s2+$0x14630];
	vm10 =	vlt.s32 v21, $0x8200  }
0x6a: {  	v32 =	vld [tilespmem:s2+$0x14640];
	vm9 =	vlt.s32 v22, $0x8200  }
0x6b: {  	v33 =	vld [tilespmem:s2+$0x14650];
	vm4 =	vlt.s32 v23, $0x8200  }
0x6c: {  	v34 =	vld [tilespmem:s2+$0x14660];
	vm7 =	vlt.s32 v24, $0x8200  }
0x6d: {  	vm6 =	vlt.s32 v25, $0x8200;
	v19 =	vld.idx.msk [tilespmem:v19+s3+$0x0], vm11  }
0x6e: {  	vm5 =	vlt.s32 v26, $0x8200;
	v20 =	vld.idx.msk [tilespmem:v20+s3+$0x0], vm8  }
0x6f: {  	v21 =	vld.idx.msk [tilespmem:v21+s3+$0x0], vm10  }
0x70: {  	v22 =	vld.idx.msk [tilespmem:v22+s3+$0x0], vm9  }
0x71: {  	v23 =	vld.idx.msk [tilespmem:v23+s3+$0x0], vm4  }
0x72: {  	v24 =	vld.idx.msk [tilespmem:v24+s3+$0x0], vm7  }
0x73: {  	s1 =	simm.s32 $0x0;
	v25 =	vld.idx.msk [tilespmem:v25+s3+$0x0], vm6  }
0x74: {  	v26 =	vld.idx.msk [tilespmem:v26+s3+$0x0], vm5;
	[tilespmem:s1], [sflag:$0x1] =	stream.strided.gather [hbm4b:s8+s17], $0x8280, s18, s17, $0x38;
	[tilespmem:$0x1C680] =	vst v63  }
0x75: {  	_ = 	snop  }
0x76: {  	v11 =	vsub.f32 v13, v11;
	[tilespmem:s25], [sflag:$0x1] =	stream.linear.gather [hbm4b:s9+s1], $0x80, $0x38;
	[tilespmem:$0x1C680] =	vst v63  }
0x77: {  	v3 =	vadd.f32 v14, v3;
	v13 =	vmul.f32 v18, v18;
	v9 =	vsub.f32 v15, v9;
	_ =	swait.ge [sflag:s26], $0x8200  }
0x78: {  	v10 =	vsub.f32 v17, v10;
	v11 =	vnsel vm2, $0x0, v11;
	v8 =	vsub.f32 v12, v8;
	[sflag:s26] =	ssyncset.done $0x0  }
0x79: {  	s16 =	simm.s32 $0x0;
	v7 =	vadd.f32 v16, v7;
	v9 =	vnsel vm3, $0x0, v9;
	v11 =	vmul.f32 v11, v11;
	[sflag:s26] =	ssyncadd.s32 $0xFFFF7E00  }
0x7a: {  	v10 =	vnsel vm1, $0x0, v10;
	v9 =	vmul.f32 v9, v9;
	v8 =	vnsel vm0, $0x0, v8;
	v14 =	vld [tilespmem:s16+$0x10670]  }
0x7b: {  	v13 =	vadd.f32 v13, v5;
	v5 =	vmul.f32 v10, v10;
	v8 =	vmul.f32 v8, v8;
	v12 =	vld [tilespmem:s16+$0x10600]  }
0x7c: {  	v10 =	vadd.f32 v11, v4;
	v11 =	vadd.f32 v9, v6;
	v4 =	vld [tilespmem:s16+$0x10610]  }
0x7d: {  	v15 =	vadd.f32 v5, v2;
	v1 =	vadd.f32 v8, v1;
	v9 =	vld [tilespmem:s16+$0x10620]  }
0x7e: {  	v6 =	vsub.f32 v30, v19;
	v2 =	vsub.f32 v27, v20;
	v5 =	vld [tilespmem:s16+$0x10630]  }
0x7f: {  	v16 =	vsub.f32 v28, v21;
	v18 =	vsub.f32 v29, v22;
	v17 =	vld [tilespmem:s16+$0x10640]  }
0x80: {  	v55 =	vsub.f32 v31, v23;
	v24 =	vsub.f32 v32, v24;
	v19 =	vld [tilespmem:s16+$0x10650];
	v14 =	vadd.s32 $0xFFFF7E00, v14  }
0x81: {  	v53 =	vld [tilespmem:s16+$0x10660];
	v6 =	vnsel vm11, $0x0, v6;
	v12 =	vadd.s32 $0xFFFF7E00, v12;
	vm13 =	vlt.u32 v14, $0x8200  }
0x82: {  	v54 =	vld [tilespmem:s16+$0x14600];
	v2 =	vnsel vm8, $0x0, v2;
	v4 =	vadd.s32 $0xFFFF7E00, v4;
	vm14 =	vlt.u32 v12, $0x8200  }
0x83: {  	v56 =	vld [tilespmem:s16+$0x14610];
	v16 =	vnsel vm10, $0x0, v16;
	v9 =	vadd.s32 $0xFFFF7E00, v9;
	vm15 =	vlt.u32 v4, $0x8200  }
0x84: {  	v58 =	vld [tilespmem:s16+$0x14620];
	v18 =	vnsel vm9, $0x0, v18;
	v57 =	vadd.s32 $0xFFFF7E00, v5;
	vm3 =	vlt.u32 v9, $0x8200  }
0x85: {  	v59 =	vld [tilespmem:s16+$0x14630];
	v22 =	vnsel vm4, $0x0, v55;
	v17 =	vadd.s32 $0xFFFF7E00, v17;
	vm4 =	vlt.u32 v57, $0x8200  }
0x86: {  	v60 =	vld [tilespmem:s16+$0x14670];
	v6 =	vmul.f32 v6, v6;
	v19 =	vadd.s32 $0xFFFF7E00, v19;
	vm2 =	vlt.u32 v17, $0x8200  }
0x87: {  	v5 =	vsub.f32 v33, v25;
	v20 =	vadd.s32 $0xFFFF7E00, v53;
	vm1 =	vlt.u32 v19, $0x8200;
	v14 =	vld.idx.msk [tilespmem:v14+s21+$0x0], vm13  }
0x88: {  	v24 =	vnsel vm7, $0x0, v24;
	v2 =	vmul.f32 v2, v2;
	vm0 =	vlt.u32 v20, $0x8200;
	v12 =	vld.idx.msk [tilespmem:v12+s21+$0x0], vm14  }
0x89: {  	v62 =	vadd.f32 v6, v0;
	v0 =	vmul.f32 v16, v16;
	v61 =	vnsel vm6, $0x0, v5;
	v16 =	vld.idx.msk [tilespmem:v4+s21+$0x0], vm15  }
0x8a: {  	v4 =	vadd.f32 v2, v3;
	v2 =	vsub.f32 v34, v26;
	v3 =	vmul.f32 v18, v18;
	v18 =	vld.idx.msk [tilespmem:v9+s21+$0x0], vm3  }
0x8b: {  	v5 =	vadd.f32 v0, v7;
	v0 =	vmul.f32 v22, v22;
	v7 =	vmul.f32 v24, v24;
	v63 =	vld.idx.msk [tilespmem:v57+s21+$0x0], vm4  }
0x8c: {  	v9 =	vld.idx.msk [tilespmem:v17+s21+$0x0], vm2;
	v8 =	vnsel vm5, $0x0, v2;
	v6 =	vadd.f32 v3, v13;
	v13 =	vsub.f32 v60, v14  }
0x8d: {  	v3 =	vadd.f32 v0, v10;
	v2 =	vadd.f32 v7, v11;
	v0 =	vmul.f32 v61, v61;
	v10 =	vld.idx.msk [tilespmem:v19+s21+$0x0], vm1  }
0x8e: {  	v11 =	vsub.f32 v54, v12;
	v14 =	vmul.f32 v8, v8;
	v8 =	vld.idx.msk [tilespmem:v20+s21+$0x0], vm0;
	v13 =	vnsel vm13, $0x0, v13  }
0x8f: {  	v7 =	vadd.f32 v0, v15;
	v16 =	vsub.f32 v56, v16;
	v12 =	vld [tilespmem:s16+$0x14640];
	v19 =	vmul.f32 v13, v13  }
0x90: {  	v15 =	vsub.f32 v58, v18;
	v0 =	vadd.f32 v14, v1;
	v14 =	vnsel vm14, $0x0, v11;
	v13 =	vld [tilespmem:s16+$0x14650]  }
0x91: {  	s2 =	simm.s32 $0x80;
	s1 =	simm.s32 $0x400;
	v17 =	vnsel vm15, $0x0, v16;
	v16 =	vsub.f32 v59, v63;
	v11 =	vld [tilespmem:s16+$0x14660];
	v1 =	vadd.f32 v19, v62  }
.LBB2_4:
0x92: {  	p0 =	sne.s32 s1, $0xFE00;
	v18 =	vld [tilespmem:s2+$0x10670];
	v14 =	vmul.f32 v14, v14;
	v17 =	vmul.f32 v17, v17;
	v15 =	vnsel vm3, $0x0, v15  }
0x93: {  	v19 =	vld [tilespmem:s2+$0x10600];
	v15 =	vmul.f32 v15, v15;
	v16 =	vnsel vm4, $0x0, v16  }
0x94: {  	v20 =	vld [tilespmem:s2+$0x10610];
	v4 =	vadd.f32 v14, v4;
	v14 =	vmul.f32 v16, v16;
	v9 =	vsub.f32 v12, v9  }
0x95: {  	v5 =	vadd.f32 v17, v5;
	v12 =	vld [tilespmem:s2+$0x10620];
	v10 =	vsub.f32 v13, v10  }
0x96: {  	v6 =	vadd.f32 v15, v6;
	v13 =	vld [tilespmem:s2+$0x10630];
	v9 =	vnsel vm2, $0x0, v9;
	v8 =	vsub.f32 v11, v8  }
0x97: {  	v11 =	vld [tilespmem:s2+$0x10640];
	v15 =	vadd.s32 $0xFFFF7E00, v18;
	v9 =	vmul.f32 v9, v9;
	v10 =	vnsel vm1, $0x0, v10  }
0x98: {  	v16 =	vadd.s32 $0xFFFF7E00, v19;
	v17 =	vld [tilespmem:s2+$0x10650];
	vm7 =	vlt.u32 v15, $0x8200;
	v8 =	vnsel vm0, $0x0, v8  }
0x99: {  	v10 =	vmul.f32 v10, v10;
	vm5 =	vlt.u32 v16, $0x8200;
	v18 =	vadd.s32 $0xFFFF7E00, v20;
	v19 =	vld [tilespmem:s2+$0x10660]  }
0x9a: {  	v8 =	vmul.f32 v8, v8;
	v20 =	vld [tilespmem:s2+$0x14600];
	vm6 =	vlt.u32 v18, $0x8200;
	v12 =	vadd.s32 $0xFFFF7E00, v12  }
0x9b: {  	v3 =	vadd.f32 v14, v3;
	v21 =	vld [tilespmem:s2+$0x14610];
	vm3 =	vlt.u32 v12, $0x8200;
	v13 =	vadd.s32 $0xFFFF7E00, v13  }
0x9c: {  	v2 =	vadd.f32 v9, v2;
	v22 =	vld [tilespmem:s2+$0x14620];
	vm4 =	vlt.u32 v13, $0x8200;
	v11 =	vadd.s32 $0xFFFF7E00, v11  }
0x9d: {  	v7 =	vadd.f32 v10, v7;
	v23 =	vld [tilespmem:s2+$0x14630];
	vm2 =	vlt.u32 v11, $0x8200;
	v14 =	vadd.s32 $0xFFFF7E00, v17  }
0x9e: {  	v0 =	vadd.f32 v8, v0;
	vm1 =	vlt.u32 v14, $0x8200;
	v17 =	vadd.s32 $0xFFFF7E00, v19;
	v10 =	vld.idx.msk [tilespmem:v15+s21+$0x0], vm7  }
0x9f: {  	vm0 =	vlt.u32 v17, $0x8200;
	v8 =	vld [tilespmem:s2+$0x14670]  }
0xa0: {  	v15 =	vld.idx.msk [tilespmem:v16+s21+$0x0], vm5  }
0xa1: {  	v16 =	vld.idx.msk [tilespmem:v18+s21+$0x0], vm6  }
0xa2: {  	v18 =	vld.idx.msk [tilespmem:v12+s21+$0x0], vm3  }
0xa3: {  	v19 =	vld.idx.msk [tilespmem:v13+s21+$0x0], vm4  }
0xa4: {  	v9 =	vld.idx.msk [tilespmem:v11+s21+$0x0], vm2;
	v11 =	vsub.f32 v8, v10  }
.Ltmp1:
0xa5: {  	v10 =	vld.idx.msk [tilespmem:v14+s21+$0x0], vm1;
	(pc) =	sbr.rel @p0 .LBB2_4-.Ltmp1, $4  }
0xa6: {  	v13 =	vsub.f32 v20, v15;
	v8 =	vld.idx.msk [tilespmem:v17+s21+$0x0], vm0;
	v11 =	vnsel vm7, $0x0, v11  }
0xa7: {  	v16 =	vsub.f32 v21, v16;
	v12 =	vld [tilespmem:s2+$0x14640];
	v20 =	vmul.f32 v11, v11  }
0xa8: {  	v14 =	vnsel vm5, $0x0, v13;
	v15 =	vsub.f32 v22, v18;
	v13 =	vld [tilespmem:s2+$0x14650]  }
0xa9: {  	v17 =	vnsel vm6, $0x0, v16;
	v16 =	vsub.f32 v23, v19;
	v11 =	vld [tilespmem:s2+$0x14660];
	s2 =	sshra.s32 s1, $0x2;
	s1 =	sadd.s32 $0x200, s1;
	v1 =	vadd.f32 v20, v1  }
0xaa: {  	v18 =	vld [tilespmem:s2+$0x10670]  }
0xab: {  	v19 =	vld [tilespmem:s2+$0x10600]  }
0xac: {  	v20 =	vld [tilespmem:s2+$0x10610]  }
0xad: {  	v21 =	vld [tilespmem:s2+$0x10620]  }
0xae: {  	v22 =	vld [tilespmem:s2+$0x10630]  }
0xaf: {  	v23 =	vld [tilespmem:s2+$0x10640]  }
0xb0: {  	v24 =	vld [tilespmem:s2+$0x10650]  }
0xb1: {  	v25 =	vld [tilespmem:s2+$0x10660]  }
0xb2: {  	v26 =	vld [tilespmem:s2+$0x14600]  }
0xb3: {  	v27 =	vld [tilespmem:s2+$0x14610];
	v18 =	vadd.s32 $0xFFFF7E00, v18  }
0xb4: {  	v28 =	vld [tilespmem:s2+$0x14620];
	v19 =	vadd.s32 $0xFFFF7E00, v19;
	vm11 =	vlt.u32 v18, $0x8200  }
0xb5: {  	v29 =	vld [tilespmem:s2+$0x14630];
	v20 =	vadd.s32 $0xFFFF7E00, v20;
	vm8 =	vlt.u32 v19, $0x8200  }
0xb6: {  	v30 =	vld [tilespmem:s2+$0x14670];
	v21 =	vadd.s32 $0xFFFF7E00, v21;
	vm9 =	vlt.u32 v20, $0x8200  }
0xb7: {  	v31 =	vld [tilespmem:s2+$0x14640];
	v22 =	vadd.s32 $0xFFFF7E00, v22;
	vm10 =	vlt.u32 v21, $0x8200  }
0xb8: {  	v32 =	vld [tilespmem:s2+$0x14650];
	v23 =	vadd.s32 $0xFFFF7E00, v23;
	vm12 =	vlt.u32 v22, $0x8200  }
0xb9: {  	v33 =	vld [tilespmem:s2+$0x14660];
	v24 =	vadd.s32 $0xFFFF7E00, v24;
	vm7 =	vlt.u32 v23, $0x8200  }
0xba: {  	v25 =	vadd.s32 $0xFFFF7E00, v25;
	vm6 =	vlt.u32 v24, $0x8200;
	v18 =	vld.idx.msk [tilespmem:v18+s21+$0x0], vm11  }
0xbb: {  	vm5 =	vlt.u32 v25, $0x8200;
	v19 =	vld.idx.msk [tilespmem:v19+s21+$0x0], vm8  }
0xbc: {  	v20 =	vld.idx.msk [tilespmem:v20+s21+$0x0], vm9  }
0xbd: {  	v21 =	vld.idx.msk [tilespmem:v21+s21+$0x0], vm10  }
0xbe: {  	v22 =	vld.idx.msk [tilespmem:v22+s21+$0x0], vm12  }
0xbf: {  	v23 =	vld.idx.msk [tilespmem:v23+s21+$0x0], vm7  }
0xc0: {  	v24 =	vld.idx.msk [tilespmem:v24+s21+$0x0], vm6  }
0xc1: {  	v25 =	vld.idx.msk [tilespmem:v25+s21+$0x0], vm5;
	[tilespmem:s21], [sflag:$0x2] =	stream.strided.gather [hbm4b:s10+s17], $0x8200, s18, s17, $0x38;
	[tilespmem:$0x1C680] =	vst v63  }
0xc2: {  	_ =	swait.ge [sflag:s24], $0x8280  }
0xc3: {  	v9 =	vsub.f32 v12, v9;
	v12 =	vnsel vm3, $0x0, v15;
	v15 =	vmul.f32 v17, v17;
	[sflag:s24] =	ssyncset.done $0x0  }
0xc4: {  	v10 =	vsub.f32 v13, v10;
	v13 =	vmul.f32 v14, v14;
	v14 =	vnsel vm4, $0x0, v16;
	[sflag:s24] =	ssyncadd.s32 $0xFFFF7D80  }
0xc5: {  	v12 =	vmul.f32 v12, v12;
	v9 =	vnsel vm2, $0x0, v9;
	v8 =	vsub.f32 v11, v8;
	_ =	swait.ge [sflag:s24], $0x80  }
0xc6: {  	v10 =	vnsel vm1, $0x0, v10;
	v4 =	vadd.f32 v13, v4;
	v13 =	vmul.f32 v14, v14;
	[sflag:s24] =	ssyncset.done $0x0  }
0xc7: {  	s16 =	simm.s32 $0x0;
	v12 =	vadd.f32 v12, v6;
	v6 =	vmul.f32 v9, v9;
	v8 =	vnsel vm0, $0x0, v8;
	[sflag:s24] =	ssyncadd.s32 $0xFFFFFF80  }
0xc8: {  	v5 =	vadd.f32 v15, v5;
	v9 =	vmul.f32 v10, v10;
	v8 =	vmul.f32 v8, v8;
	v11 =	vld [tilespmem:s16+$0x10670]  }
0xc9: {  	v3 =	vadd.f32 v13, v3;
	v2 =	vadd.f32 v6, v2;
	v10 =	vld [tilespmem:s16+$0x10600]  }
0xca: {  	v15 =	vadd.f32 v9, v7;
	v62 =	vadd.f32 v8, v0;
	v14 =	vld [tilespmem:s16+$0x10610]  }
0xcb: {  	v13 =	vsub.f32 v30, v18;
	v7 =	vsub.f32 v26, v19;
	v6 =	vld [tilespmem:s16+$0x10620]  }
0xcc: {  	v17 =	vsub.f32 v28, v21;
	v18 =	vsub.f32 v29, v22;
	v16 =	vld [tilespmem:s16+$0x10630]  }
0xcd: {  	v56 =	vsub.f32 v31, v23;
	v24 =	vsub.f32 v32, v24;
	v19 =	vld [tilespmem:s16+$0x10640];
	vm4 =	vgt.s32 v11, $0x103FF  }
0xce: {  	v9 =	vnsel vm11, $0x0, v13;
	v13 =	vsub.f32 v27, v20;
	v20 =	vld [tilespmem:s16+$0x10650];
	v11 =	vadd.s32 $0xFFFEFC00, v11  }
0xcf: {  	v25 =	vsub.f32 v33, v25;
	v7 =	vnsel vm8, $0x0, v7;
	v55 =	vld [tilespmem:s16+$0x10660];
	vm13 =	vgt.s32 v10, $0x103FF  }
0xd0: {  	v17 =	vnsel vm10, $0x0, v17;
	v57 =	vld [tilespmem:s16+$0x14600];
	v10 =	vadd.s32 $0xFFFEFC00, v10;
	vm14 =	vgt.s32 v14, $0x103FF  }
0xd1: {  	v18 =	vnsel vm12, $0x0, v18;
	v58 =	vld [tilespmem:s16+$0x14610];
	v14 =	vadd.s32 $0xFFFEFC00, v14;
	vm15 =	vgt.s32 v6, $0x103FF  }
0xd2: {  	v22 =	vnsel vm7, $0x0, v56;
	v59 =	vld [tilespmem:s16+$0x14620];
	v6 =	vadd.s32 $0xFFFEFC00, v6;
	vm2 =	vgt.s32 v16, $0x103FF  }
0xd3: {  	v16 =	vadd.s32 $0xFFFEFC00, v16;
	vm3 =	vgt.s32 v19, $0x103FF;
	vm1 =	vgt.s32 v20, $0x103FF;
	v60 =	vld.idx.msk [tilespmem:v11+s3+$0x0], vm4  }
0xd4: {  	v20 =	vadd.s32 $0xFFFEFC00, v20;
	vm0 =	vgt.s32 v55, $0x103FF;
	v11 =	vadd.s32 $0xFFFEFC00, v19;
	v19 =	vld [tilespmem:s16+$0x14670]  }
0xd5: {  	v9 =	vmul.f32 v9, v9;
	v13 =	vnsel vm9, $0x0, v13;
	v21 =	vadd.s32 $0xFFFEFC00, v55;
	v61 =	vld.idx.msk [tilespmem:v10+s3+$0x0], vm13  }
0xd6: {  	v24 =	vnsel vm6, $0x0, v24;
	v7 =	vmul.f32 v7, v7;
	v0 =	vmul.f32 v13, v13;
	v14 =	vld.idx.msk [tilespmem:v14+s3+$0x0], vm14  }
0xd7: {  	v8 =	vmul.f32 v17, v17;
	v63 =	vadd.f32 v9, v1;
	v1 =	vmul.f32 v18, v18;
	v13 =	vld.idx.msk [tilespmem:v6+s3+$0x0], vm15  }
0xd8: {  	v7 =	vadd.f32 v7, v4;
	v10 =	vld.idx.msk [tilespmem:v16+s3+$0x0], vm2;
	v6 =	vadd.f32 v0, v5;
	v0 =	vmul.f32 v22, v22  }
0xd9: {  	v4 =	vadd.f32 v8, v12;
	v12 =	vmul.f32 v24, v24;
	v5 =	vadd.f32 v1, v3;
	v9 =	vld.idx.msk [tilespmem:v20+s3+$0x0], vm1  }
0xda: {  	v8 =	vld.idx.msk [tilespmem:v21+s3+$0x0], vm0;
	v1 =	vadd.f32 v0, v2;
	v3 =	vsub.f32 v19, v60  }
0xdb: {  	v25 =	vnsel vm5, $0x0, v25;
	v0 =	vadd.f32 v12, v15;
	v12 =	vld [tilespmem:s16+$0x14630];
	v16 =	vsub.f32 v57, v61  }
0xdc: {  	v2 =	vmul.f32 v25, v25;
	v15 =	vld [tilespmem:s16+$0x14640];
	v14 =	vsub.f32 v58, v14;
	v3 =	vnsel vm4, $0x0, v3  }
0xdd: {  	v11 =	vld.idx.msk [tilespmem:v11+s3+$0x0], vm3;
	v18 =	vsub.f32 v59, v13;
	v16 =	vnsel vm13, $0x0, v16;
	v3 =	vmul.f32 v3, v3  }
0xde: {  	v2 =	vadd.f32 v2, v62;
	v13 =	vld [tilespmem:s16+$0x14650];
	v14 =	vnsel vm14, $0x0, v14;
	v17 =	vmul.f32 v16, v16  }
0xdf: {  	s2 =	simm.s32 $0x80;
	s1 =	simm.s32 $0x400;
	v18 =	vnsel vm15, $0x0, v18;
	v16 =	vmul.f32 v14, v14;
	v14 =	vld [tilespmem:s16+$0x14660];
	v3 =	vadd.f32 v3, v63  }
.LBB2_6:
0xe0: {  	p0 =	sne.s32 s1, $0xFE00;
	v19 =	vld [tilespmem:s2+$0x10670];
	v7 =	vadd.f32 v17, v7;
	v17 =	vmul.f32 v18, v18  }
0xe1: {  	v18 =	vld [tilespmem:s2+$0x10600];
	v6 =	vadd.f32 v16, v6;
	v10 =	vsub.f32 v12, v10  }
0xe2: {  	v12 =	vld [tilespmem:s2+$0x10610];
	v4 =	vadd.f32 v17, v4;
	v11 =	vsub.f32 v15, v11  }
0xe3: {  	v15 =	vld [tilespmem:s2+$0x10620];
	v10 =	vnsel vm2, $0x0, v10;
	v9 =	vsub.f32 v13, v9  }
0xe4: {  	v13 =	vld [tilespmem:s2+$0x10630];
	v10 =	vmul.f32 v10, v10;
	v11 =	vnsel vm3, $0x0, v11;
	v8 =	vsub.f32 v14, v8  }
0xe5: {  	v14 =	vld [tilespmem:s2+$0x10640];
	vm7 =	vgt.s32 v19, $0x103FF;
	v11 =	vmul.f32 v11, v11;
	v9 =	vnsel vm1, $0x0, v9  }
0xe6: {  	vm4 =	vgt.s32 v18, $0x103FF;
	v16 =	vadd.s32 $0xFFFEFC00, v18;
	v17 =	vld [tilespmem:s2+$0x10650];
	v18 =	vadd.s32 $0xFFFEFC00, v19  }
0xe7: {  	v8 =	vnsel vm0, $0x0, v8;
	vm5 =	vgt.s32 v12, $0x103FF;
	v12 =	vadd.s32 $0xFFFEFC00, v12;
	v19 =	vld [tilespmem:s2+$0x10660]  }
0xe8: {  	v9 =	vmul.f32 v9, v9;
	v20 =	vld [tilespmem:s2+$0x14600];
	vm6 =	vgt.s32 v15, $0x103FF;
	v15 =	vadd.s32 $0xFFFEFC00, v15  }
0xe9: {  	v8 =	vmul.f32 v8, v8;
	v21 =	vld [tilespmem:s2+$0x14610];
	vm2 =	vgt.s32 v13, $0x103FF;
	v13 =	vadd.s32 $0xFFFEFC00, v13  }
0xea: {  	v5 =	vadd.f32 v10, v5;
	v22 =	vld [tilespmem:s2+$0x14620];
	vm3 =	vgt.s32 v14, $0x103FF;
	v14 =	vadd.s32 $0xFFFEFC00, v14  }
0xeb: {  	v1 =	vadd.f32 v11, v1;
	vm1 =	vgt.s32 v17, $0x103FF;
	v17 =	vadd.s32 $0xFFFEFC00, v17;
	v18 =	vld.idx.msk [tilespmem:v18+s3+$0x0], vm7  }
0xec: {  	v0 =	vadd.f32 v9, v0;
	vm0 =	vgt.s32 v19, $0x103FF;
	v19 =	vadd.s32 $0xFFFEFC00, v19;
	v23 =	vld [tilespmem:s2+$0x14670]  }
0xed: {  	v2 =	vadd.f32 v8, v2;
	v16 =	vld.idx.msk [tilespmem:v16+s3+$0x0], vm4  }
0xee: {  	v12 =	vld.idx.msk [tilespmem:v12+s3+$0x0], vm5  }
0xef: {  	v15 =	vld.idx.msk [tilespmem:v15+s3+$0x0], vm6  }
0xf0: {  	v10 =	vld.idx.msk [tilespmem:v13+s3+$0x0], vm2  }
0xf1: {  	v11 =	vld.idx.msk [tilespmem:v14+s3+$0x0], vm3;
	v13 =	vsub.f32 v23, v18  }
0xf2: {  	v9 =	vld.idx.msk [tilespmem:v17+s3+$0x0], vm1  }
.Ltmp2:
0xf3: {  	v14 =	vsub.f32 v20, v16;
	v8 =	vld.idx.msk [tilespmem:v19+s3+$0x0], vm0;
	v13 =	vnsel vm7, $0x0, v13;
	(pc) =	sbr.rel @p0 .LBB2_6-.Ltmp2, $4  }
0xf4: {  	v16 =	vsub.f32 v21, v12;
	v12 =	vld [tilespmem:s2+$0x14630];
	v18 =	vmul.f32 v13, v13  }
0xf5: {  	v13 =	vnsel vm4, $0x0, v14;
	v14 =	vsub.f32 v22, v15;
	v15 =	vld [tilespmem:s2+$0x14640]  }
0xf6: {  	v17 =	vmul.f32 v13, v13;
	v16 =	vnsel vm5, $0x0, v16;
	v13 =	vld [tilespmem:s2+$0x14650];
	v3 =	vadd.f32 v18, v3  }
0xf7: {  	v16 =	vmul.f32 v16, v16;
	v18 =	vnsel vm6, $0x0, v14;
	v14 =	vld [tilespmem:s2+$0x14660];
	s2 =	sshra.s32 s1, $0x2;
	s1 =	sadd.s32 $0x200, s1  }
0xf8: {  	v19 =	vld [tilespmem:s2+$0x10670]  }
0xf9: {  	v20 =	vld [tilespmem:s2+$0x10600]  }
0xfa: {  	v21 =	vld [tilespmem:s2+$0x10610]  }
0xfb: {  	v22 =	vld [tilespmem:s2+$0x10620]  }
0xfc: {  	v23 =	vld [tilespmem:s2+$0x10630]  }
0xfd: {  	v24 =	vld [tilespmem:s2+$0x10640]  }
0xfe: {  	v25 =	vld [tilespmem:s2+$0x10650]  }
0xff: {  	v26 =	vld [tilespmem:s2+$0x10660]  }
0x100: {  	v27 =	vld [tilespmem:s2+$0x14600]  }
0x101: {  	v28 =	vld [tilespmem:s2+$0x14610]  }
0x102: {  	v29 =	vld [tilespmem:s2+$0x14620];
	vm11 =	vgt.s32 v19, $0x103FF  }
0x103: {  	v30 =	vld [tilespmem:s2+$0x14670];
	v19 =	vadd.s32 $0xFFFEFC00, v19;
	vm10 =	vgt.s32 v20, $0x103FF  }
0x104: {  	v31 =	vld [tilespmem:s2+$0x14630];
	v20 =	vadd.s32 $0xFFFEFC00, v20;
	vm9 =	vgt.s32 v21, $0x103FF  }
0x105: {  	v32 =	vld [tilespmem:s2+$0x14640];
	v21 =	vadd.s32 $0xFFFEFC00, v21;
	vm8 =	vgt.s32 v22, $0x103FF  }
0x106: {  	v33 =	vld [tilespmem:s2+$0x14650];
	v22 =	vadd.s32 $0xFFFEFC00, v22;
	vm7 =	vgt.s32 v23, $0x103FF  }
0x107: {  	v34 =	vld [tilespmem:s2+$0x14660];
	v23 =	vadd.s32 $0xFFFEFC00, v23;
	vm6 =	vgt.s32 v24, $0x103FF  }
0x108: {  	v24 =	vadd.s32 $0xFFFEFC00, v24;
	vm5 =	vgt.s32 v25, $0x103FF;
	v19 =	vld.idx.msk [tilespmem:v19+s3+$0x0], vm11  }
0x109: {  	v25 =	vadd.s32 $0xFFFEFC00, v25;
	vm4 =	vgt.s32 v26, $0x103FF;
	v20 =	vld.idx.msk [tilespmem:v20+s3+$0x0], vm10  }
0x10a: {  	v26 =	vadd.s32 $0xFFFEFC00, v26;
	v21 =	vld.idx.msk [tilespmem:v21+s3+$0x0], vm9  }
0x10b: {  	v22 =	vld.idx.msk [tilespmem:v22+s3+$0x0], vm8  }
0x10c: {  	v23 =	vld.idx.msk [tilespmem:v23+s3+$0x0], vm7  }
0x10d: {  	v24 =	vld.idx.msk [tilespmem:v24+s3+$0x0], vm6  }
0x10e: {  	s1 =	simm.s32 $0x0;
	v25 =	vld.idx.msk [tilespmem:v25+s3+$0x0], vm5  }
0x10f: {  	v26 =	vld.idx.msk [tilespmem:v26+s3+$0x0], vm4;
	[tilespmem:s1], [sflag:$0x1] =	stream.strided.gather [hbm4b:s11+s17], $0x8200, s18, s17, $0x38;
	[tilespmem:$0x1C680] =	vst v63  }
0x110: {  	_ =	swait.ge [sflag:s28], $0x4000  }
0x111: {  	[sflag:s28] =	ssyncset.done $0x0  }
0x112: {  	[sflag:s28] =	ssyncadd.s32 $0xFFFFC000  }
0x113: {  	_ =	swait.ge [sflag:s26], $0x8200  }
0x114: {  	[sflag:s26] =	ssyncset.done $0x0  }
0x115: {  	s16 =	simm.s32 $0x0;
	v10 =	vsub.f32 v12, v10;
	[sflag:s26] =	ssyncadd.s32 $0xFFFF7E00  }
0x116: {  	v7 =	vadd.f32 v17, v7;
	v11 =	vsub.f32 v15, v11;
	v12 =	vld [tilespmem:s16+$0x10670]  }
0x117: {  	v15 =	vmul.f32 v18, v18;
	v10 =	vnsel vm2, $0x0, v10;
	v9 =	vsub.f32 v13, v9;
	v13 =	vld [tilespmem:s16+$0x10600]  }
0x118: {  	v11 =	vnsel vm3, $0x0, v11;
	v10 =	vmul.f32 v10, v10;
	v8 =	vsub.f32 v14, v8;
	v14 =	vld [tilespmem:s16+$0x10610]  }
0x119: {  	v4 =	vadd.f32 v15, v4;
	v9 =	vnsel vm1, $0x0, v9;
	v11 =	vmul.f32 v11, v11;
	v17 =	vld [tilespmem:s16+$0x10620]  }
0x11a: {  	v8 =	vnsel vm0, $0x0, v8;
	v15 =	vadd.f32 v10, v5;
	v9 =	vmul.f32 v9, v9;
	v5 =	vld [tilespmem:s16+$0x10630]  }
0x11b: {  	v6 =	vadd.f32 v16, v6;
	v1 =	vadd.f32 v11, v1;
	v8 =	vmul.f32 v8, v8;
	v18 =	vld [tilespmem:s16+$0x10640]  }
0x11c: {  	v0 =	vadd.f32 v9, v0;
	v16 =	vsub.f32 v30, v19;
	v56 =	vld [tilespmem:s16+$0x10650];
	vm12 =	vlt.s32 v12, $0x8200  }
0x11d: {  	v10 =	vsub.f32 v27, v20;
	v19 =	vsub.f32 v28, v21;
	v58 =	vld [tilespmem:s16+$0x10660];
	vm13 =	vlt.s32 v13, $0x8200  }
0x11e: {  	v20 =	vsub.f32 v29, v22;
	v57 =	vsub.f32 v31, v23;
	v59 =	vld [tilespmem:s16+$0x18600];
	vm14 =	vlt.s32 v14, $0x8200  }
0x11f: {  	v24 =	vsub.f32 v32, v24;
	v25 =	vsub.f32 v33, v25;
	v60 =	vld [tilespmem:s16+$0x18610];
	vm15 =	vlt.s32 v17, $0x8200  }
0x120: {  	v26 =	vsub.f32 v34, v26;
	v16 =	vnsel vm11, $0x0, v16;
	v61 =	vld [tilespmem:s16+$0x18620];
	vm1 =	vlt.s32 v5, $0x8200  }
0x121: {  	v10 =	vnsel vm10, $0x0, v10;
	v19 =	vnsel vm9, $0x0, v19;
	v62 =	vld [tilespmem:s16+$0x18670];
	vm3 =	vlt.s32 v18, $0x8200  }
0x122: {  	v20 =	vnsel vm8, $0x0, v20;
	v22 =	vnsel vm7, $0x0, v57;
	vm2 =	vlt.s32 v56, $0x8200;
	v12 =	vld.idx.msk [tilespmem:v12+s21+$0x0], vm12  }
0x123: {  	v24 =	vnsel vm6, $0x0, v24;
	v11 =	vnsel vm5, $0x0, v25;
	vm0 =	vlt.s32 v58, $0x8200;
	v13 =	vld.idx.msk [tilespmem:v13+s21+$0x0], vm13  }
0x124: {  	v26 =	vnsel vm4, $0x0, v26;
	v9 =	vmul.f32 v16, v16;
	v10 =	vmul.f32 v10, v10;
	v14 =	vld.idx.msk [tilespmem:v14+s21+$0x0], vm14  }
0x125: {  	v16 =	vadd.f32 v8, v2;
	v2 =	vmul.f32 v19, v19;
	v8 =	vmul.f32 v20, v20;
	v17 =	vld.idx.msk [tilespmem:v17+s21+$0x0], vm15  }
0x126: {  	v19 =	vadd.f32 v9, v3;
	v7 =	vadd.f32 v10, v7;
	v3 =	vmul.f32 v22, v22;
	v9 =	vld.idx.msk [tilespmem:v5+s21+$0x0], vm1  }
0x127: {  	v5 =	vadd.f32 v2, v6;
	v2 =	vadd.f32 v8, v4;
	v4 =	vmul.f32 v24, v24;
	v10 =	vld.idx.msk [tilespmem:v18+s21+$0x0], vm3  }
0x128: {  	v3 =	vadd.f32 v3, v15;
	v15 =	vmul.f32 v11, v11;
	v11 =	vld.idx.msk [tilespmem:v56+s21+$0x0], vm2;
	v12 =	vsub.f32 v62, v12  }
0x129: {  	v18 =	vmul.f32 v26, v26;
	v8 =	vld.idx.msk [tilespmem:v58+s21+$0x0], vm0;
	v6 =	vadd.f32 v4, v1;
	v1 =	vsub.f32 v59, v13  }
0x12a: {  	v4 =	vadd.f32 v15, v0;
	v13 =	vld [tilespmem:s16+$0x18630];
	v0 =	vnsel vm12, $0x0, v12;
	v12 =	vsub.f32 v60, v14  }
0x12b: {  	v63 =	vsub.f32 v61, v17;
	v1 =	vnsel vm13, $0x0, v1;
	v14 =	vld [tilespmem:s16+$0x18640];
	v20 =	vmul.f32 v0, v0  }
0x12c: {  	v15 =	vld [tilespmem:s16+$0x18650];
	v0 =	vadd.f32 v18, v16;
	v16 =	vmul.f32 v1, v1;
	v12 =	vnsel vm14, $0x0, v12  }
0x12d: {  	s2 =	simm.s32 $0x80;
	s1 =	simm.s32 $0x400;
	v18 =	vnsel vm15, $0x0, v63;
	v1 =	vadd.f32 v20, v19;
	v17 =	vmul.f32 v12, v12;
	v12 =	vld [tilespmem:s16+$0x18660]  }
.LBB2_8:
0x12e: {  	p0 =	sne.s32 s1, $0xFE00;
	v19 =	vld [tilespmem:s2+$0x10670];
	v7 =	vadd.f32 v16, v7;
	v16 =	vmul.f32 v18, v18  }
0x12f: {  	v18 =	vld [tilespmem:s2+$0x10600];
	v5 =	vadd.f32 v17, v5;
	v9 =	vsub.f32 v13, v9  }
0x130: {  	v13 =	vld [tilespmem:s2+$0x10610];
	v2 =	vadd.f32 v16, v2;
	v10 =	vsub.f32 v14, v10  }
0x131: {  	v14 =	vld [tilespmem:s2+$0x10620];
	v9 =	vnsel vm1, $0x0, v9;
	v11 =	vsub.f32 v15, v11  }
0x132: {  	v15 =	vld [tilespmem:s2+$0x10630];
	v9 =	vmul.f32 v9, v9;
	v10 =	vnsel vm3, $0x0, v10;
	v8 =	vsub.f32 v12, v8  }
0x133: {  	v12 =	vld [tilespmem:s2+$0x10640];
	vm7 =	vlt.s32 v19, $0x8200;
	v10 =	vmul.f32 v10, v10;
	v11 =	vnsel vm2, $0x0, v11  }
0x134: {  	vm4 =	vlt.s32 v18, $0x8200;
	v16 =	vld [tilespmem:s2+$0x10650];
	v11 =	vmul.f32 v11, v11;
	v8 =	vnsel vm0, $0x0, v8  }
0x135: {  	v3 =	vadd.f32 v9, v3;
	vm5 =	vlt.s32 v13, $0x8200;
	v17 =	vld [tilespmem:s2+$0x10660];
	v8 =	vmul.f32 v8, v8  }
0x136: {  	v6 =	vadd.f32 v10, v6;
	v20 =	vld [tilespmem:s2+$0x18600];
	vm6 =	vlt.s32 v14, $0x8200;
	v4 =	vadd.f32 v11, v4  }
0x137: {  	v21 =	vld [tilespmem:s2+$0x18610];
	vm1 =	vlt.s32 v15, $0x8200;
	v0 =	vadd.f32 v8, v0  }
0x138: {  	v22 =	vld [tilespmem:s2+$0x18620];
	vm3 =	vlt.s32 v12, $0x8200  }
0x139: {  	vm2 =	vlt.s32 v16, $0x8200;
	v8 =	vld.idx.msk [tilespmem:v19+s21+$0x0], vm7  }
0x13a: {  	vm0 =	vlt.s32 v17, $0x8200;
	v11 =	vld [tilespmem:s2+$0x18670]  }
0x13b: {  	v18 =	vld.idx.msk [tilespmem:v18+s21+$0x0], vm4  }
0x13c: {  	v13 =	vld.idx.msk [tilespmem:v13+s21+$0x0], vm5  }
0x13d: {  	v14 =	vld.idx.msk [tilespmem:v14+s21+$0x0], vm6  }
0x13e: {  	v9 =	vld.idx.msk [tilespmem:v15+s21+$0x0], vm1  }
0x13f: {  	v10 =	vld.idx.msk [tilespmem:v12+s21+$0x0], vm3;
	v12 =	vsub.f32 v11, v8  }
0x140: {  	v11 =	vld.idx.msk [tilespmem:v16+s21+$0x0], vm2  }
.Ltmp3:
0x141: {  	v15 =	vsub.f32 v20, v18;
	v8 =	vld.idx.msk [tilespmem:v17+s21+$0x0], vm0;
	v12 =	vnsel vm7, $0x0, v12;
	(pc) =	sbr.rel @p0 .LBB2_8-.Ltmp3, $4  }
0x142: {  	v17 =	vsub.f32 v21, v13;
	v13 =	vld [tilespmem:s2+$0x18630];
	v12 =	vmul.f32 v12, v12  }
0x143: {  	v15 =	vnsel vm4, $0x0, v15;
	v18 =	vsub.f32 v22, v14;
	v14 =	vld [tilespmem:s2+$0x18640]  }
0x144: {  	v16 =	vmul.f32 v15, v15;
	v17 =	vnsel vm5, $0x0, v17;
	v15 =	vld [tilespmem:s2+$0x18650];
	v1 =	vadd.f32 v12, v1  }
0x145: {  	v17 =	vmul.f32 v17, v17;
	v18 =	vnsel vm6, $0x0, v18;
	v12 =	vld [tilespmem:s2+$0x18660];
	s2 =	sshra.s32 s1, $0x2;
	s1 =	sadd.s32 $0x200, s1  }
0x146: {  	v19 =	vld [tilespmem:s2+$0x10670]  }
0x147: {  	v20 =	vld [tilespmem:s2+$0x10600]  }
0x148: {  	v21 =	vld [tilespmem:s2+$0x10610]  }
0x149: {  	v22 =	vld [tilespmem:s2+$0x10620]  }
0x14a: {  	v23 =	vld [tilespmem:s2+$0x10630]  }
0x14b: {  	v24 =	vld [tilespmem:s2+$0x10640]  }
0x14c: {  	v25 =	vld [tilespmem:s2+$0x10650]  }
0x14d: {  	v26 =	vld [tilespmem:s2+$0x10660]  }
0x14e: {  	v27 =	vld [tilespmem:s2+$0x18600]  }
0x14f: {  	v28 =	vld [tilespmem:s2+$0x18610]  }
0x150: {  	v29 =	vld [tilespmem:s2+$0x18620];
	vm11 =	vlt.s32 v19, $0x8200  }
0x151: {  	v30 =	vld [tilespmem:s2+$0x18670];
	vm8 =	vlt.s32 v20, $0x8200  }
0x152: {  	v31 =	vld [tilespmem:s2+$0x18630];
	vm10 =	vlt.s32 v21, $0x8200  }
0x153: {  	v32 =	vld [tilespmem:s2+$0x18640];
	vm9 =	vlt.s32 v22, $0x8200  }
0x154: {  	v33 =	vld [tilespmem:s2+$0x18650];
	vm4 =	vlt.s32 v23, $0x8200  }
0x155: {  	v34 =	vld [tilespmem:s2+$0x18660];
	vm7 =	vlt.s32 v24, $0x8200  }
0x156: {  	vm6 =	vlt.s32 v25, $0x8200;
	v19 =	vld.idx.msk [tilespmem:v19+s21+$0x0], vm11  }
0x157: {  	vm5 =	vlt.s32 v26, $0x8200;
	v20 =	vld.idx.msk [tilespmem:v20+s21+$0x0], vm8  }
0x158: {  	v21 =	vld.idx.msk [tilespmem:v21+s21+$0x0], vm10  }
0x159: {  	v22 =	vld.idx.msk [tilespmem:v22+s21+$0x0], vm9  }
0x15a: {  	v23 =	vld.idx.msk [tilespmem:v23+s21+$0x0], vm4  }
0x15b: {  	v24 =	vld.idx.msk [tilespmem:v24+s21+$0x0], vm7  }
0x15c: {  	v25 =	vld.idx.msk [tilespmem:v25+s21+$0x0], vm6  }
0x15d: {  	v26 =	vld.idx.msk [tilespmem:v26+s21+$0x0], vm5;
	[tilespmem:s21], [sflag:$0x2] =	stream.strided.gather [hbm4b:s12+s17], $0x8280, s18, s17, $0x38;
	[tilespmem:$0x1C680] =	vst v63  }
0x15e: {  	s1 =	simm.s32 $0x0;
	v7 =	vadd.f32 v16, v7;
	v9 =	vsub.f32 v13, v9  }
0x15f: {  	v13 =	vmul.f32 v18, v18;
	v10 =	vsub.f32 v14, v10;
	v11 =	vsub.f32 v15, v11;
	[tilespmem:s29], [sflag:$0x2] =	stream.linear.gather [hbm4b:s13+s1], $0x80, $0x38;
	[tilespmem:$0x1C680] =	vst v63  }
0x160: {  	v5 =	vadd.f32 v17, v5;
	v9 =	vnsel vm1, $0x0, v9;
	v8 =	vsub.f32 v12, v8;
	_ =	swait.ge [sflag:s24], $0x8200  }
0x161: {  	v10 =	vnsel vm3, $0x0, v10;
	v9 =	vmul.f32 v9, v9;
	v11 =	vnsel vm2, $0x0, v11;
	[sflag:s24] =	ssyncset.done $0x0  }
0x162: {  	s16 =	simm.s32 $0x0;
	v10 =	vmul.f32 v10, v10;
	v11 =	vmul.f32 v11, v11;
	v8 =	vnsel vm0, $0x0, v8;
	[sflag:s24] =	ssyncadd.s32 $0xFFFF7E00  }
0x163: {  	v2 =	vadd.f32 v13, v2;
	v3 =	vadd.f32 v9, v3;
	v8 =	vmul.f32 v8, v8;
	v14 =	vld [tilespmem:s16+$0x10670]  }
0x164: {  	v10 =	vadd.f32 v10, v6;
	v11 =	vadd.f32 v11, v4;
	v12 =	vld [tilespmem:s16+$0x10600]  }
0x165: {  	v0 =	vadd.f32 v8, v0;
	v6 =	vsub.f32 v30, v19;
	v9 =	vld [tilespmem:s16+$0x10610]  }
0x166: {  	v4 =	vsub.f32 v27, v20;
	v16 =	vsub.f32 v28, v21;
	v13 =	vld [tilespmem:s16+$0x10620]  }
0x167: {  	v18 =	vsub.f32 v29, v22;
	v57 =	vsub.f32 v31, v23;
	v15 =	vld [tilespmem:s16+$0x10630]  }
0x168: {  	v24 =	vsub.f32 v32, v24;
	v25 =	vsub.f32 v33, v25;
	v17 =	vld [tilespmem:s16+$0x10640]  }
0x169: {  	v19 =	vld [tilespmem:s16+$0x10650];
	v6 =	vnsel vm11, $0x0, v6;
	v4 =	vnsel vm8, $0x0, v4;
	v14 =	vadd.s32 $0xFFFF7E00, v14  }
0x16a: {  	v55 =	vld [tilespmem:s16+$0x10660];
	v16 =	vnsel vm10, $0x0, v16;
	v12 =	vadd.s32 $0xFFFF7E00, v12;
	vm13 =	vlt.u32 v14, $0x8200  }
0x16b: {  	v56 =	vld [tilespmem:s16+$0x18600];
	v18 =	vnsel vm9, $0x0, v18;
	v9 =	vadd.s32 $0xFFFF7E00, v9;
	vm14 =	vlt.u32 v12, $0x8200  }
0x16c: {  	v58 =	vld [tilespmem:s16+$0x18610];
	v22 =	vnsel vm4, $0x0, v57;
	v13 =	vadd.s32 $0xFFFF7E00, v13;
	vm15 =	vlt.u32 v9, $0x8200  }
0x16d: {  	v59 =	vld [tilespmem:s16+$0x18620];
	v24 =	vnsel vm7, $0x0, v24;
	v15 =	vadd.s32 $0xFFFF7E00, v15;
	vm3 =	vlt.u32 v13, $0x8200  }
0x16e: {  	v60 =	vld [tilespmem:s16+$0x18630];
	v6 =	vmul.f32 v6, v6;
	v17 =	vadd.s32 $0xFFFF7E00, v17;
	vm4 =	vlt.u32 v15, $0x8200  }
0x16f: {  	v61 =	vld [tilespmem:s16+$0x18670];
	v4 =	vmul.f32 v4, v4;
	v19 =	vadd.s32 $0xFFFF7E00, v19;
	vm2 =	vlt.u32 v17, $0x8200  }
0x170: {  	v8 =	vmul.f32 v18, v18;
	v20 =	vadd.s32 $0xFFFF7E00, v55;
	vm1 =	vlt.u32 v19, $0x8200;
	v14 =	vld.idx.msk [tilespmem:v14+s3+$0x0], vm13  }
0x171: {  	v18 =	vmul.f32 v22, v22;
	v1 =	vadd.f32 v6, v1;
	vm0 =	vlt.u32 v20, $0x8200;
	v12 =	vld.idx.msk [tilespmem:v12+s3+$0x0], vm14  }
0x172: {  	v6 =	vmul.f32 v16, v16;
	v4 =	vadd.f32 v4, v7;
	v7 =	vsub.f32 v34, v26;
	v16 =	vld.idx.msk [tilespmem:v9+s3+$0x0], vm15  }
0x173: {  	v25 =	vnsel vm6, $0x0, v25;
	v62 =	vmul.f32 v24, v24;
	v13 =	vld.idx.msk [tilespmem:v13+s3+$0x0], vm3  }
0x174: {  	v3 =	vadd.f32 v18, v3;
	v5 =	vadd.f32 v6, v5;
	v7 =	vnsel vm5, $0x0, v7;
	v63 =	vld.idx.msk [tilespmem:v15+s3+$0x0], vm4  }
0x175: {  	v18 =	vmul.f32 v7, v7;
	v9 =	vld.idx.msk [tilespmem:v17+s3+$0x0], vm2;
	v15 =	vmul.f32 v25, v25;
	v14 =	vsub.f32 v61, v14  }
0x176: {  	v6 =	vadd.f32 v8, v2;
	v2 =	vadd.f32 v62, v10;
	v10 =	vld.idx.msk [tilespmem:v19+s3+$0x0], vm1  }
0x177: {  	v0 =	vadd.f32 v18, v0;
	v8 =	vld.idx.msk [tilespmem:v20+s3+$0x0], vm0;
	v7 =	vadd.f32 v15, v11;
	v14 =	vnsel vm13, $0x0, v14  }
0x178: {  	v17 =	vsub.f32 v56, v12;
	v11 =	vsub.f32 v58, v16;
	v12 =	vld [tilespmem:s16+$0x18640];
	v19 =	vmul.f32 v14, v14  }
0x179: {  	v15 =	vsub.f32 v59, v13;
	v13 =	vld [tilespmem:s16+$0x18650];
	v16 =	vsub.f32 v60, v63  }
0x17a: {  	s2 =	simm.s32 $0x80;
	s1 =	simm.s32 $0x400;
	v14 =	vnsel vm14, $0x0, v17;
	v17 =	vnsel vm15, $0x0, v11;
	v11 =	vld [tilespmem:s16+$0x18660];
	v1 =	vadd.f32 v19, v1  }
.LBB2_10:
0x17b: {  	p0 =	sne.s32 s1, $0xFE00;
	v18 =	vld [tilespmem:s2+$0x10670];
	v14 =	vmul.f32 v14, v14;
	v17 =	vmul.f32 v17, v17;
	v15 =	vnsel vm3, $0x0, v15  }
0x17c: {  	v19 =	vld [tilespmem:s2+$0x10600];
	v15 =	vmul.f32 v15, v15;
	v16 =	vnsel vm4, $0x0, v16  }
0x17d: {  	v20 =	vld [tilespmem:s2+$0x10610];
	v4 =	vadd.f32 v14, v4;
	v14 =	vmul.f32 v16, v16;
	v9 =	vsub.f32 v12, v9  }
0x17e: {  	v5 =	vadd.f32 v17, v5;
	v12 =	vld [tilespmem:s2+$0x10620];
	v10 =	vsub.f32 v13, v10  }
0x17f: {  	v6 =	vadd.f32 v15, v6;
	v13 =	vld [tilespmem:s2+$0x10630];
	v9 =	vnsel vm2, $0x0, v9;
	v8 =	vsub.f32 v11, v8  }
0x180: {  	v11 =	vld [tilespmem:s2+$0x10640];
	v15 =	vadd.s32 $0xFFFF7E00, v18;
	v9 =	vmul.f32 v9, v9;
	v10 =	vnsel vm1, $0x0, v10  }
0x181: {  	v16 =	vadd.s32 $0xFFFF7E00, v19;
	v17 =	vld [tilespmem:s2+$0x10650];
	vm7 =	vlt.u32 v15, $0x8200;
	v8 =	vnsel vm0, $0x0, v8  }
0x182: {  	v10 =	vmul.f32 v10, v10;
	vm5 =	vlt.u32 v16, $0x8200;
	v18 =	vadd.s32 $0xFFFF7E00, v20;
	v19 =	vld [tilespmem:s2+$0x10660]  }
0x183: {  	v8 =	vmul.f32 v8, v8;
	v20 =	vld [tilespmem:s2+$0x18600];
	vm6 =	vlt.u32 v18, $0x8200;
	v12 =	vadd.s32 $0xFFFF7E00, v12  }
0x184: {  	v3 =	vadd.f32 v14, v3;
	v21 =	vld [tilespmem:s2+$0x18610];
	vm3 =	vlt.u32 v12, $0x8200;
	v13 =	vadd.s32 $0xFFFF7E00, v13  }
0x185: {  	v2 =	vadd.f32 v9, v2;
	v22 =	vld [tilespmem:s2+$0x18620];
	vm4 =	vlt.u32 v13, $0x8200;
	v11 =	vadd.s32 $0xFFFF7E00, v11  }
0x186: {  	v7 =	vadd.f32 v10, v7;
	v23 =	vld [tilespmem:s2+$0x18630];
	vm2 =	vlt.u32 v11, $0x8200;
	v14 =	vadd.s32 $0xFFFF7E00, v17  }
0x187: {  	v0 =	vadd.f32 v8, v0;
	vm1 =	vlt.u32 v14, $0x8200;
	v17 =	vadd.s32 $0xFFFF7E00, v19;
	v10 =	vld.idx.msk [tilespmem:v15+s3+$0x0], vm7  }
0x188: {  	vm0 =	vlt.u32 v17, $0x8200;
	v8 =	vld [tilespmem:s2+$0x18670]  }
0x189: {  	v15 =	vld.idx.msk [tilespmem:v16+s3+$0x0], vm5  }
0x18a: {  	v16 =	vld.idx.msk [tilespmem:v18+s3+$0x0], vm6  }
0x18b: {  	v18 =	vld.idx.msk [tilespmem:v12+s3+$0x0], vm3  }
0x18c: {  	v19 =	vld.idx.msk [tilespmem:v13+s3+$0x0], vm4  }
0x18d: {  	v9 =	vld.idx.msk [tilespmem:v11+s3+$0x0], vm2;
	v11 =	vsub.f32 v8, v10  }
.Ltmp4:
0x18e: {  	v10 =	vld.idx.msk [tilespmem:v14+s3+$0x0], vm1;
	(pc) =	sbr.rel @p0 .LBB2_10-.Ltmp4, $4  }
0x18f: {  	v13 =	vsub.f32 v20, v15;
	v8 =	vld.idx.msk [tilespmem:v17+s3+$0x0], vm0;
	v11 =	vnsel vm7, $0x0, v11  }
0x190: {  	v16 =	vsub.f32 v21, v16;
	v12 =	vld [tilespmem:s2+$0x18640];
	v20 =	vmul.f32 v11, v11  }
0x191: {  	v14 =	vnsel vm5, $0x0, v13;
	v15 =	vsub.f32 v22, v18;
	v13 =	vld [tilespmem:s2+$0x18650]  }
0x192: {  	v17 =	vnsel vm6, $0x0, v16;
	v16 =	vsub.f32 v23, v19;
	v11 =	vld [tilespmem:s2+$0x18660];
	s2 =	sshra.s32 s1, $0x2;
	s1 =	sadd.s32 $0x200, s1;
	v1 =	vadd.f32 v20, v1  }
0x193: {  	v18 =	vld [tilespmem:s2+$0x10670]  }
0x194: {  	v19 =	vld [tilespmem:s2+$0x10600]  }
0x195: {  	v20 =	vld [tilespmem:s2+$0x10610]  }
0x196: {  	v21 =	vld [tilespmem:s2+$0x10620]  }
0x197: {  	v22 =	vld [tilespmem:s2+$0x10630]  }
0x198: {  	v23 =	vld [tilespmem:s2+$0x10640]  }
0x199: {  	v24 =	vld [tilespmem:s2+$0x10650]  }
0x19a: {  	v25 =	vld [tilespmem:s2+$0x10660]  }
0x19b: {  	v26 =	vld [tilespmem:s2+$0x18600]  }
0x19c: {  	v27 =	vld [tilespmem:s2+$0x18610];
	v18 =	vadd.s32 $0xFFFF7E00, v18  }
0x19d: {  	v28 =	vld [tilespmem:s2+$0x18620];
	v19 =	vadd.s32 $0xFFFF7E00, v19;
	vm11 =	vlt.u32 v18, $0x8200  }
0x19e: {  	v29 =	vld [tilespmem:s2+$0x18630];
	v20 =	vadd.s32 $0xFFFF7E00, v20;
	vm8 =	vlt.u32 v19, $0x8200  }
0x19f: {  	v30 =	vld [tilespmem:s2+$0x18670];
	v21 =	vadd.s32 $0xFFFF7E00, v21;
	vm9 =	vlt.u32 v20, $0x8200  }
0x1a0: {  	v31 =	vld [tilespmem:s2+$0x18640];
	v22 =	vadd.s32 $0xFFFF7E00, v22;
	vm10 =	vlt.u32 v21, $0x8200  }
0x1a1: {  	v32 =	vld [tilespmem:s2+$0x18650];
	v23 =	vadd.s32 $0xFFFF7E00, v23;
	vm12 =	vlt.u32 v22, $0x8200  }
0x1a2: {  	v33 =	vld [tilespmem:s2+$0x18660];
	v24 =	vadd.s32 $0xFFFF7E00, v24;
	vm7 =	vlt.u32 v23, $0x8200  }
0x1a3: {  	v25 =	vadd.s32 $0xFFFF7E00, v25;
	vm6 =	vlt.u32 v24, $0x8200;
	v18 =	vld.idx.msk [tilespmem:v18+s3+$0x0], vm11  }
0x1a4: {  	vm5 =	vlt.u32 v25, $0x8200;
	v19 =	vld.idx.msk [tilespmem:v19+s3+$0x0], vm8  }
0x1a5: {  	v20 =	vld.idx.msk [tilespmem:v20+s3+$0x0], vm9  }
0x1a6: {  	v21 =	vld.idx.msk [tilespmem:v21+s3+$0x0], vm10  }
0x1a7: {  	v22 =	vld.idx.msk [tilespmem:v22+s3+$0x0], vm12  }
0x1a8: {  	v23 =	vld.idx.msk [tilespmem:v23+s3+$0x0], vm7  }
0x1a9: {  	v24 =	vld.idx.msk [tilespmem:v24+s3+$0x0], vm6  }
0x1aa: {  	v25 =	vld.idx.msk [tilespmem:v25+s3+$0x0], vm5;
	_ =	swait.ge [sflag:s26], $0x8280  }
0x1ab: {  	v9 =	vsub.f32 v12, v9;
	v12 =	vnsel vm3, $0x0, v15;
	v15 =	vmul.f32 v17, v17;
	[sflag:s26] =	ssyncset.done $0x0  }
0x1ac: {  	v10 =	vsub.f32 v13, v10;
	v13 =	vmul.f32 v14, v14;
	v14 =	vnsel vm4, $0x0, v16;
	[sflag:s26] =	ssyncadd.s32 $0xFFFF7D80  }
0x1ad: {  	v12 =	vmul.f32 v12, v12;
	v9 =	vnsel vm2, $0x0, v9;
	v8 =	vsub.f32 v11, v8;
	_ =	swait.ge [sflag:s26], $0x80  }
0x1ae: {  	v10 =	vnsel vm1, $0x0, v10;
	v4 =	vadd.f32 v13, v4;
	v13 =	vmul.f32 v14, v14;
	[sflag:s26] =	ssyncset.done $0x0  }
0x1af: {  	s16 =	simm.s32 $0x0;
	v12 =	vadd.f32 v12, v6;
	v6 =	vmul.f32 v9, v9;
	v8 =	vnsel vm0, $0x0, v8;
	[sflag:s26] =	ssyncadd.s32 $0xFFFFFF80  }
0x1b0: {  	v5 =	vadd.f32 v15, v5;
	v9 =	vmul.f32 v10, v10;
	v8 =	vmul.f32 v8, v8;
	v11 =	vld [tilespmem:s16+$0x10670]  }
0x1b1: {  	v3 =	vadd.f32 v13, v3;
	v2 =	vadd.f32 v6, v2;
	v10 =	vld [tilespmem:s16+$0x10600]  }
0x1b2: {  	v15 =	vadd.f32 v9, v7;
	v0 =	vadd.f32 v8, v0;
	v14 =	vld [tilespmem:s16+$0x10610]  }
0x1b3: {  	v13 =	vsub.f32 v30, v18;
	v7 =	vsub.f32 v26, v19;
	v6 =	vld [tilespmem:s16+$0x10620]  }
0x1b4: {  	v17 =	vsub.f32 v28, v21;
	v18 =	vsub.f32 v29, v22;
	v16 =	vld [tilespmem:s16+$0x10630]  }
0x1b5: {  	v57 =	vsub.f32 v31, v23;
	v24 =	vsub.f32 v32, v24;
	v19 =	vld [tilespmem:s16+$0x10640]  }
0x1b6: {  	v9 =	vnsel vm11, $0x0, v13;
	v13 =	vsub.f32 v27, v20;
	v20 =	vld [tilespmem:s16+$0x10650];
	vm4 =	vgt.s32 v11, $0x103FF  }
0x1b7: {  	v25 =	vsub.f32 v33, v25;
	v56 =	vld [tilespmem:s16+$0x10660];
	v11 =	vadd.s32 $0xFFFEFC00, v11;
	vm13 =	vgt.s32 v10, $0x103FF  }
0x1b8: {  	v58 =	vld [tilespmem:s16+$0x18600];
	v7 =	vnsel vm8, $0x0, v7;
	v10 =	vadd.s32 $0xFFFEFC00, v10;
	vm14 =	vgt.s32 v14, $0x103FF  }
0x1b9: {  	v59 =	vld [tilespmem:s16+$0x18610];
	v17 =	vnsel vm10, $0x0, v17;
	v14 =	vadd.s32 $0xFFFEFC00, v14;
	vm15 =	vgt.s32 v6, $0x103FF  }
0x1ba: {  	v60 =	vld [tilespmem:s16+$0x18620];
	v18 =	vnsel vm12, $0x0, v18;
	v6 =	vadd.s32 $0xFFFEFC00, v6;
	vm3 =	vgt.s32 v16, $0x103FF  }
0x1bb: {  	v62 =	vld [tilespmem:s16+$0x18670];
	v22 =	vnsel vm7, $0x0, v57;
	v16 =	vadd.s32 $0xFFFEFC00, v16;
	vm1 =	vgt.s32 v20, $0x103FF  }
0x1bc: {  	v24 =	vnsel vm6, $0x0, v24;
	vm2 =	vgt.s32 v19, $0x103FF;
	v20 =	vadd.s32 $0xFFFEFC00, v20;
	v61 =	vld.idx.msk [tilespmem:v11+s21+$0x0], vm4  }
0x1bd: {  	v9 =	vmul.f32 v9, v9;
	v19 =	vadd.s32 $0xFFFEFC00, v19;
	vm0 =	vgt.s32 v56, $0x103FF;
	v63 =	vld.idx.msk [tilespmem:v10+s21+$0x0], vm13  }
0x1be: {  	v7 =	vmul.f32 v7, v7;
	v13 =	vnsel vm9, $0x0, v13;
	v21 =	vadd.s32 $0xFFFEFC00, v56;
	v14 =	vld.idx.msk [tilespmem:v14+s21+$0x0], vm14  }
0x1bf: {  	v25 =	vnsel vm5, $0x0, v25;
	v8 =	vmul.f32 v13, v13;
	v10 =	vmul.f32 v17, v17;
	v13 =	vld.idx.msk [tilespmem:v6+s21+$0x0], vm15  }
0x1c0: {  	v7 =	vadd.f32 v7, v4;
	v17 =	vadd.f32 v9, v1;
	v1 =	vmul.f32 v18, v18;
	v11 =	vld.idx.msk [tilespmem:v16+s21+$0x0], vm3  }
0x1c1: {  	v6 =	vadd.f32 v8, v5;
	v8 =	vmul.f32 v22, v22;
	v9 =	vld.idx.msk [tilespmem:v20+s21+$0x0], vm1;
	v5 =	vadd.f32 v10, v12  }
0x1c2: {  	v10 =	vld.idx.msk [tilespmem:v19+s21+$0x0], vm2;
	v4 =	vadd.f32 v1, v3;
	v1 =	vmul.f32 v24, v24;
	v3 =	vsub.f32 v62, v61  }
0x1c3: {  	v2 =	vadd.f32 v8, v2;
	v12 =	vmul.f32 v25, v25;
	v8 =	vld.idx.msk [tilespmem:v21+s21+$0x0], vm0;
	v16 =	vsub.f32 v58, v63  }
0x1c4: {  	v1 =	vadd.f32 v1, v15;
	v18 =	vsub.f32 v59, v14;
	v14 =	vld [tilespmem:s16+$0x18630];
	v3 =	vnsel vm4, $0x0, v3  }
0x1c5: {  	v15 =	vld [tilespmem:s16+$0x18640];
	v20 =	vsub.f32 v60, v13;
	v16 =	vnsel vm13, $0x0, v16;
	v19 =	vmul.f32 v3, v3  }
0x1c6: {  	v13 =	vld [tilespmem:s16+$0x18650];
	v3 =	vadd.f32 v12, v0;
	v16 =	vmul.f32 v16, v16;
	v12 =	vnsel vm14, $0x0, v18  }
0x1c7: {  	s2 =	simm.s32 $0x80;
	s1 =	simm.s32 $0x400;
	v18 =	vnsel vm15, $0x0, v20;
	v0 =	vadd.f32 v19, v17;
	v17 =	vmul.f32 v12, v12;
	v12 =	vld [tilespmem:s16+$0x18660]  }
.LBB2_12:
0x1c8: {  	p0 =	sne.s32 s1, $0xFE00;
	v19 =	vld [tilespmem:s2+$0x10670];
	v7 =	vadd.f32 v16, v7;
	v16 =	vmul.f32 v18, v18  }
0x1c9: {  	v18 =	vld [tilespmem:s2+$0x10600];
	v6 =	vadd.f32 v17, v6;
	v11 =	vsub.f32 v14, v11  }
0x1ca: {  	v14 =	vld [tilespmem:s2+$0x10610];
	v5 =	vadd.f32 v16, v5;
	v10 =	vsub.f32 v15, v10  }
0x1cb: {  	v15 =	vld [tilespmem:s2+$0x10620];
	v11 =	vnsel vm3, $0x0, v11;
	v9 =	vsub.f32 v13, v9  }
0x1cc: {  	v13 =	vld [tilespmem:s2+$0x10630];
	v11 =	vmul.f32 v11, v11;
	v10 =	vnsel vm2, $0x0, v10;
	v8 =	vsub.f32 v12, v8  }
0x1cd: {  	v12 =	vld [tilespmem:s2+$0x10640];
	vm7 =	vgt.s32 v19, $0x103FF;
	v10 =	vmul.f32 v10, v10;
	v9 =	vnsel vm1, $0x0, v9  }
0x1ce: {  	vm4 =	vgt.s32 v18, $0x103FF;
	v16 =	vadd.s32 $0xFFFEFC00, v18;
	v17 =	vld [tilespmem:s2+$0x10650];
	v18 =	vadd.s32 $0xFFFEFC00, v19  }
0x1cf: {  	v8 =	vnsel vm0, $0x0, v8;
	vm5 =	vgt.s32 v14, $0x103FF;
	v14 =	vadd.s32 $0xFFFEFC00, v14;
	v19 =	vld [tilespmem:s2+$0x10660]  }
0x1d0: {  	v9 =	vmul.f32 v9, v9;
	v20 =	vld [tilespmem:s2+$0x18600];
	vm6 =	vgt.s32 v15, $0x103FF;
	v15 =	vadd.s32 $0xFFFEFC00, v15  }
0x1d1: {  	v8 =	vmul.f32 v8, v8;
	v21 =	vld [tilespmem:s2+$0x18610];
	vm3 =	vgt.s32 v13, $0x103FF;
	v13 =	vadd.s32 $0xFFFEFC00, v13  }
0x1d2: {  	v4 =	vadd.f32 v11, v4;
	v22 =	vld [tilespmem:s2+$0x18620];
	vm2 =	vgt.s32 v12, $0x103FF;
	v12 =	vadd.s32 $0xFFFEFC00, v12  }
0x1d3: {  	v2 =	vadd.f32 v10, v2;
	vm1 =	vgt.s32 v17, $0x103FF;
	v17 =	vadd.s32 $0xFFFEFC00, v17;
	v18 =	vld.idx.msk [tilespmem:v18+s21+$0x0], vm7  }
0x1d4: {  	v1 =	vadd.f32 v9, v1;
	vm0 =	vgt.s32 v19, $0x103FF;
	v19 =	vadd.s32 $0xFFFEFC00, v19;
	v23 =	vld [tilespmem:s2+$0x18670]  }
0x1d5: {  	v3 =	vadd.f32 v8, v3;
	v16 =	vld.idx.msk [tilespmem:v16+s21+$0x0], vm4  }
0x1d6: {  	v14 =	vld.idx.msk [tilespmem:v14+s21+$0x0], vm5  }
0x1d7: {  	v15 =	vld.idx.msk [tilespmem:v15+s21+$0x0], vm6  }
0x1d8: {  	v11 =	vld.idx.msk [tilespmem:v13+s21+$0x0], vm3  }
0x1d9: {  	v10 =	vld.idx.msk [tilespmem:v12+s21+$0x0], vm2;
	v12 =	vsub.f32 v23, v18  }
0x1da: {  	v9 =	vld.idx.msk [tilespmem:v17+s21+$0x0], vm1  }
.Ltmp5:
0x1db: {  	v13 =	vsub.f32 v20, v16;
	v8 =	vld.idx.msk [tilespmem:v19+s21+$0x0], vm0;
	v12 =	vnsel vm7, $0x0, v12;
	(pc) =	sbr.rel @p0 .LBB2_12-.Ltmp5, $4  }
0x1dc: {  	v17 =	vsub.f32 v21, v14;
	v14 =	vld [tilespmem:s2+$0x18630];
	v12 =	vmul.f32 v12, v12  }
0x1dd: {  	v13 =	vnsel vm4, $0x0, v13;
	v18 =	vsub.f32 v22, v15;
	v15 =	vld [tilespmem:s2+$0x18640]  }
0x1de: {  	v16 =	vmul.f32 v13, v13;
	v17 =	vnsel vm5, $0x0, v17;
	v13 =	vld [tilespmem:s2+$0x18650];
	v0 =	vadd.f32 v12, v0  }
0x1df: {  	v17 =	vmul.f32 v17, v17;
	v18 =	vnsel vm6, $0x0, v18;
	v12 =	vld [tilespmem:s2+$0x18660];
	s2 =	sshra.s32 s1, $0x2;
	s1 =	sadd.s32 $0x200, s1  }
0x1e0: {  	v19 =	vld [tilespmem:s2+$0x10600]  }
0x1e1: {  	v20 =	vld [tilespmem:s2+$0x10610];
	_ =	sdelay $0x1  }
0x1e2: {  	v21 =	vld [tilespmem:s2+$0x10620]  }
0x1e3: {  	v22 =	vld [tilespmem:s2+$0x10670]  }
0x1e4: {  	v23 =	vld [tilespmem:s2+$0x10630];
	vm8 =	vgt.s32 v19, $0x103FF  }
0x1e5: {  	v24 =	vld [tilespmem:s2+$0x10640];
	v19 =	vadd.s32 $0xFFFEFC00, v19;
	vm7 =	vgt.s32 v20, $0x103FF  }
0x1e6: {  	v25 =	vld [tilespmem:s2+$0x10650];
	v20 =	vadd.s32 $0xFFFEFC00, v20  }
0x1e7: {  	v26 =	vld [tilespmem:s2+$0x10660];
	vm6 =	vgt.s32 v21, $0x103FF  }
0x1e8: {  	v27 =	vld [tilespmem:s2+$0x18600];
	v21 =	vadd.s32 $0xFFFEFC00, v21  }
0x1e9: {  	v28 =	vld [tilespmem:s2+$0x18610];
	v7 =	vadd.f32 v16, v7;
	vm5 =	vgt.s32 v23, $0x103FF  }
0x1ea: {  	v48 =	vmul.f32 v18, v18;
	v11 =	vsub.f32 v14, v11;
	v44 =	vadd.s32 $0xFFFEFC00, v23;
	v19 =	vld.idx.msk [tilespmem:v19+s21+$0x0], vm8  }
0x1eb: {  	v6 =	vadd.f32 v17, v6;
	v10 =	vsub.f32 v15, v10;
	vm4 =	vgt.s32 v24, $0x103FF;
	v20 =	vld.idx.msk [tilespmem:v20+s21+$0x0], vm7  }
0x1ec: {  	v45 =	vld [tilespmem:s2+$0x18620];
	v5 =	vadd.f32 v48, v5;
	v11 =	vnsel vm3, $0x0, v11;
	v46 =	vadd.s32 $0xFFFEFC00, v24  }
0x1ed: {  	v9 =	vsub.f32 v13, v9;
	v10 =	vnsel vm2, $0x0, v10;
	vm13 =	vgt.s32 v25, $0x103FF;
	v47 =	vld.idx.msk [tilespmem:v21+s21+$0x0], vm6  }
0x1ee: {  	v51 =	vld [tilespmem:s2+$0x18630];
	v8 =	vsub.f32 v12, v8;
	v11 =	vmul.f32 v11, v11;
	v49 =	vadd.s32 $0xFFFEFC00, v25  }
0x1ef: {  	v9 =	vnsel vm1, $0x0, v9;
	vm14 =	vgt.s32 v26, $0x103FF;
	v50 =	vadd.s32 $0xFFFEFC00, v26;
	v14 =	vld.idx.msk [tilespmem:v44+s21+$0x0], vm5  }
0x1f0: {  	v53 =	vld [tilespmem:s2+$0x18640];
	vm15 =	vgt.s32 v22, $0x103FF;
	v19 =	vsub.f32 v27, v19;
	v20 =	vsub.f32 v28, v20  }
0x1f1: {  	v52 =	vadd.s32 $0xFFFEFC00, v22;
	v10 =	vmul.f32 v10, v10;
	v9 =	vmul.f32 v9, v9;
	v16 =	vld.idx.msk [tilespmem:v46+s21+$0x0], vm4  }
0x1f2: {  	v54 =	vld [tilespmem:s2+$0x18650];
	v13 =	vsub.f32 v45, v47;
	v19 =	vnsel vm8, $0x0, v19;
	v20 =	vnsel vm7, $0x0, v20  }
0x1f3: {  	v8 =	vnsel vm0, $0x0, v8;
	v18 =	vld.idx.msk [tilespmem:v49+s21+$0x0], vm13;
	v19 =	vmul.f32 v19, v19;
	v20 =	vmul.f32 v20, v20  }
0x1f4: {  	v55 =	vld [tilespmem:s2+$0x18660];
	v4 =	vadd.f32 v11, v4;
	v14 =	vsub.f32 v51, v14;
	v13 =	vnsel vm6, $0x0, v13  }
0x1f5: {  	v12 =	vld.idx.msk [tilespmem:v50+s21+$0x0], vm14;
	v13 =	vmul.f32 v13, v13;
	v7 =	vadd.f32 v19, v7;
	v6 =	vadd.f32 v20, v6  }
0x1f6: {  	v57 =	vld [tilespmem:s2+$0x18670];
	v8 =	vmul.f32 v8, v8;
	v15 =	vsub.f32 v53, v16;
	v14 =	vnsel vm5, $0x0, v14  }
0x1f7: {  	v56 =	vld.idx.msk [tilespmem:v52+s21+$0x0], vm15;
	v58 =	vmul.f32 v14, v14;
	v5 =	vadd.f32 v13, v5;
	v6 =	vadd.f32 v6, v7  }
0x1f8: {  	v2 =	vadd.f32 v10, v2;
	v59 =	vsub.f32 v54, v18;
	v60 =	vnsel vm4, $0x0, v15  }
0x1f9: {  	v10 =	vmul.f32 v60, v60;
	v4 =	vadd.f32 v58, v4;
	v5 =	vadd.f32 v5, v6  }
0x1fa: {  	v1 =	vadd.f32 v9, v1;
	v61 =	vsub.f32 v55, v12;
	v7 =	vnsel vm13, $0x0, v59  }
0x1fb: {  	v2 =	vadd.f32 v10, v2;
	v7 =	vmul.f32 v7, v7;
	v4 =	vadd.f32 v4, v5  }
0x1fc: {  	v3 =	vadd.f32 v8, v3;
	v62 =	vsub.f32 v57, v56;
	v6 =	vnsel vm14, $0x0, v61  }
0x1fd: {  	v6 =	vmul.f32 v6, v6;
	v1 =	vadd.f32 v7, v1;
	v2 =	vadd.f32 v2, v4  }
0x1fe: {  	v63 =	vnsel vm15, $0x0, v62  }
0x1ff: {  	v3 =	vadd.f32 v6, v3;
	v4 =	vmul.f32 v63, v63;
	v1 =	vadd.f32 v1, v2;
	_ =	sdelay $0x1  }
0x200: {  	v0 =	vadd.f32 v4, v0;
	v1 =	vadd.f32 v3, v1;
	_ =	sdelay $0x1  }
0x201: {  	v0 =	vadd.f32 v0, v1;
	_ =	sdelay $0x1  }
0x202: {  	s0 =	sadd.s32 $0x1, s0;
	v0 =	vmul.f32 $5.000000000e-01, v0  }
0x203: {  	p0 =	sne.s32 s0, s15  }
.Ltmp6:
0x204: {  	[tilespmem:$0x1C600] =	vst v0;
	(pc) =	sbr.rel @p0 .LBB2_1-.Ltmp6, $4  }
0x205: {  	[hbm4b:s14+s3] =	stream.linear.scatter [tilespmem:s30], [sflag:$0x6], $0x80, $0x38;
	[tilespmem:$0x1C680] =	vst v63  }
0x206: {  	_ =	swait.ge [sflag:s31], $0x80  }
0x207: {  	[sflag:s31] =	ssyncset.done $0x0  }
0x208: {  	[sflag:s31] =	ssyncadd.s32 $0xFFFFFF80  }
0x209: {  	_ =	sfence.sel $0x180000  }
0x20a: {  	[bflag:$0x0] =	sbarrier.arrive $0xFFFF  }
0x20b: {  	_ =	strace $0x90000047  }
0x20c: {  	s0 =	stileid.u32;
	[bflag:$0x2] =	sbarrier.arrive $0xFFFF  }
0x20d: {  	p0 =	sne.s32 s0, $0x0;
	s0 =	rddreg [dreg:$0x4]  }
0x20e: {  	s0 =	sadd.s32 @!p0 $0x100000, s0  }
0x20f: {  	[sflag:s0] =	ssyncadd.tile.s32 @!p0 $0x1;
	_ =	shalt  }
.Lfunc_end2:
_tile_overlayer_lowered:
.L_overlay_start_2:
0x210: {  	(tag) =	ssettag $0x2  }
0x211: {  	s0 =	rddreg [dreg:$0x0];
	s2 =	stileid.u32  }
0x212: {  	s1 =	rddreg [dreg:$0x1];
	p0 =	sne.s32 s2, $0x0  }
0x213: {  	s3 =	rddreg [dreg:$0x2];
	[bflag:$0x3] =	sbarrier.arrive $0xFFFF;
	s2 =	simm.s32 @!p0 $0x1C06  }
0x214: {  	[timem:s3], [sflag:s2] =	dma.local @!p0 [hbm:s0], s1  }
0x215: {  	s0 =	simm.s32 @!p0 $0x6  }
0x216: {  	_ =	swait.ge @!p0 [sflag:s0], s1  }
0x217: {  	s1 =	ssub.s32 @!p0 $0x0, s1;
	[sflag:s0] =	ssyncset.done @!p0 $0x0  }
0x218: {  	[sflag:s0] =	ssyncadd.s32 @!p0 s1  }
0x219: {  	[bflag:$0x3] =	sbarrier.arrive $0xFFFF  }
0x21a: {  	_ =	shalt  }

</sc_bundles>
